<compile_context>
chip_gen: v7x
topology: tpu7x:2x2x1
jax: 0.10.2.dev20260603
libtpu: 0.0.44.dev20260713+nightly
codegen_flags: <defaults>
</compile_context>

<pallas_src>
import functools

import jax
import jax.numpy as jnp
from jax import lax
from jax.experimental import pallas as pl
from jax.experimental.pallas import tpu as pltpu
from jax.experimental.pallas import tpu_sc as plsc

B = 4096
L = 200
EMB = 64
HID = 256
NCLS = 10
POOL_W = 3 * EMB

_NC = 2
_NS = 16
_NW = _NC * _NS
_RW = B // _NW
_CHUNKS = ((0, 128), (128, 72))
_UNROLL = 8

def _sc_pool_one(x_flat, tab):
    mesh = plsc.VectorSubcoreMesh(core_axis_name="c", subcore_axis_name="s")

    @functools.partial(
        pl.kernel,
        mesh=mesh,
        compiler_params=pltpu.CompilerParams(use_tc_tiling_on_sc=False),
        out_type=jax.ShapeDtypeStruct((B * EMB,), jnp.float32),
        scratch_types=[
            pltpu.VMEM((_RW * L,), jnp.int32),
            pltpu.VMEM((L, EMB), jnp.float32),
            pltpu.VMEM((L, EMB), jnp.float32),
            pltpu.VMEM((EMB,), jnp.float32),
            pltpu.SemaphoreType.DMA,
            pltpu.SemaphoreType.DMA,
        ],
    )
    def pool_kernel(x_hbm, tab_hbm, out, idx_v, rows_a, rows_b, acc_v,
                    sem_a, sem_b):
        wid = lax.axis_index("s") * _NC + lax.axis_index("c")
        base = wid * _RW

        pltpu.sync_copy(x_hbm.at[pl.ds(base * L, _RW * L)], idx_v)

        def mk_copies(i, rbuf, sem):
            return [
                pltpu.make_async_copy(
                    tab_hbm.at[idx_v.at[pl.ds(i * L + o, sz)]],
                    rbuf.at[pl.ds(o, sz), :],
                    sem,
                )
                for o, sz in _CHUNKS
            ]

        def fire(i, rbuf, sem):
            for cp in mk_copies(i, rbuf, sem):
                cp.start()

        def drain(i, rbuf, sem):
            for cp in mk_copies(i, rbuf, sem):
                cp.wait()

        def accum_store(i, rbuf):
            def body(k, accs):
                accs = list(accs)
                for u in range(_UNROLL):
                    r = _UNROLL * k + u
                    for c in range(4):
                        accs[c] = accs[c] + rbuf[r, pl.ds(16 * c, 16)]
                return tuple(accs)

            z = jnp.zeros((16,), jnp.float32)
            accs = lax.fori_loop(0, L // _UNROLL, body, (z, z, z, z))
            for c in range(4):
                acc_v[pl.ds(16 * c, 16)] = accs[c]
            pltpu.sync_copy(acc_v, out.at[pl.ds((base + i) * EMB, EMB)])

        fire(0, rows_a, sem_a)

        def pair_body(j, _):
            i0 = 2 * j
            fire(i0 + 1, rows_b, sem_b)
            drain(i0, rows_a, sem_a)
            accum_store(i0, rows_a)

            @pl.when(j < _RW // 2 - 1)
            def _():
                fire(i0 + 2, rows_a, sem_a)

            drain(i0 + 1, rows_b, sem_b)
            accum_store(i0 + 1, rows_b)
            return 0

        lax.fori_loop(0, _RW // 2, pair_body, 0)

    return pool_kernel(x_flat, tab)


def _mlp_body(p1_ref, p2_ref, p3_ref, w1_ref, b1_ref, w2_ref, b2_ref, o_ref):
    h = jnp.dot(p1_ref[...], w1_ref[pl.ds(0, EMB), :],
                preferred_element_type=jnp.float32)
    h = h + jnp.dot(p2_ref[...], w1_ref[pl.ds(EMB, EMB), :],
                    preferred_element_type=jnp.float32)
    h = h + jnp.dot(p3_ref[...], w1_ref[pl.ds(2 * EMB, EMB), :],
                    preferred_element_type=jnp.float32)
    h = h * (1.0 / L) + b1_ref[...]
    h = jnp.maximum(h, 0.0)
    o = jnp.dot(h, w2_ref[...], preferred_element_type=jnp.float32)
    o_ref[...] = o + b2_ref[...]


def _tc_mlp(p1, p2, p3, W1p, b1, W2, b2):
    blk = 512
    grid = (B // blk,)
    return pl.pallas_call(
        _mlp_body,
        grid=grid,
        in_specs=[
            pl.BlockSpec((blk, EMB), lambda i: (i, 0)),
            pl.BlockSpec((blk, EMB), lambda i: (i, 0)),
            pl.BlockSpec((blk, EMB), lambda i: (i, 0)),
            pl.BlockSpec((POOL_W, HID), lambda i: (0, 0)),
            pl.BlockSpec((1, HID), lambda i: (0, 0)),
            pl.BlockSpec((HID, NCLS), lambda i: (0, 0)),
            pl.BlockSpec((1, NCLS), lambda i: (0, 0)),
        ],
        out_specs=pl.BlockSpec((blk, NCLS), lambda i: (i, 0)),
        out_shape=jax.ShapeDtypeStruct((B, NCLS), jnp.float32),
    )(p1, p2, p3, W1p, b1.reshape(1, HID), W2, b2.reshape(1, NCLS))


def kernel(x_word, x_bigram, x_trigram, emb_word, emb_bigram, emb_trigram,
           W1, b1, W2, b2):
    p2 = _sc_pool_one(x_bigram.reshape(B * L), emb_bigram)
    p3 = _sc_pool_one(x_trigram.reshape(B * L), emb_trigram)
    p1 = _sc_pool_one(x_word.reshape(B * L), emb_word)
    p1, p2, p3 = (p.reshape(B, EMB) for p in (p1, p2, p3))
    return _tc_mlp(p1, p2, p3, W1, b1, W2, b2)

# --- scband reference (transcript-rebuilt; emitter-appended) ---
"""Pipeline reference for scband-model-71597104824418 (READ-ONLY COPY).

The authoritative reference and input builder live on the scoring server;
editing this copy changes nothing except your own understanding.
"""

import jax, jax.numpy as jnp
import numpy as np

B = 4096
L = 200
NVOCAB = 100000
NGRAM_VOCAB = 1000000
EMB = 64
HID = 256
NCLS = 10

def setup_inputs(seed: int = 0):
    key = jax.random.key(seed)
    ks = jax.random.split(key, 10)
    x_word = jax.random.randint(ks[0], (B, L), 0, NVOCAB - 1, dtype=jnp.int64 if jax.config.jax_enable_x64 else jnp.int32)
    x_bigram = jax.random.randint(ks[1], (B, L), 0, NGRAM_VOCAB, dtype=jnp.int64 if jax.config.jax_enable_x64 else jnp.int32)
    x_trigram = jax.random.randint(ks[2], (B, L), 0, NGRAM_VOCAB, dtype=jnp.int64 if jax.config.jax_enable_x64 else jnp.int32)
    emb_word = jax.random.normal(ks[3], (NVOCAB, EMB), dtype=jnp.float32) * 0.02
    # padding_idx = NVOCAB - 1 initialized to zeros (matches nn.Embedding padding_idx semantics)
    emb_word = emb_word.at[NVOCAB - 1].set(0.0)
    emb_bigram = jax.random.normal(ks[4], (NGRAM_VOCAB, EMB), dtype=jnp.float32) * 0.02
    emb_trigram = jax.random.normal(ks[5], (NGRAM_VOCAB, EMB), dtype=jnp.float32) * 0.02
    W1 = jax.random.normal(ks[6], (EMB * 3, HID), dtype=jnp.float32) * 0.02
    b1 = jnp.zeros((HID,), dtype=jnp.float32)
    W2 = jax.random.normal(ks[7], (HID, NCLS), dtype=jnp.float32) * 0.02
    b2 = jnp.zeros((NCLS,), dtype=jnp.float32)
    return {"x_word": x_word, "x_bigram": x_bigram, "x_trigram": x_trigram,
            "emb_word": emb_word, "emb_bigram": emb_bigram, "emb_trigram": emb_trigram,
            "W1": W1, "b1": b1, "W2": W2, "b2": b2}

def reference(x_word, x_bigram, x_trigram, emb_word, emb_bigram, emb_trigram, W1, b1, W2, b2):
    out_word = jnp.take(emb_word, x_word, axis=0)        # [B, L, EMB]
    out_bigram = jnp.take(emb_bigram, x_bigram, axis=0)  # [B, L, EMB]
    out_trigram = jnp.take(emb_trigram, x_trigram, axis=0)
    out = jnp.concatenate((out_word, out_bigram, out_trigram), axis=-1)  # [B, L, 3*EMB]
    out = out.mean(axis=1)                               # [B, 3*EMB]
    # dropout is identity in eval mode
    out = out @ W1 + b1
    out = jax.nn.relu(out)
    out = out @ W2 + b2
    return out

if __name__ == "__main__":
    import jax
    _d = setup_inputs()
    print(jax.jit(kernel)(*tuple(_d.values())))

</pallas_src>

<mosaic_0001>
#map = affine_map<(d0, d1) -> (0)>
#map1 = affine_map<(d0, d1) -> (0, 0)>
module attributes {stable_mosaic.version = 14 : i64} {
  func.func @pool_kernel(%arg0: i32, %arg1: i32, %arg2: memref<819200xi32, #tpu.memory_space<hbm>>, %arg3: memref<1000000x64xf32, #tpu.memory_space<hbm>>, %arg4: memref<262144xf32, #tpu.memory_space<hbm>>, %arg5: memref<25600xi32, #tpu.memory_space<vmem>>, %arg6: memref<200x64xf32, #tpu.memory_space<vmem>>, %arg7: memref<200x64xf32, #tpu.memory_space<vmem>>, %arg8: memref<64xf32, #tpu.memory_space<vmem>>, %arg9: memref<!tpu.dma_semaphore, #tpu.memory_space<semaphore_mem>>, %arg10: memref<!tpu.dma_semaphore, #tpu.memory_space<semaphore_mem>>) attributes {dimension_semantics = [#tpu.dimension_semantics<core_parallel>, #tpu.dimension_semantics<subcore_parallel>], iteration_bounds = array<i64: 2, 16>, scalar_prefetch = 0 : i64, scratch_operands = 6 : i64, tpu.core_type = #tpu.core_type<sc_vector_subcore>, window_params = [{transform_indices = #map}, {transform_indices = #map1}, {transform_indices = #map}]} {
    %mul3A = arith.constant 2 : i32
    %mul3A_0 = arith.muli %arg1, %mul3A : i32
    %add3A = arith.addi %mul3A_0, %arg0 : i32
    %mul3A_1 = arith.constant 128 : i32
    %mul3A_2 = arith.muli %add3A, %mul3A_1 : i32
    %mul3A_3 = arith.constant 200 : i32
    %mul3A_4 = arith.muli %mul3A_2, %mul3A_3 : i32
    "tpu.region"() ({
      %run_scoped3A = tpu.sem_alloc : memref<!tpu.dma_semaphore, #tpu.memory_space<semaphore_mem>>
      %dma_start3A_26 = tpu.memref_slice %arg2[%mul3A_4] : memref<819200xi32, #tpu.memory_space<hbm>> -> memref<25600xi32, #tpu.memory_space<hbm>>
      %dma_start3A_27 = tpu.memref_slice %arg2[%mul3A_4] : memref<819200xi32, #tpu.memory_space<hbm>> -> memref<25600xi32, #tpu.memory_space<hbm>>
      tpu.enqueue_dma source(%dma_start3A_27 : memref<25600xi32, #tpu.memory_space<hbm>>) target(%arg5 : memref<25600xi32, #tpu.memory_space<vmem>>) target_semaphore(%run_scoped3A : memref<!tpu.dma_semaphore, #tpu.memory_space<semaphore_mem>>)
      %dma_wait3A = tpu.memref_slice %arg2[%mul3A_4] : memref<819200xi32, #tpu.memory_space<hbm>> -> memref<25600xi32, #tpu.memory_space<hbm>>
      %dma_wait3A_28 = tpu.memref_slice %arg2[%mul3A_4] : memref<819200xi32, #tpu.memory_space<hbm>> -> memref<25600xi32, #tpu.memory_space<hbm>>
      tpu.wait_dma2 semaphore(%run_scoped3A : memref<!tpu.dma_semaphore, #tpu.memory_space<semaphore_mem>>) src(%dma_wait3A_28 : memref<25600xi32, #tpu.memory_space<hbm>>) dst(%arg5 : memref<25600xi32, #tpu.memory_space<vmem>>)
      tpu.yield
    }) : () -> ()
    %dma_start3A = arith.constant 0 : i32
    %dma_start3A_5 = arith.constant 0 : i32
    %dma_start3A_6 = tpu.memref_slice %arg6[%dma_start3A, %dma_start3A_5] : memref<200x64xf32, #tpu.memory_space<vmem>> -> memref<128x64xf32, #tpu.memory_space<vmem>>
    %dma_start3A_7 = arith.constant 0 : i32
    %dma_start3A_8 = tpu.memref_slice %arg5[%dma_start3A_7] : memref<25600xi32, #tpu.memory_space<vmem>> -> memref<128xi32, #tpu.memory_space<vmem>>
    %dma_start3A_9 = arith.constant 0 : i32
    %dma_start3A_10 = arith.constant 0 : i32
    %dma_start3A_11 = tpu.memref_slice %arg3[%dma_start3A_9, %dma_start3A_10] : memref<1000000x64xf32, #tpu.memory_space<hbm>> -> memref<1000000x64xf32, #tpu.memory_space<hbm>>
    tpu.enqueue_indirect_dma source(%dma_start3A_11 : memref<1000000x64xf32, #tpu.memory_space<hbm>>) target(%dma_start3A_6 : memref<128x64xf32, #tpu.memory_space<vmem>>) offsets(%dma_start3A_8 : memref<128xi32, #tpu.memory_space<vmem>>) semaphore(%arg9 : memref<!tpu.dma_semaphore, #tpu.memory_space<semaphore_mem>>)
    %dma_start3A_12 = arith.constant 128 : i32
    %dma_start3A_13 = arith.constant 0 : i32
    %dma_start3A_14 = tpu.memref_slice %arg6[%dma_start3A_12, %dma_start3A_13] : memref<200x64xf32, #tpu.memory_space<vmem>> -> memref<72x64xf32, #tpu.memory_space<vmem>>
    %dma_start3A_15 = arith.constant 128 : i32
    %dma_start3A_16 = tpu.memref_slice %arg5[%dma_start3A_15] : memref<25600xi32, #tpu.memory_space<vmem>> -> memref<72xi32, #tpu.memory_space<vmem>>
    %dma_start3A_17 = arith.constant 0 : i32
    %dma_start3A_18 = arith.constant 0 : i32
    %dma_start3A_19 = tpu.memref_slice %arg3[%dma_start3A_17, %dma_start3A_18] : memref<1000000x64xf32, #tpu.memory_space<hbm>> -> memref<1000000x64xf32, #tpu.memory_space<hbm>>
    tpu.enqueue_indirect_dma source(%dma_start3A_19 : memref<1000000x64xf32, #tpu.memory_space<hbm>>) target(%dma_start3A_14 : memref<72x64xf32, #tpu.memory_space<vmem>>) offsets(%dma_start3A_16 : memref<72xi32, #tpu.memory_space<vmem>>) semaphore(%arg9 : memref<!tpu.dma_semaphore, #tpu.memory_space<semaphore_mem>>)
    %scan3A = arith.constant 0 : i32
    %scan3A_20 = arith.constant 0 : i32
    %scan3A_21 = arith.constant 64 : i32
    %scan3A_22 = arith.addi %scan3A_20, %scan3A_21 : i32
    %scan3A_23 = arith.constant 1 : i32
    %scan3A_24 = scf.for %scan3A_26 = %scan3A_20 to %scan3A_22 step %scan3A_23 iter_args(%scan3A_27 = %scan3A) -> (i32)  : i32 {
      %mul3A_28 = arith.constant 2 : i32
      %mul3A_29 = arith.muli %mul3A_28, %scan3A_26 : i32
      %add3A_30 = arith.constant 1 : i32
      %add3A_31 = arith.addi %mul3A_29, %add3A_30 : i32
      %mul3A_32 = arith.constant 200 : i32
      %mul3A_33 = arith.muli %add3A_31, %mul3A_32 : i32
      %add3A_34 = arith.constant 0 : i32
      %add3A_35 = arith.addi %mul3A_33, %add3A_34 : i32
      %mul3A_36 = arith.constant 200 : i32
      %mul3A_37 = arith.muli %add3A_31, %mul3A_36 : i32
      %add3A_38 = arith.constant 128 : i32
      %add3A_39 = arith.addi %mul3A_37, %add3A_38 : i32
      %dma_start3A_40 = arith.constant 0 : i32
      %dma_start3A_41 = arith.constant 0 : i32
      %dma_start3A_42 = tpu.memref_slice %arg7[%dma_start3A_40, %dma_start3A_41] : memref<200x64xf32, #tpu.memory_space<vmem>> -> memref<128x64xf32, #tpu.memory_space<vmem>>
      %dma_start3A_43 = tpu.memref_slice %arg5[%add3A_35] : memref<25600xi32, #tpu.memory_space<vmem>> -> memref<128xi32, #tpu.memory_space<vmem>>
      %dma_start3A_44 = arith.constant 0 : i32
      %dma_start3A_45 = arith.constant 0 : i32
      %dma_start3A_46 = tpu.memref_slice %arg3[%dma_start3A_44, %dma_start3A_45] : memref<1000000x64xf32, #tpu.memory_space<hbm>> -> memref<1000000x64xf32, #tpu.memory_space<hbm>>
      tpu.enqueue_indirect_dma source(%dma_start3A_46 : memref<1000000x64xf32, #tpu.memory_space<hbm>>) target(%dma_start3A_42 : memref<128x64xf32, #tpu.memory_space<vmem>>) offsets(%dma_start3A_43 : memref<128xi32, #tpu.memory_space<vmem>>) semaphore(%arg10 : memref<!tpu.dma_semaphore, #tpu.memory_space<semaphore_mem>>)
      %dma_start3A_47 = arith.constant 128 : i32
      %dma_start3A_48 = arith.constant 0 : i32
      %dma_start3A_49 = tpu.memref_slice %arg7[%dma_start3A_47, %dma_start3A_48] : memref<200x64xf32, #tpu.memory_space<vmem>> -> memref<72x64xf32, #tpu.memory_space<vmem>>
      %dma_start3A_50 = tpu.memref_slice %arg5[%add3A_39] : memref<25600xi32, #tpu.memory_space<vmem>> -> memref<72xi32, #tpu.memory_space<vmem>>
      %dma_start3A_51 = arith.constant 0 : i32
      %dma_start3A_52 = arith.constant 0 : i32
      %dma_start3A_53 = tpu.memref_slice %arg3[%dma_start3A_51, %dma_start3A_52] : memref<1000000x64xf32, #tpu.memory_space<hbm>> -> memref<1000000x64xf32, #tpu.memory_space<hbm>>
      tpu.enqueue_indirect_dma source(%dma_start3A_53 : memref<1000000x64xf32, #tpu.memory_space<hbm>>) target(%dma_start3A_49 : memref<72x64xf32, #tpu.memory_space<vmem>>) offsets(%dma_start3A_50 : memref<72xi32, #tpu.memory_space<vmem>>) semaphore(%arg10 : memref<!tpu.dma_semaphore, #tpu.memory_space<semaphore_mem>>)
      %mul3A_54 = arith.constant 200 : i32
      %mul3A_55 = arith.muli %mul3A_29, %mul3A_54 : i32
      %add3A_56 = arith.constant 0 : i32
      %add3A_57 = arith.addi %mul3A_55, %add3A_56 : i32
      %mul3A_58 = arith.constant 200 : i32
      %mul3A_59 = arith.muli %mul3A_29, %mul3A_58 : i32
      %add3A_60 = arith.constant 128 : i32
      %add3A_61 = arith.addi %mul3A_59, %add3A_60 : i32
      %dma_wait3A = arith.constant 0 : i32
      %dma_wait3A_62 = arith.constant 0 : i32
      %dma_wait3A_63 = tpu.memref_slice %arg6[%dma_wait3A, %dma_wait3A_62] : memref<200x64xf32, #tpu.memory_space<vmem>> -> memref<128x64xf32, #tpu.memory_space<vmem>>
      %dma_wait3A_64 = tpu.memref_slice %arg5[%add3A_57] : memref<25600xi32, #tpu.memory_space<vmem>> -> memref<128xi32, #tpu.memory_space<vmem>>
      %dma_wait3A_65 = arith.constant 0 : i32
      %dma_wait3A_66 = arith.constant 0 : i32
      %dma_wait3A_67 = tpu.memref_slice %arg3[%dma_wait3A_65, %dma_wait3A_66] : memref<1000000x64xf32, #tpu.memory_space<hbm>> -> memref<1000000x64xf32, #tpu.memory_space<hbm>>
      tpu.wait_indirect_dma semaphore(%arg9 : memref<!tpu.dma_semaphore, #tpu.memory_space<semaphore_mem>>) src(%dma_wait3A_67 : memref<1000000x64xf32, #tpu.memory_space<hbm>>) dst(%dma_wait3A_63 : memref<128x64xf32, #tpu.memory_space<vmem>>)
      %dma_wait3A_68 = arith.constant 128 : i32
      %dma_wait3A_69 = arith.constant 0 : i32
      %dma_wait3A_70 = tpu.memref_slice %arg6[%dma_wait3A_68, %dma_wait3A_69] : memref<200x64xf32, #tpu.memory_space<vmem>> -> memref<72x64xf32, #tpu.memory_space<vmem>>
      %dma_wait3A_71 = tpu.memref_slice %arg5[%add3A_61] : memref<25600xi32, #tpu.memory_space<vmem>> -> memref<72xi32, #tpu.memory_space<vmem>>
      %dma_wait3A_72 = arith.constant 0 : i32
      %dma_wait3A_73 = arith.constant 0 : i32
      %dma_wait3A_74 = tpu.memref_slice %arg3[%dma_wait3A_72, %dma_wait3A_73] : memref<1000000x64xf32, #tpu.memory_space<hbm>> -> memref<1000000x64xf32, #tpu.memory_space<hbm>>
      tpu.wait_indirect_dma semaphore(%arg9 : memref<!tpu.dma_semaphore, #tpu.memory_space<semaphore_mem>>) src(%dma_wait3A_74 : memref<1000000x64xf32, #tpu.memory_space<hbm>>) dst(%dma_wait3A_70 : memref<72x64xf32, #tpu.memory_space<vmem>>)
      %broadcast_in_dim3A = arith.constant 0.000000e+00 : f32
      %broadcast_in_dim3A_75 = vector.broadcast %broadcast_in_dim3A : f32 to vector<16xf32>
      %scan3A_76 = arith.constant 0 : i32
      %scan3A_77 = arith.constant 25 : i32
      %scan3A_78 = arith.addi %scan3A_76, %scan3A_77 : i32
      %scan3A_79 = arith.constant 1 : i32
      %scan3A_80:4 = scf.for %scan3A_156 = %scan3A_76 to %scan3A_78 step %scan3A_79 iter_args(%scan3A_157 = %broadcast_in_dim3A_75, %scan3A_158 = %broadcast_in_dim3A_75, %scan3A_159 = %broadcast_in_dim3A_75, %scan3A_160 = %broadcast_in_dim3A_75) -> (vector<16xf32>, vector<16xf32>, vector<16xf32>, vector<16xf32>)  : i32 {
        %mul3A_161 = arith.constant 8 : i32
        %mul3A_162 = arith.muli %mul3A_161, %scan3A_156 : i32
        %add3A_163 = arith.constant 0 : i32
        %add3A_164 = arith.addi %mul3A_162, %add3A_163 : i32
        %get3A = arith.index_cast %add3A_164 : i32 to index
        %get3A_165 = arith.constant 0 : index
        %get3A_166 = tpu.vector_load %arg6[%get3A, %get3A_165] {strides = array<i32>} : memref<200x64xf32, #tpu.memory_space<vmem>>, vector<1x16xf32>,
        %get3A_167 = vector.shape_cast %get3A_166 : vector<1x16xf32> to vector<16xf32>
        %add3A_168 = arith.addf %scan3A_157, %get3A_167 : vector<16xf32>
        %get3A_169 = arith.index_cast %add3A_164 : i32 to index
        %get3A_170 = arith.constant 16 : index
        %get3A_171 = tpu.vector_load %arg6[%get3A_169, %get3A_170] {strides = array<i32>} : memref<200x64xf32, #tpu.memory_space<vmem>>, vector<1x16xf32>,
        %get3A_172 = vector.shape_cast %get3A_171 : vector<1x16xf32> to vector<16xf32>
        %add3A_173 = arith.addf %scan3A_158, %get3A_172 : vector<16xf32>
        %get3A_174 = arith.index_cast %add3A_164 : i32 to index
        %get3A_175 = arith.constant 32 : index
        %get3A_176 = tpu.vector_load %arg6[%get3A_174, %get3A_175] {strides = array<i32>} : memref<200x64xf32, #tpu.memory_space<vmem>>, vector<1x16xf32>,
        %get3A_177 = vector.shape_cast %get3A_176 : vector<1x16xf32> to vector<16xf32>
        %add3A_178 = arith.addf %scan3A_159, %get3A_177 : vector<16xf32>
        %get3A_179 = arith.index_cast %add3A_164 : i32 to index
        %get3A_180 = arith.constant 48 : index
        %get3A_181 = tpu.vector_load %arg6[%get3A_179, %get3A_180] {strides = array<i32>} : memref<200x64xf32, #tpu.memory_space<vmem>>, vector<1x16xf32>,
        %get3A_182 = vector.shape_cast %get3A_181 : vector<1x16xf32> to vector<16xf32>
        %add3A_183 = arith.addf %scan3A_160, %get3A_182 : vector<16xf32>
        %mul3A_184 = arith.constant 8 : i32
        %mul3A_185 = arith.muli %mul3A_184, %scan3A_156 : i32
        %add3A_186 = arith.constant 1 : i32
        %add3A_187 = arith.addi %mul3A_185, %add3A_186 : i32
        %get3A_188 = arith.index_cast %add3A_187 : i32 to index
        %get3A_189 = arith.constant 0 : index
        %get3A_190 = tpu.vector_load %arg6[%get3A_188, %get3A_189] {strides = array<i32>} : memref<200x64xf32, #tpu.memory_space<vmem>>, vector<1x16xf32>,
        %get3A_191 = vector.shape_cast %get3A_190 : vector<1x16xf32> to vector<16xf32>
        %add3A_192 = arith.addf %add3A_168, %get3A_191 : vector<16xf32>
        %get3A_193 = arith.index_cast %add3A_187 : i32 to index
        %get3A_194 = arith.constant 16 : index
        %get3A_195 = tpu.vector_load %arg6[%get3A_193, %get3A_194] {strides = array<i32>} : memref<200x64xf32, #tpu.memory_space<vmem>>, vector<1x16xf32>,
        %get3A_196 = vector.shape_cast %get3A_195 : vector<1x16xf32> to vector<16xf32>
        %add3A_197 = arith.addf %add3A_173, %get3A_196 : vector<16xf32>
        %get3A_198 = arith.index_cast %add3A_187 : i32 to index
        %get3A_199 = arith.constant 32 : index
        %get3A_200 = tpu.vector_load %arg6[%get3A_198, %get3A_199] {strides = array<i32>} : memref<200x64xf32, #tpu.memory_space<vmem>>, vector<1x16xf32>,
        %get3A_201 = vector.shape_cast %get3A_200 : vector<1x16xf32> to vector<16xf32>
        %add3A_202 = arith.addf %add3A_178, %get3A_201 : vector<16xf32>
        %get3A_203 = arith.index_cast %add3A_187 : i32 to index
        %get3A_204 = arith.constant 48 : index
        %get3A_205 = tpu.vector_load %arg6[%get3A_203, %get3A_204] {strides = array<i32>} : memref<200x64xf32, #tpu.memory_space<vmem>>, vector<1x16xf32>,
        %get3A_206 = vector.shape_cast %get3A_205 : vector<1x16xf32> to vector<16xf32>
        %add3A_207 = arith.addf %add3A_183, %get3A_206 : vector<16xf32>
        %mul3A_208 = arith.constant 8 : i32
        %mul3A_209 = arith.muli %mul3A_208, %scan3A_156 : i32
        %add3A_210 = arith.constant 2 : i32
        %add3A_211 = arith.addi %mul3A_209, %add3A_210 : i32
        %get3A_212 = arith.index_cast %add3A_211 : i32 to index
        %get3A_213 = arith.constant 0 : index
        %get3A_214 = tpu.vector_load %arg6[%get3A_212, %get3A_213] {strides = array<i32>} : memref<200x64xf32, #tpu.memory_space<vmem>>, vector<1x16xf32>,
        %get3A_215 = vector.shape_cast %get3A_214 : vector<1x16xf32> to vector<16xf32>
        %add3A_216 = arith.addf %add3A_192, %get3A_215 : vector<16xf32>
        %get3A_217 = arith.index_cast %add3A_211 : i32 to index
        %get3A_218 = arith.constant 16 : index
        %get3A_219 = tpu.vector_load %arg6[%get3A_217, %get3A_218] {strides = array<i32>} : memref<200x64xf32, #tpu.memory_space<vmem>>, vector<1x16xf32>,
        %get3A_220 = vector.shape_cast %get3A_219 : vector<1x16xf32> to vector<16xf32>
        %add3A_221 = arith.addf %add3A_197, %get3A_220 : vector<16xf32>
        %get3A_222 = arith.index_cast %add3A_211 : i32 to index
        %get3A_223 = arith.constant 32 : index
        %get3A_224 = tpu.vector_load %arg6[%get3A_222, %get3A_223] {strides = array<i32>} : memref<200x64xf32, #tpu.memory_space<vmem>>, vector<1x16xf32>,
        %get3A_225 = vector.shape_cast %get3A_224 : vector<1x16xf32> to vector<16xf32>
        %add3A_226 = arith.addf %add3A_202, %get3A_225 : vector<16xf32>
        %get3A_227 = arith.index_cast %add3A_211 : i32 to index
        %get3A_228 = arith.constant 48 : index
        %get3A_229 = tpu.vector_load %arg6[%get3A_227, %get3A_228] {strides = array<i32>} : memref<200x64xf32, #tpu.memory_space<vmem>>, vector<1x16xf32>,
        %get3A_230 = vector.shape_cast %get3A_229 : vector<1x16xf32> to vector<16xf32>
        %add3A_231 = arith.addf %add3A_207, %get3A_230 : vector<16xf32>
        %mul3A_232 = arith.constant 8 : i32
        %mul3A_233 = arith.muli %mul3A_232, %scan3A_156 : i32
        %add3A_234 = arith.constant 3 : i32
        %add3A_235 = arith.addi %mul3A_233, %add3A_234 : i32
        %get3A_236 = arith.index_cast %add3A_235 : i32 to index
        %get3A_237 = arith.constant 0 : index
        %get3A_238 = tpu.vector_load %arg6[%get3A_236, %get3A_237] {strides = array<i32>} : memref<200x64xf32, #tpu.memory_space<vmem>>, vector<1x16xf32>,
        %get3A_239 = vector.shape_cast %get3A_238 : vector<1x16xf32> to vector<16xf32>
        %add3A_240 = arith.addf %add3A_216, %get3A_239 : vector<16xf32>
        %get3A_241 = arith.index_cast %add3A_235 : i32 to index
        %get3A_242 = arith.constant 16 : index
        %get3A_243 = tpu.vector_load %arg6[%get3A_241, %get3A_242] {strides = array<i32>} : memref<200x64xf32, #tpu.memory_space<vmem>>, vector<1x16xf32>,
        %get3A_244 = vector.shape_cast %get3A_243 : vector<1x16xf32> to vector<16xf32>
        %add3A_245 = arith.addf %add3A_221, %get3A_244 : vector<16xf32>
        %get3A_246 = arith.index_cast %add3A_235 : i32 to index
        %get3A_247 = arith.constant 32 : index
        %get3A_248 = tpu.vector_load %arg6[%get3A_246, %get3A_247] {strides = array<i32>} : memref<200x64xf32, #tpu.memory_space<vmem>>, vector<1x16xf32>,
        %get3A_249 = vector.shape_cast %get3A_248 : vector<1x16xf32> to vector<16xf32>
        %add3A_250 = arith.addf %add3A_226, %get3A_249 : vector<16xf32>
        %get3A_251 = arith.index_cast %add3A_235 : i32 to index
        %get3A_252 = arith.constant 48 : index
        %get3A_253 = tpu.vector_load %arg6[%get3A_251, %get3A_252] {strides = array<i32>} : memref<200x64xf32, #tpu.memory_space<vmem>>, vector<1x16xf32>,
        %get3A_254 = vector.shape_cast %get3A_253 : vector<1x16xf32> to vector<16xf32>
        %add3A_255 = arith.addf %add3A_231, %get3A_254 : vector<16xf32>
        %mul3A_256 = arith.constant 8 : i32
        %mul3A_257 = arith.muli %mul3A_256, %scan3A_156 : i32
        %add3A_258 = arith.constant 4 : i32
        %add3A_259 = arith.addi %mul3A_257, %add3A_258 : i32
        %get3A_260 = arith.index_cast %add3A_259 : i32 to index
        %get3A_261 = arith.constant 0 : index
        %get3A_262 = tpu.vector_load %arg6[%get3A_260, %get3A_261] {strides = array<i32>} : memref<200x64xf32, #tpu.memory_space<vmem>>, vector<1x16xf32>,
        %get3A_263 = vector.shape_cast %get3A_262 : vector<1x16xf32> to vector<16xf32>
        %add3A_264 = arith.addf %add3A_240, %get3A_263 : vector<16xf32>
        %get3A_265 = arith.index_cast %add3A_259 : i32 to index
        %get3A_266 = arith.constant 16 : index
        %get3A_267 = tpu.vector_load %arg6[%get3A_265, %get3A_266] {strides = array<i32>} : memref<200x64xf32, #tpu.memory_space<vmem>>, vector<1x16xf32>,
        %get3A_268 = vector.shape_cast %get3A_267 : vector<1x16xf32> to vector<16xf32>
        %add3A_269 = arith.addf %add3A_245, %get3A_268 : vector<16xf32>
        %get3A_270 = arith.index_cast %add3A_259 : i32 to index
        %get3A_271 = arith.constant 32 : index
        %get3A_272 = tpu.vector_load %arg6[%get3A_270, %get3A_271] {strides = array<i32>} : memref<200x64xf32, #tpu.memory_space<vmem>>, vector<1x16xf32>,
        %get3A_273 = vector.shape_cast %get3A_272 : vector<1x16xf32> to vector<16xf32>
        %add3A_274 = arith.addf %add3A_250, %get3A_273 : vector<16xf32>
        %get3A_275 = arith.index_cast %add3A_259 : i32 to index
        %get3A_276 = arith.constant 48 : index
        %get3A_277 = tpu.vector_load %arg6[%get3A_275, %get3A_276] {strides = array<i32>} : memref<200x64xf32, #tpu.memory_space<vmem>>, vector<1x16xf32>,
        %get3A_278 = vector.shape_cast %get3A_277 : vector<1x16xf32> to vector<16xf32>
        %add3A_279 = arith.addf %add3A_255, %get3A_278 : vector<16xf32>
        %mul3A_280 = arith.constant 8 : i32
        %mul3A_281 = arith.muli %mul3A_280, %scan3A_156 : i32
        %add3A_282 = arith.constant 5 : i32
        %add3A_283 = arith.addi %mul3A_281, %add3A_282 : i32
        %get3A_284 = arith.index_cast %add3A_283 : i32 to index
        %get3A_285 = arith.constant 0 : index
        %get3A_286 = tpu.vector_load %arg6[%get3A_284, %get3A_285] {strides = array<i32>} : memref<200x64xf32, #tpu.memory_space<vmem>>, vector<1x16xf32>,
        %get3A_287 = vector.shape_cast %get3A_286 : vector<1x16xf32> to vector<16xf32>
        %add3A_288 = arith.addf %add3A_264, %get3A_287 : vector<16xf32>
        %get3A_289 = arith.index_cast %add3A_283 : i32 to index
        %get3A_290 = arith.constant 16 : index
        %get3A_291 = tpu.vector_load %arg6[%get3A_289, %get3A_290] {strides = array<i32>} : memref<200x64xf32, #tpu.memory_space<vmem>>, vector<1x16xf32>,
        %get3A_292 = vector.shape_cast %get3A_291 : vector<1x16xf32> to vector<16xf32>
        %add3A_293 = arith.addf %add3A_269, %get3A_292 : vector<16xf32>
        %get3A_294 = arith.index_cast %add3A_283 : i32 to index
        %get3A_295 = arith.constant 32 : index
        %get3A_296 = tpu.vector_load %arg6[%get3A_294, %get3A_295] {strides = array<i32>} : memref<200x64xf32, #tpu.memory_space<vmem>>, vector<1x16xf32>,
        %get3A_297 = vector.shape_cast %get3A_296 : vector<1x16xf32> to vector<16xf32>
        %add3A_298 = arith.addf %add3A_274, %get3A_297 : vector<16xf32>
        %get3A_299 = arith.index_cast %add3A_283 : i32 to index
        %get3A_300 = arith.constant 48 : index
        %get3A_301 = tpu.vector_load %arg6[%get3A_299, %get3A_300] {strides = array<i32>} : memref<200x64xf32, #tpu.memory_space<vmem>>, vector<1x16xf32>,
        %get3A_302 = vector.shape_cast %get3A_301 : vector<1x16xf32> to vector<16xf32>
        %add3A_303 = arith.addf %add3A_279, %get3A_302 : vector<16xf32>
        %mul3A_304 = arith.constant 8 : i32
        %mul3A_305 = arith.muli %mul3A_304, %scan3A_156 : i32
        %add3A_306 = arith.constant 6 : i32
        %add3A_307 = arith.addi %mul3A_305, %add3A_306 : i32
        %get3A_308 = arith.index_cast %add3A_307 : i32 to index
        %get3A_309 = arith.constant 0 : index
        %get3A_310 = tpu.vector_load %arg6[%get3A_308, %get3A_309] {strides = array<i32>} : memref<200x64xf32, #tpu.memory_space<vmem>>, vector<1x16xf32>,
        %get3A_311 = vector.shape_cast %get3A_310 : vector<1x16xf32> to vector<16xf32>
        %add3A_312 = arith.addf %add3A_288, %get3A_311 : vector<16xf32>
        %get3A_313 = arith.index_cast %add3A_307 : i32 to index
        %get3A_314 = arith.constant 16 : index
        %get3A_315 = tpu.vector_load %arg6[%get3A_313, %get3A_314] {strides = array<i32>} : memref<200x64xf32, #tpu.memory_space<vmem>>, vector<1x16xf32>,
        %get3A_316 = vector.shape_cast %get3A_315 : vector<1x16xf32> to vector<16xf32>
        %add3A_317 = arith.addf %add3A_293, %get3A_316 : vector<16xf32>
        %get3A_318 = arith.index_cast %add3A_307 : i32 to index
        %get3A_319 = arith.constant 32 : index
        %get3A_320 = tpu.vector_load %arg6[%get3A_318, %get3A_319] {strides = array<i32>} : memref<200x64xf32, #tpu.memory_space<vmem>>, vector<1x16xf32>,
        %get3A_321 = vector.shape_cast %get3A_320 : vector<1x16xf32> to vector<16xf32>
        %add3A_322 = arith.addf %add3A_298, %get3A_321 : vector<16xf32>
        %get3A_323 = arith.index_cast %add3A_307 : i32 to index
        %get3A_324 = arith.constant 48 : index
        %get3A_325 = tpu.vector_load %arg6[%get3A_323, %get3A_324] {strides = array<i32>} : memref<200x64xf32, #tpu.memory_space<vmem>>, vector<1x16xf32>,
        %get3A_326 = vector.shape_cast %get3A_325 : vector<1x16xf32> to vector<16xf32>
        %add3A_327 = arith.addf %add3A_303, %get3A_326 : vector<16xf32>
        %mul3A_328 = arith.constant 8 : i32
        %mul3A_329 = arith.muli %mul3A_328, %scan3A_156 : i32
        %add3A_330 = arith.constant 7 : i32
        %add3A_331 = arith.addi %mul3A_329, %add3A_330 : i32
        %get3A_332 = arith.index_cast %add3A_331 : i32 to index
        %get3A_333 = arith.constant 0 : index
        %get3A_334 = tpu.vector_load %arg6[%get3A_332, %get3A_333] {strides = array<i32>} : memref<200x64xf32, #tpu.memory_space<vmem>>, vector<1x16xf32>,
        %get3A_335 = vector.shape_cast %get3A_334 : vector<1x16xf32> to vector<16xf32>
        %add3A_336 = arith.addf %add3A_312, %get3A_335 : vector<16xf32>
        %get3A_337 = arith.index_cast %add3A_331 : i32 to index
        %get3A_338 = arith.constant 16 : index
        %get3A_339 = tpu.vector_load %arg6[%get3A_337, %get3A_338] {strides = array<i32>} : memref<200x64xf32, #tpu.memory_space<vmem>>, vector<1x16xf32>,
        %get3A_340 = vector.shape_cast %get3A_339 : vector<1x16xf32> to vector<16xf32>
        %add3A_341 = arith.addf %add3A_317, %get3A_340 : vector<16xf32>
        %get3A_342 = arith.index_cast %add3A_331 : i32 to index
        %get3A_343 = arith.constant 32 : index
        %get3A_344 = tpu.vector_load %arg6[%get3A_342, %get3A_343] {strides = array<i32>} : memref<200x64xf32, #tpu.memory_space<vmem>>, vector<1x16xf32>,
        %get3A_345 = vector.shape_cast %get3A_344 : vector<1x16xf32> to vector<16xf32>
        %add3A_346 = arith.addf %add3A_322, %get3A_345 : vector<16xf32>
        %get3A_347 = arith.index_cast %add3A_331 : i32 to index
        %get3A_348 = arith.constant 48 : index
        %get3A_349 = tpu.vector_load %arg6[%get3A_347, %get3A_348] {strides = array<i32>} : memref<200x64xf32, #tpu.memory_space<vmem>>, vector<1x16xf32>,
        %get3A_350 = vector.shape_cast %get3A_349 : vector<1x16xf32> to vector<16xf32>
        %add3A_351 = arith.addf %add3A_327, %get3A_350 : vector<16xf32>
        scf.yield %add3A_336, %add3A_341, %add3A_346, %add3A_351 : vector<16xf32>, vector<16xf32>, vector<16xf32>, vector<16xf32>
      }
      %scan3A_81 = arith.constant 25 : i32
      %swap3A = arith.constant 0 : index
      %swap3A_82 = tpu.vector_load %arg8[%swap3A] {strides = array<i32>} : memref<64xf32, #tpu.memory_space<vmem>>, vector<16xf32>,
      %swap3A_83 = vector.shape_cast %swap3A_82 : vector<16xf32> to vector<16xf32>
      %swap3A_84 = vector.shape_cast %scan3A_80#0 : vector<16xf32> to vector<16xf32>
      tpu.vector_store %arg8[%swap3A], %swap3A_84 {strides = array<i32>} : memref<64xf32, #tpu.memory_space<vmem>>, vector<16xf32>,
      %swap3A_85 = arith.constant 16 : index
      %swap3A_86 = tpu.vector_load %arg8[%swap3A_85] {strides = array<i32>} : memref<64xf32, #tpu.memory_space<vmem>>, vector<16xf32>,
      %swap3A_87 = vector.shape_cast %swap3A_86 : vector<16xf32> to vector<16xf32>
      %swap3A_88 = vector.shape_cast %scan3A_80#1 : vector<16xf32> to vector<16xf32>
      tpu.vector_store %arg8[%swap3A_85], %swap3A_88 {strides = array<i32>} : memref<64xf32, #tpu.memory_space<vmem>>, vector<16xf32>,
      %swap3A_89 = arith.constant 32 : index
      %swap3A_90 = tpu.vector_load %arg8[%swap3A_89] {strides = array<i32>} : memref<64xf32, #tpu.memory_space<vmem>>, vector<16xf32>,
      %swap3A_91 = vector.shape_cast %swap3A_90 : vector<16xf32> to vector<16xf32>
      %swap3A_92 = vector.shape_cast %scan3A_80#2 : vector<16xf32> to vector<16xf32>
      tpu.vector_store %arg8[%swap3A_89], %swap3A_92 {strides = array<i32>} : memref<64xf32, #tpu.memory_space<vmem>>, vector<16xf32>,
      %swap3A_93 = arith.constant 48 : index
      %swap3A_94 = tpu.vector_load %arg8[%swap3A_93] {strides = array<i32>} : memref<64xf32, #tpu.memory_space<vmem>>, vector<16xf32>,
      %swap3A_95 = vector.shape_cast %swap3A_94 : vector<16xf32> to vector<16xf32>
      %swap3A_96 = vector.shape_cast %scan3A_80#3 : vector<16xf32> to vector<16xf32>
      tpu.vector_store %arg8[%swap3A_93], %swap3A_96 {strides = array<i32>} : memref<64xf32, #tpu.memory_space<vmem>>, vector<16xf32>,
      %add3A_97 = arith.addi %mul3A_2, %mul3A_29 : i32
      %mul3A_98 = arith.constant 64 : i32
      %mul3A_99 = arith.muli %add3A_97, %mul3A_98 : i32
      "tpu.region"() ({
        %run_scoped3A = tpu.sem_alloc : memref<!tpu.dma_semaphore, #tpu.memory_space<semaphore_mem>>
        %dma_start3A_156 = tpu.memref_slice %arg4[%mul3A_99] : memref<262144xf32, #tpu.memory_space<hbm>> -> memref<64xf32, #tpu.memory_space<hbm>>
        %dma_start3A_157 = tpu.memref_slice %arg4[%mul3A_99] : memref<262144xf32, #tpu.memory_space<hbm>> -> memref<64xf32, #tpu.memory_space<hbm>>
        tpu.enqueue_dma source(%arg8 : memref<64xf32, #tpu.memory_space<vmem>>) target(%dma_start3A_157 : memref<64xf32, #tpu.memory_space<hbm>>) target_semaphore(%run_scoped3A : memref<!tpu.dma_semaphore, #tpu.memory_space<semaphore_mem>>)
        %dma_wait3A_158 = tpu.memref_slice %arg4[%mul3A_99] : memref<262144xf32, #tpu.memory_space<hbm>> -> memref<64xf32, #tpu.memory_space<hbm>>
        %dma_wait3A_159 = tpu.memref_slice %arg4[%mul3A_99] : memref<262144xf32, #tpu.memory_space<hbm>> -> memref<64xf32, #tpu.memory_space<hbm>>
        tpu.wait_dma2 semaphore(%run_scoped3A : memref<!tpu.dma_semaphore, #tpu.memory_space<semaphore_mem>>) src(%arg8 : memref<64xf32, #tpu.memory_space<vmem>>) dst(%dma_wait3A_159 : memref<64xf32, #tpu.memory_space<hbm>>)
        tpu.yield
      }) : () -> ()
      %lt3A = arith.constant 63 : i32
      %lt3A_100 = arith.cmpi slt, %scan3A_26, %lt3A : i32
      %convert_element_type3A = arith.extui %lt3A_100 : i1 to i32
      %cond3A = arith.constant 0 : i32
      %cond3A_101 = arith.cmpi ne, %convert_element_type3A, %cond3A : i32
      scf.if %cond3A_101 {
        %add3A_156 = arith.constant 2 : i32
        %add3A_157 = arith.addi %mul3A_29, %add3A_156 : i32
        %mul3A_158 = arith.constant 200 : i32
        %mul3A_159 = arith.muli %add3A_157, %mul3A_158 : i32
        %add3A_160 = arith.constant 0 : i32
        %add3A_161 = arith.addi %mul3A_159, %add3A_160 : i32
        %mul3A_162 = arith.constant 200 : i32
        %mul3A_163 = arith.muli %add3A_157, %mul3A_162 : i32
        %add3A_164 = arith.constant 128 : i32
        %add3A_165 = arith.addi %mul3A_163, %add3A_164 : i32
        %dma_start3A_166 = arith.constant 0 : i32
        %dma_start3A_167 = arith.constant 0 : i32
        %dma_start3A_168 = tpu.memref_slice %arg6[%dma_start3A_166, %dma_start3A_167] : memref<200x64xf32, #tpu.memory_space<vmem>> -> memref<128x64xf32, #tpu.memory_space<vmem>>
        %dma_start3A_169 = tpu.memref_slice %arg5[%add3A_161] : memref<25600xi32, #tpu.memory_space<vmem>> -> memref<128xi32, #tpu.memory_space<vmem>>
        %dma_start3A_170 = arith.constant 0 : i32
        %dma_start3A_171 = arith.constant 0 : i32
        %dma_start3A_172 = tpu.memref_slice %arg3[%dma_start3A_170, %dma_start3A_171] : memref<1000000x64xf32, #tpu.memory_space<hbm>> -> memref<1000000x64xf32, #tpu.memory_space<hbm>>
        tpu.enqueue_indirect_dma source(%dma_start3A_172 : memref<1000000x64xf32, #tpu.memory_space<hbm>>) target(%dma_start3A_168 : memref<128x64xf32, #tpu.memory_space<vmem>>) offsets(%dma_start3A_169 : memref<128xi32, #tpu.memory_space<vmem>>) semaphore(%arg9 : memref<!tpu.dma_semaphore, #tpu.memory_space<semaphore_mem>>)
        %dma_start3A_173 = arith.constant 128 : i32
        %dma_start3A_174 = arith.constant 0 : i32
        %dma_start3A_175 = tpu.memref_slice %arg6[%dma_start3A_173, %dma_start3A_174] : memref<200x64xf32, #tpu.memory_space<vmem>> -> memref<72x64xf32, #tpu.memory_space<vmem>>
        %dma_start3A_176 = tpu.memref_slice %arg5[%add3A_165] : memref<25600xi32, #tpu.memory_space<vmem>> -> memref<72xi32, #tpu.memory_space<vmem>>
        %dma_start3A_177 = arith.constant 0 : i32
        %dma_start3A_178 = arith.constant 0 : i32
        %dma_start3A_179 = tpu.memref_slice %arg3[%dma_start3A_177, %dma_start3A_178] : memref<1000000x64xf32, #tpu.memory_space<hbm>> -> memref<1000000x64xf32, #tpu.memory_space<hbm>>
        tpu.enqueue_indirect_dma source(%dma_start3A_179 : memref<1000000x64xf32, #tpu.memory_space<hbm>>) target(%dma_start3A_175 : memref<72x64xf32, #tpu.memory_space<vmem>>) offsets(%dma_start3A_176 : memref<72xi32, #tpu.memory_space<vmem>>) semaphore(%arg9 : memref<!tpu.dma_semaphore, #tpu.memory_space<semaphore_mem>>)
      } else {
      }
      %add3A_102 = arith.constant 1 : i32
      %add3A_103 = arith.addi %mul3A_29, %add3A_102 : i32
      %mul3A_104 = arith.constant 200 : i32
      %mul3A_105 = arith.muli %add3A_103, %mul3A_104 : i32
      %add3A_106 = arith.constant 0 : i32
      %add3A_107 = arith.addi %mul3A_105, %add3A_106 : i32
      %mul3A_108 = arith.constant 200 : i32
      %mul3A_109 = arith.muli %add3A_103, %mul3A_108 : i32
      %add3A_110 = arith.constant 128 : i32
      %add3A_111 = arith.addi %mul3A_109, %add3A_110 : i32
      %dma_wait3A_112 = arith.constant 0 : i32
      %dma_wait3A_113 = arith.constant 0 : i32
      %dma_wait3A_114 = tpu.memref_slice %arg7[%dma_wait3A_112, %dma_wait3A_113] : memref<200x64xf32, #tpu.memory_space<vmem>> -> memref<128x64xf32, #tpu.memory_space<vmem>>
      %dma_wait3A_115 = tpu.memref_slice %arg5[%add3A_107] : memref<25600xi32, #tpu.memory_space<vmem>> -> memref<128xi32, #tpu.memory_space<vmem>>
      %dma_wait3A_116 = arith.constant 0 : i32
      %dma_wait3A_117 = arith.constant 0 : i32
      %dma_wait3A_118 = tpu.memref_slice %arg3[%dma_wait3A_116, %dma_wait3A_117] : memref<1000000x64xf32, #tpu.memory_space<hbm>> -> memref<1000000x64xf32, #tpu.memory_space<hbm>>
      tpu.wait_indirect_dma semaphore(%arg10 : memref<!tpu.dma_semaphore, #tpu.memory_space<semaphore_mem>>) src(%dma_wait3A_118 : memref<1000000x64xf32, #tpu.memory_space<hbm>>) dst(%dma_wait3A_114 : memref<128x64xf32, #tpu.memory_space<vmem>>)
      %dma_wait3A_119 = arith.constant 128 : i32
      %dma_wait3A_120 = arith.constant 0 : i32
      %dma_wait3A_121 = tpu.memref_slice %arg7[%dma_wait3A_119, %dma_wait3A_120] : memref<200x64xf32, #tpu.memory_space<vmem>> -> memref<72x64xf32, #tpu.memory_space<vmem>>
      %dma_wait3A_122 = tpu.memref_slice %arg5[%add3A_111] : memref<25600xi32, #tpu.memory_space<vmem>> -> memref<72xi32, #tpu.memory_space<vmem>>
      %dma_wait3A_123 = arith.constant 0 : i32
      %dma_wait3A_124 = arith.constant 0 : i32
      %dma_wait3A_125 = tpu.memref_slice %arg3[%dma_wait3A_123, %dma_wait3A_124] : memref<1000000x64xf32, #tpu.memory_space<hbm>> -> memref<1000000x64xf32, #tpu.memory_space<hbm>>
      tpu.wait_indirect_dma semaphore(%arg10 : memref<!tpu.dma_semaphore, #tpu.memory_space<semaphore_mem>>) src(%dma_wait3A_125 : memref<1000000x64xf32, #tpu.memory_space<hbm>>) dst(%dma_wait3A_121 : memref<72x64xf32, #tpu.memory_space<vmem>>)
      %add3A_126 = arith.constant 1 : i32
      %add3A_127 = arith.addi %mul3A_29, %add3A_126 : i32
      %broadcast_in_dim3A_128 = arith.constant 0.000000e+00 : f32
      %broadcast_in_dim3A_129 = vector.broadcast %broadcast_in_dim3A_128 : f32 to vector<16xf32>
      %scan3A_130 = arith.constant 0 : i32
      %scan3A_131 = arith.constant 25 : i32
      %scan3A_132 = arith.addi %scan3A_130, %scan3A_131 : i32
      %scan3A_133 = arith.constant 1 : i32
      %scan3A_134:4 = scf.for %scan3A_156 = %scan3A_130 to %scan3A_132 step %scan3A_133 iter_args(%scan3A_157 = %broadcast_in_dim3A_129, %scan3A_158 = %broadcast_in_dim3A_129, %scan3A_159 = %broadcast_in_dim3A_129, %scan3A_160 = %broadcast_in_dim3A_129) -> (vector<16xf32>, vector<16xf32>, vector<16xf32>, vector<16xf32>)  : i32 {
        %mul3A_161 = arith.constant 8 : i32
        %mul3A_162 = arith.muli %mul3A_161, %scan3A_156 : i32
        %add3A_163 = arith.constant 0 : i32
        %add3A_164 = arith.addi %mul3A_162, %add3A_163 : i32
        %get3A = arith.index_cast %add3A_164 : i32 to index
        %get3A_165 = arith.constant 0 : index
        %get3A_166 = tpu.vector_load %arg7[%get3A, %get3A_165] {strides = array<i32>} : memref<200x64xf32, #tpu.memory_space<vmem>>, vector<1x16xf32>,
        %get3A_167 = vector.shape_cast %get3A_166 : vector<1x16xf32> to vector<16xf32>
        %add3A_168 = arith.addf %scan3A_157, %get3A_167 : vector<16xf32>
        %get3A_169 = arith.index_cast %add3A_164 : i32 to index
        %get3A_170 = arith.constant 16 : index
        %get3A_171 = tpu.vector_load %arg7[%get3A_169, %get3A_170] {strides = array<i32>} : memref<200x64xf32, #tpu.memory_space<vmem>>, vector<1x16xf32>,
        %get3A_172 = vector.shape_cast %get3A_171 : vector<1x16xf32> to vector<16xf32>
        %add3A_173 = arith.addf %scan3A_158, %get3A_172 : vector<16xf32>
        %get3A_174 = arith.index_cast %add3A_164 : i32 to index
        %get3A_175 = arith.constant 32 : index
        %get3A_176 = tpu.vector_load %arg7[%get3A_174, %get3A_175] {strides = array<i32>} : memref<200x64xf32, #tpu.memory_space<vmem>>, vector<1x16xf32>,
        %get3A_177 = vector.shape_cast %get3A_176 : vector<1x16xf32> to vector<16xf32>
        %add3A_178 = arith.addf %scan3A_159, %get3A_177 : vector<16xf32>
        %get3A_179 = arith.index_cast %add3A_164 : i32 to index
        %get3A_180 = arith.constant 48 : index
        %get3A_181 = tpu.vector_load %arg7[%get3A_179, %get3A_180] {strides = array<i32>} : memref<200x64xf32, #tpu.memory_space<vmem>>, vector<1x16xf32>,
        %get3A_182 = vector.shape_cast %get3A_181 : vector<1x16xf32> to vector<16xf32>
        %add3A_183 = arith.addf %scan3A_160, %get3A_182 : vector<16xf32>
        %mul3A_184 = arith.constant 8 : i32
        %mul3A_185 = arith.muli %mul3A_184, %scan3A_156 : i32
        %add3A_186 = arith.constant 1 : i32
        %add3A_187 = arith.addi %mul3A_185, %add3A_186 : i32
        %get3A_188 = arith.index_cast %add3A_187 : i32 to index
        %get3A_189 = arith.constant 0 : index
        %get3A_190 = tpu.vector_load %arg7[%get3A_188, %get3A_189] {strides = array<i32>} : memref<200x64xf32, #tpu.memory_space<vmem>>, vector<1x16xf32>,
        %get3A_191 = vector.shape_cast %get3A_190 : vector<1x16xf32> to vector<16xf32>
        %add3A_192 = arith.addf %add3A_168, %get3A_191 : vector<16xf32>
        %get3A_193 = arith.index_cast %add3A_187 : i32 to index
        %get3A_194 = arith.constant 16 : index
        %get3A_195 = tpu.vector_load %arg7[%get3A_193, %get3A_194] {strides = array<i32>} : memref<200x64xf32, #tpu.memory_space<vmem>>, vector<1x16xf32>,
        %get3A_196 = vector.shape_cast %get3A_195 : vector<1x16xf32> to vector<16xf32>
        %add3A_197 = arith.addf %add3A_173, %get3A_196 : vector<16xf32>
        %get3A_198 = arith.index_cast %add3A_187 : i32 to index
        %get3A_199 = arith.constant 32 : index
        %get3A_200 = tpu.vector_load %arg7[%get3A_198, %get3A_199] {strides = array<i32>} : memref<200x64xf32, #tpu.memory_space<vmem>>, vector<1x16xf32>,
        %get3A_201 = vector.shape_cast %get3A_200 : vector<1x16xf32> to vector<16xf32>
        %add3A_202 = arith.addf %add3A_178, %get3A_201 : vector<16xf32>
        %get3A_203 = arith.index_cast %add3A_187 : i32 to index
        %get3A_204 = arith.constant 48 : index
        %get3A_205 = tpu.vector_load %arg7[%get3A_203, %get3A_204] {strides = array<i32>} : memref<200x64xf32, #tpu.memory_space<vmem>>, vector<1x16xf32>,
        %get3A_206 = vector.shape_cast %get3A_205 : vector<1x16xf32> to vector<16xf32>
        %add3A_207 = arith.addf %add3A_183, %get3A_206 : vector<16xf32>
        %mul3A_208 = arith.constant 8 : i32
        %mul3A_209 = arith.muli %mul3A_208, %scan3A_156 : i32
        %add3A_210 = arith.constant 2 : i32
        %add3A_211 = arith.addi %mul3A_209, %add3A_210 : i32
        %get3A_212 = arith.index_cast %add3A_211 : i32 to index
        %get3A_213 = arith.constant 0 : index
        %get3A_214 = tpu.vector_load %arg7[%get3A_212, %get3A_213] {strides = array<i32>} : memref<200x64xf32, #tpu.memory_space<vmem>>, vector<1x16xf32>,
        %get3A_215 = vector.shape_cast %get3A_214 : vector<1x16xf32> to vector<16xf32>
        %add3A_216 = arith.addf %add3A_192, %get3A_215 : vector<16xf32>
        %get3A_217 = arith.index_cast %add3A_211 : i32 to index
        %get3A_218 = arith.constant 16 : index
        %get3A_219 = tpu.vector_load %arg7[%get3A_217, %get3A_218] {strides = array<i32>} : memref<200x64xf32, #tpu.memory_space<vmem>>, vector<1x16xf32>,
        %get3A_220 = vector.shape_cast %get3A_219 : vector<1x16xf32> to vector<16xf32>
        %add3A_221 = arith.addf %add3A_197, %get3A_220 : vector<16xf32>
        %get3A_222 = arith.index_cast %add3A_211 : i32 to index
        %get3A_223 = arith.constant 32 : index
        %get3A_224 = tpu.vector_load %arg7[%get3A_222, %get3A_223] {strides = array<i32>} : memref<200x64xf32, #tpu.memory_space<vmem>>, vector<1x16xf32>,
        %get3A_225 = vector.shape_cast %get3A_224 : vector<1x16xf32> to vector<16xf32>
        %add3A_226 = arith.addf %add3A_202, %get3A_225 : vector<16xf32>
        %get3A_227 = arith.index_cast %add3A_211 : i32 to index
        %get3A_228 = arith.constant 48 : index
        %get3A_229 = tpu.vector_load %arg7[%get3A_227, %get3A_228] {strides = array<i32>} : memref<200x64xf32, #tpu.memory_space<vmem>>, vector<1x16xf32>,
        %get3A_230 = vector.shape_cast %get3A_229 : vector<1x16xf32> to vector<16xf32>
        %add3A_231 = arith.addf %add3A_207, %get3A_230 : vector<16xf32>
        %mul3A_232 = arith.constant 8 : i32
        %mul3A_233 = arith.muli %mul3A_232, %scan3A_156 : i32
        %add3A_234 = arith.constant 3 : i32
        %add3A_235 = arith.addi %mul3A_233, %add3A_234 : i32
        %get3A_236 = arith.index_cast %add3A_235 : i32 to index
        %get3A_237 = arith.constant 0 : index
        %get3A_238 = tpu.vector_load %arg7[%get3A_236, %get3A_237] {strides = array<i32>} : memref<200x64xf32, #tpu.memory_space<vmem>>, vector<1x16xf32>,
        %get3A_239 = vector.shape_cast %get3A_238 : vector<1x16xf32> to vector<16xf32>
        %add3A_240 = arith.addf %add3A_216, %get3A_239 : vector<16xf32>
        %get3A_241 = arith.index_cast %add3A_235 : i32 to index
        %get3A_242 = arith.constant 16 : index
        %get3A_243 = tpu.vector_load %arg7[%get3A_241, %get3A_242] {strides = array<i32>} : memref<200x64xf32, #tpu.memory_space<vmem>>, vector<1x16xf32>,
        %get3A_244 = vector.shape_cast %get3A_243 : vector<1x16xf32> to vector<16xf32>
        %add3A_245 = arith.addf %add3A_221, %get3A_244 : vector<16xf32>
        %get3A_246 = arith.index_cast %add3A_235 : i32 to index
        %get3A_247 = arith.constant 32 : index
        %get3A_248 = tpu.vector_load %arg7[%get3A_246, %get3A_247] {strides = array<i32>} : memref<200x64xf32, #tpu.memory_space<vmem>>, vector<1x16xf32>,
        %get3A_249 = vector.shape_cast %get3A_248 : vector<1x16xf32> to vector<16xf32>
        %add3A_250 = arith.addf %add3A_226, %get3A_249 : vector<16xf32>
        %get3A_251 = arith.index_cast %add3A_235 : i32 to index
        %get3A_252 = arith.constant 48 : index
        %get3A_253 = tpu.vector_load %arg7[%get3A_251, %get3A_252] {strides = array<i32>} : memref<200x64xf32, #tpu.memory_space<vmem>>, vector<1x16xf32>,
        %get3A_254 = vector.shape_cast %get3A_253 : vector<1x16xf32> to vector<16xf32>
        %add3A_255 = arith.addf %add3A_231, %get3A_254 : vector<16xf32>
        %mul3A_256 = arith.constant 8 : i32
        %mul3A_257 = arith.muli %mul3A_256, %scan3A_156 : i32
        %add3A_258 = arith.constant 4 : i32
        %add3A_259 = arith.addi %mul3A_257, %add3A_258 : i32
        %get3A_260 = arith.index_cast %add3A_259 : i32 to index
        %get3A_261 = arith.constant 0 : index
        %get3A_262 = tpu.vector_load %arg7[%get3A_260, %get3A_261] {strides = array<i32>} : memref<200x64xf32, #tpu.memory_space<vmem>>, vector<1x16xf32>,
        %get3A_263 = vector.shape_cast %get3A_262 : vector<1x16xf32> to vector<16xf32>
        %add3A_264 = arith.addf %add3A_240, %get3A_263 : vector<16xf32>
        %get3A_265 = arith.index_cast %add3A_259 : i32 to index
        %get3A_266 = arith.constant 16 : index
        %get3A_267 = tpu.vector_load %arg7[%get3A_265, %get3A_266] {strides = array<i32>} : memref<200x64xf32, #tpu.memory_space<vmem>>, vector<1x16xf32>,
        %get3A_268 = vector.shape_cast %get3A_267 : vector<1x16xf32> to vector<16xf32>
        %add3A_269 = arith.addf %add3A_245, %get3A_268 : vector<16xf32>
        %get3A_270 = arith.index_cast %add3A_259 : i32 to index
        %get3A_271 = arith.constant 32 : index
        %get3A_272 = tpu.vector_load %arg7[%get3A_270, %get3A_271] {strides = array<i32>} : memref<200x64xf32, #tpu.memory_space<vmem>>, vector<1x16xf32>,
        %get3A_273 = vector.shape_cast %get3A_272 : vector<1x16xf32> to vector<16xf32>
        %add3A_274 = arith.addf %add3A_250, %get3A_273 : vector<16xf32>
        %get3A_275 = arith.index_cast %add3A_259 : i32 to index
        %get3A_276 = arith.constant 48 : index
        %get3A_277 = tpu.vector_load %arg7[%get3A_275, %get3A_276] {strides = array<i32>} : memref<200x64xf32, #tpu.memory_space<vmem>>, vector<1x16xf32>,
        %get3A_278 = vector.shape_cast %get3A_277 : vector<1x16xf32> to vector<16xf32>
        %add3A_279 = arith.addf %add3A_255, %get3A_278 : vector<16xf32>
        %mul3A_280 = arith.constant 8 : i32
        %mul3A_281 = arith.muli %mul3A_280, %scan3A_156 : i32
        %add3A_282 = arith.constant 5 : i32
        %add3A_283 = arith.addi %mul3A_281, %add3A_282 : i32
        %get3A_284 = arith.index_cast %add3A_283 : i32 to index
        %get3A_285 = arith.constant 0 : index
        %get3A_286 = tpu.vector_load %arg7[%get3A_284, %get3A_285] {strides = array<i32>} : memref<200x64xf32, #tpu.memory_space<vmem>>, vector<1x16xf32>,
        %get3A_287 = vector.shape_cast %get3A_286 : vector<1x16xf32> to vector<16xf32>
        %add3A_288 = arith.addf %add3A_264, %get3A_287 : vector<16xf32>
        %get3A_289 = arith.index_cast %add3A_283 : i32 to index
        %get3A_290 = arith.constant 16 : index
        %get3A_291 = tpu.vector_load %arg7[%get3A_289, %get3A_290] {strides = array<i32>} : memref<200x64xf32, #tpu.memory_space<vmem>>, vector<1x16xf32>,
        %get3A_292 = vector.shape_cast %get3A_291 : vector<1x16xf32> to vector<16xf32>
        %add3A_293 = arith.addf %add3A_269, %get3A_292 : vector<16xf32>
        %get3A_294 = arith.index_cast %add3A_283 : i32 to index
        %get3A_295 = arith.constant 32 : index
        %get3A_296 = tpu.vector_load %arg7[%get3A_294, %get3A_295] {strides = array<i32>} : memref<200x64xf32, #tpu.memory_space<vmem>>, vector<1x16xf32>,
        %get3A_297 = vector.shape_cast %get3A_296 : vector<1x16xf32> to vector<16xf32>
        %add3A_298 = arith.addf %add3A_274, %get3A_297 : vector<16xf32>
        %get3A_299 = arith.index_cast %add3A_283 : i32 to index
        %get3A_300 = arith.constant 48 : index
        %get3A_301 = tpu.vector_load %arg7[%get3A_299, %get3A_300] {strides = array<i32>} : memref<200x64xf32, #tpu.memory_space<vmem>>, vector<1x16xf32>,
        %get3A_302 = vector.shape_cast %get3A_301 : vector<1x16xf32> to vector<16xf32>
        %add3A_303 = arith.addf %add3A_279, %get3A_302 : vector<16xf32>
        %mul3A_304 = arith.constant 8 : i32
        %mul3A_305 = arith.muli %mul3A_304, %scan3A_156 : i32
        %add3A_306 = arith.constant 6 : i32
        %add3A_307 = arith.addi %mul3A_305, %add3A_306 : i32
        %get3A_308 = arith.index_cast %add3A_307 : i32 to index
        %get3A_309 = arith.constant 0 : index
        %get3A_310 = tpu.vector_load %arg7[%get3A_308, %get3A_309] {strides = array<i32>} : memref<200x64xf32, #tpu.memory_space<vmem>>, vector<1x16xf32>,
        %get3A_311 = vector.shape_cast %get3A_310 : vector<1x16xf32> to vector<16xf32>
        %add3A_312 = arith.addf %add3A_288, %get3A_311 : vector<16xf32>
        %get3A_313 = arith.index_cast %add3A_307 : i32 to index
        %get3A_314 = arith.constant 16 : index
        %get3A_315 = tpu.vector_load %arg7[%get3A_313, %get3A_314] {strides = array<i32>} : memref<200x64xf32, #tpu.memory_space<vmem>>, vector<1x16xf32>,
        %get3A_316 = vector.shape_cast %get3A_315 : vector<1x16xf32> to vector<16xf32>
        %add3A_317 = arith.addf %add3A_293, %get3A_316 : vector<16xf32>
        %get3A_318 = arith.index_cast %add3A_307 : i32 to index
        %get3A_319 = arith.constant 32 : index
        %get3A_320 = tpu.vector_load %arg7[%get3A_318, %get3A_319] {strides = array<i32>} : memref<200x64xf32, #tpu.memory_space<vmem>>, vector<1x16xf32>,
        %get3A_321 = vector.shape_cast %get3A_320 : vector<1x16xf32> to vector<16xf32>
        %add3A_322 = arith.addf %add3A_298, %get3A_321 : vector<16xf32>
        %get3A_323 = arith.index_cast %add3A_307 : i32 to index
        %get3A_324 = arith.constant 48 : index
        %get3A_325 = tpu.vector_load %arg7[%get3A_323, %get3A_324] {strides = array<i32>} : memref<200x64xf32, #tpu.memory_space<vmem>>, vector<1x16xf32>,
        %get3A_326 = vector.shape_cast %get3A_325 : vector<1x16xf32> to vector<16xf32>
        %add3A_327 = arith.addf %add3A_303, %get3A_326 : vector<16xf32>
        %mul3A_328 = arith.constant 8 : i32
        %mul3A_329 = arith.muli %mul3A_328, %scan3A_156 : i32
        %add3A_330 = arith.constant 7 : i32
        %add3A_331 = arith.addi %mul3A_329, %add3A_330 : i32
        %get3A_332 = arith.index_cast %add3A_331 : i32 to index
        %get3A_333 = arith.constant 0 : index
        %get3A_334 = tpu.vector_load %arg7[%get3A_332, %get3A_333] {strides = array<i32>} : memref<200x64xf32, #tpu.memory_space<vmem>>, vector<1x16xf32>,
        %get3A_335 = vector.shape_cast %get3A_334 : vector<1x16xf32> to vector<16xf32>
        %add3A_336 = arith.addf %add3A_312, %get3A_335 : vector<16xf32>
        %get3A_337 = arith.index_cast %add3A_331 : i32 to index
        %get3A_338 = arith.constant 16 : index
        %get3A_339 = tpu.vector_load %arg7[%get3A_337, %get3A_338] {strides = array<i32>} : memref<200x64xf32, #tpu.memory_space<vmem>>, vector<1x16xf32>,
        %get3A_340 = vector.shape_cast %get3A_339 : vector<1x16xf32> to vector<16xf32>
        %add3A_341 = arith.addf %add3A_317, %get3A_340 : vector<16xf32>
        %get3A_342 = arith.index_cast %add3A_331 : i32 to index
        %get3A_343 = arith.constant 32 : index
        %get3A_344 = tpu.vector_load %arg7[%get3A_342, %get3A_343] {strides = array<i32>} : memref<200x64xf32, #tpu.memory_space<vmem>>, vector<1x16xf32>,
        %get3A_345 = vector.shape_cast %get3A_344 : vector<1x16xf32> to vector<16xf32>
        %add3A_346 = arith.addf %add3A_322, %get3A_345 : vector<16xf32>
        %get3A_347 = arith.index_cast %add3A_331 : i32 to index
        %get3A_348 = arith.constant 48 : index
        %get3A_349 = tpu.vector_load %arg7[%get3A_347, %get3A_348] {strides = array<i32>} : memref<200x64xf32, #tpu.memory_space<vmem>>, vector<1x16xf32>,
        %get3A_350 = vector.shape_cast %get3A_349 : vector<1x16xf32> to vector<16xf32>
        %add3A_351 = arith.addf %add3A_327, %get3A_350 : vector<16xf32>
        scf.yield %add3A_336, %add3A_341, %add3A_346, %add3A_351 : vector<16xf32>, vector<16xf32>, vector<16xf32>, vector<16xf32>
      }
      %scan3A_135 = arith.constant 25 : i32
      %swap3A_136 = arith.constant 0 : index
      %swap3A_137 = tpu.vector_load %arg8[%swap3A_136] {strides = array<i32>} : memref<64xf32, #tpu.memory_space<vmem>>, vector<16xf32>,
      %swap3A_138 = vector.shape_cast %swap3A_137 : vector<16xf32> to vector<16xf32>
      %swap3A_139 = vector.shape_cast %scan3A_134#0 : vector<16xf32> to vector<16xf32>
      tpu.vector_store %arg8[%swap3A_136], %swap3A_139 {strides = array<i32>} : memref<64xf32, #tpu.memory_space<vmem>>, vector<16xf32>,
      %swap3A_140 = arith.constant 16 : index
      %swap3A_141 = tpu.vector_load %arg8[%swap3A_140] {strides = array<i32>} : memref<64xf32, #tpu.memory_space<vmem>>, vector<16xf32>,
      %swap3A_142 = vector.shape_cast %swap3A_141 : vector<16xf32> to vector<16xf32>
      %swap3A_143 = vector.shape_cast %scan3A_134#1 : vector<16xf32> to vector<16xf32>
      tpu.vector_store %arg8[%swap3A_140], %swap3A_143 {strides = array<i32>} : memref<64xf32, #tpu.memory_space<vmem>>, vector<16xf32>,
      %swap3A_144 = arith.constant 32 : index
      %swap3A_145 = tpu.vector_load %arg8[%swap3A_144] {strides = array<i32>} : memref<64xf32, #tpu.memory_space<vmem>>, vector<16xf32>,
      %swap3A_146 = vector.shape_cast %swap3A_145 : vector<16xf32> to vector<16xf32>
      %swap3A_147 = vector.shape_cast %scan3A_134#2 : vector<16xf32> to vector<16xf32>
      tpu.vector_store %arg8[%swap3A_144], %swap3A_147 {strides = array<i32>} : memref<64xf32, #tpu.memory_space<vmem>>, vector<16xf32>,
      %swap3A_148 = arith.constant 48 : index
      %swap3A_149 = tpu.vector_load %arg8[%swap3A_148] {strides = array<i32>} : memref<64xf32, #tpu.memory_space<vmem>>, vector<16xf32>,
      %swap3A_150 = vector.shape_cast %swap3A_149 : vector<16xf32> to vector<16xf32>
      %swap3A_151 = vector.shape_cast %scan3A_134#3 : vector<16xf32> to vector<16xf32>
      tpu.vector_store %arg8[%swap3A_148], %swap3A_151 {strides = array<i32>} : memref<64xf32, #tpu.memory_space<vmem>>, vector<16xf32>,
      %add3A_152 = arith.addi %mul3A_2, %add3A_127 : i32
      %mul3A_153 = arith.constant 64 : i32
      %mul3A_154 = arith.muli %add3A_152, %mul3A_153 : i32
      "tpu.region"() ({
        %run_scoped3A = tpu.sem_alloc : memref<!tpu.dma_semaphore, #tpu.memory_space<semaphore_mem>>
        %dma_start3A_156 = tpu.memref_slice %arg4[%mul3A_154] : memref<262144xf32, #tpu.memory_space<hbm>> -> memref<64xf32, #tpu.memory_space<hbm>>
        %dma_start3A_157 = tpu.memref_slice %arg4[%mul3A_154] : memref<262144xf32, #tpu.memory_space<hbm>> -> memref<64xf32, #tpu.memory_space<hbm>>
        tpu.enqueue_dma source(%arg8 : memref<64xf32, #tpu.memory_space<vmem>>) target(%dma_start3A_157 : memref<64xf32, #tpu.memory_space<hbm>>) target_semaphore(%run_scoped3A : memref<!tpu.dma_semaphore, #tpu.memory_space<semaphore_mem>>)
        %dma_wait3A_158 = tpu.memref_slice %arg4[%mul3A_154] : memref<262144xf32, #tpu.memory_space<hbm>> -> memref<64xf32, #tpu.memory_space<hbm>>
        %dma_wait3A_159 = tpu.memref_slice %arg4[%mul3A_154] : memref<262144xf32, #tpu.memory_space<hbm>> -> memref<64xf32, #tpu.memory_space<hbm>>
        tpu.wait_dma2 semaphore(%run_scoped3A : memref<!tpu.dma_semaphore, #tpu.memory_space<semaphore_mem>>) src(%arg8 : memref<64xf32, #tpu.memory_space<vmem>>) dst(%dma_wait3A_159 : memref<64xf32, #tpu.memory_space<hbm>>)
        tpu.yield
      }) : () -> ()
      %scan3A_155 = arith.constant 0 : i32
      scf.yield %scan3A_155 : i32
    }
    %scan3A_25 = arith.constant 64 : i32
    return
  }
}

#map = affine_map<(d0, d1) -> (0)>
#map1 = affine_map<(d0, d1) -> (0, 0)>
module attributes {stable_mosaic.version = 14 : i64} {
  func.func @pool_kernel(%arg0: i32, %arg1: i32, %arg2: memref<819200xi32, #tpu.memory_space<hbm>>, %arg3: memref<100000x64xf32, #tpu.memory_space<hbm>>, %arg4: memref<262144xf32, #tpu.memory_space<hbm>>, %arg5: memref<25600xi32, #tpu.memory_space<vmem>>, %arg6: memref<200x64xf32, #tpu.memory_space<vmem>>, %arg7: memref<200x64xf32, #tpu.memory_space<vmem>>, %arg8: memref<64xf32, #tpu.memory_space<vmem>>, %arg9: memref<!tpu.dma_semaphore, #tpu.memory_space<semaphore_mem>>, %arg10: memref<!tpu.dma_semaphore, #tpu.memory_space<semaphore_mem>>) attributes {dimension_semantics = [#tpu.dimension_semantics<core_parallel>, #tpu.dimension_semantics<subcore_parallel>], iteration_bounds = array<i64: 2, 16>, scalar_prefetch = 0 : i64, scratch_operands = 6 : i64, tpu.core_type = #tpu.core_type<sc_vector_subcore>, window_params = [{transform_indices = #map}, {transform_indices = #map1}, {transform_indices = #map}]} {
    %mul3A = arith.constant 2 : i32
    %mul3A_0 = arith.muli %arg1, %mul3A : i32
    %add3A = arith.addi %mul3A_0, %arg0 : i32
    %mul3A_1 = arith.constant 128 : i32
    %mul3A_2 = arith.muli %add3A, %mul3A_1 : i32
    %mul3A_3 = arith.constant 200 : i32
    %mul3A_4 = arith.muli %mul3A_2, %mul3A_3 : i32
    "tpu.region"() ({
      %run_scoped3A = tpu.sem_alloc : memref<!tpu.dma_semaphore, #tpu.memory_space<semaphore_mem>>
      %dma_start3A_26 = tpu.memref_slice %arg2[%mul3A_4] : memref<819200xi32, #tpu.memory_space<hbm>> -> memref<25600xi32, #tpu.memory_space<hbm>>
      %dma_start3A_27 = tpu.memref_slice %arg2[%mul3A_4] : memref<819200xi32, #tpu.memory_space<hbm>> -> memref<25600xi32, #tpu.memory_space<hbm>>
      tpu.enqueue_dma source(%dma_start3A_27 : memref<25600xi32, #tpu.memory_space<hbm>>) target(%arg5 : memref<25600xi32, #tpu.memory_space<vmem>>) target_semaphore(%run_scoped3A : memref<!tpu.dma_semaphore, #tpu.memory_space<semaphore_mem>>)
      %dma_wait3A = tpu.memref_slice %arg2[%mul3A_4] : memref<819200xi32, #tpu.memory_space<hbm>> -> memref<25600xi32, #tpu.memory_space<hbm>>
      %dma_wait3A_28 = tpu.memref_slice %arg2[%mul3A_4] : memref<819200xi32, #tpu.memory_space<hbm>> -> memref<25600xi32, #tpu.memory_space<hbm>>
      tpu.wait_dma2 semaphore(%run_scoped3A : memref<!tpu.dma_semaphore, #tpu.memory_space<semaphore_mem>>) src(%dma_wait3A_28 : memref<25600xi32, #tpu.memory_space<hbm>>) dst(%arg5 : memref<25600xi32, #tpu.memory_space<vmem>>)
      tpu.yield
    }) : () -> ()
    %dma_start3A = arith.constant 0 : i32
    %dma_start3A_5 = arith.constant 0 : i32
    %dma_start3A_6 = tpu.memref_slice %arg6[%dma_start3A, %dma_start3A_5] : memref<200x64xf32, #tpu.memory_space<vmem>> -> memref<128x64xf32, #tpu.memory_space<vmem>>
    %dma_start3A_7 = arith.constant 0 : i32
    %dma_start3A_8 = tpu.memref_slice %arg5[%dma_start3A_7] : memref<25600xi32, #tpu.memory_space<vmem>> -> memref<128xi32, #tpu.memory_space<vmem>>
    %dma_start3A_9 = arith.constant 0 : i32
    %dma_start3A_10 = arith.constant 0 : i32
    %dma_start3A_11 = tpu.memref_slice %arg3[%dma_start3A_9, %dma_start3A_10] : memref<100000x64xf32, #tpu.memory_space<hbm>> -> memref<100000x64xf32, #tpu.memory_space<hbm>>
    tpu.enqueue_indirect_dma source(%dma_start3A_11 : memref<100000x64xf32, #tpu.memory_space<hbm>>) target(%dma_start3A_6 : memref<128x64xf32, #tpu.memory_space<vmem>>) offsets(%dma_start3A_8 : memref<128xi32, #tpu.memory_space<vmem>>) semaphore(%arg9 : memref<!tpu.dma_semaphore, #tpu.memory_space<semaphore_mem>>)
    %dma_start3A_12 = arith.constant 128 : i32
    %dma_start3A_13 = arith.constant 0 : i32
    %dma_start3A_14 = tpu.memref_slice %arg6[%dma_start3A_12, %dma_start3A_13] : memref<200x64xf32, #tpu.memory_space<vmem>> -> memref<72x64xf32, #tpu.memory_space<vmem>>
    %dma_start3A_15 = arith.constant 128 : i32
    %dma_start3A_16 = tpu.memref_slice %arg5[%dma_start3A_15] : memref<25600xi32, #tpu.memory_space<vmem>> -> memref<72xi32, #tpu.memory_space<vmem>>
    %dma_start3A_17 = arith.constant 0 : i32
    %dma_start3A_18 = arith.constant 0 : i32
    %dma_start3A_19 = tpu.memref_slice %arg3[%dma_start3A_17, %dma_start3A_18] : memref<100000x64xf32, #tpu.memory_space<hbm>> -> memref<100000x64xf32, #tpu.memory_space<hbm>>
    tpu.enqueue_indirect_dma source(%dma_start3A_19 : memref<100000x64xf32, #tpu.memory_space<hbm>>) target(%dma_start3A_14 : memref<72x64xf32, #tpu.memory_space<vmem>>) offsets(%dma_start3A_16 : memref<72xi32, #tpu.memory_space<vmem>>) semaphore(%arg9 : memref<!tpu.dma_semaphore, #tpu.memory_space<semaphore_mem>>)
    %scan3A = arith.constant 0 : i32
    %scan3A_20 = arith.constant 0 : i32
    %scan3A_21 = arith.constant 64 : i32
    %scan3A_22 = arith.addi %scan3A_20, %scan3A_21 : i32
    %scan3A_23 = arith.constant 1 : i32
    %scan3A_24 = scf.for %scan3A_26 = %scan3A_20 to %scan3A_22 step %scan3A_23 iter_args(%scan3A_27 = %scan3A) -> (i32)  : i32 {
      %mul3A_28 = arith.constant 2 : i32
      %mul3A_29 = arith.muli %mul3A_28, %scan3A_26 : i32
      %add3A_30 = arith.constant 1 : i32
      %add3A_31 = arith.addi %mul3A_29, %add3A_30 : i32
      %mul3A_32 = arith.constant 200 : i32
      %mul3A_33 = arith.muli %add3A_31, %mul3A_32 : i32
      %add3A_34 = arith.constant 0 : i32
      %add3A_35 = arith.addi %mul3A_33, %add3A_34 : i32
      %mul3A_36 = arith.constant 200 : i32
      %mul3A_37 = arith.muli %add3A_31, %mul3A_36 : i32
      %add3A_38 = arith.constant 128 : i32
      %add3A_39 = arith.addi %mul3A_37, %add3A_38 : i32
      %dma_start3A_40 = arith.constant 0 : i32
      %dma_start3A_41 = arith.constant 0 : i32
      %dma_start3A_42 = tpu.memref_slice %arg7[%dma_start3A_40, %dma_start3A_41] : memref<200x64xf32, #tpu.memory_space<vmem>> -> memref<128x64xf32, #tpu.memory_space<vmem>>
      %dma_start3A_43 = tpu.memref_slice %arg5[%add3A_35] : memref<25600xi32, #tpu.memory_space<vmem>> -> memref<128xi32, #tpu.memory_space<vmem>>
      %dma_start3A_44 = arith.constant 0 : i32
      %dma_start3A_45 = arith.constant 0 : i32
      %dma_start3A_46 = tpu.memref_slice %arg3[%dma_start3A_44, %dma_start3A_45] : memref<100000x64xf32, #tpu.memory_space<hbm>> -> memref<100000x64xf32, #tpu.memory_space<hbm>>
      tpu.enqueue_indirect_dma source(%dma_start3A_46 : memref<100000x64xf32, #tpu.memory_space<hbm>>) target(%dma_start3A_42 : memref<128x64xf32, #tpu.memory_space<vmem>>) offsets(%dma_start3A_43 : memref<128xi32, #tpu.memory_space<vmem>>) semaphore(%arg10 : memref<!tpu.dma_semaphore, #tpu.memory_space<semaphore_mem>>)
      %dma_start3A_47 = arith.constant 128 : i32
      %dma_start3A_48 = arith.constant 0 : i32
      %dma_start3A_49 = tpu.memref_slice %arg7[%dma_start3A_47, %dma_start3A_48] : memref<200x64xf32, #tpu.memory_space<vmem>> -> memref<72x64xf32, #tpu.memory_space<vmem>>
      %dma_start3A_50 = tpu.memref_slice %arg5[%add3A_39] : memref<25600xi32, #tpu.memory_space<vmem>> -> memref<72xi32, #tpu.memory_space<vmem>>
      %dma_start3A_51 = arith.constant 0 : i32
      %dma_start3A_52 = arith.constant 0 : i32
      %dma_start3A_53 = tpu.memref_slice %arg3[%dma_start3A_51, %dma_start3A_52] : memref<100000x64xf32, #tpu.memory_space<hbm>> -> memref<100000x64xf32, #tpu.memory_space<hbm>>
      tpu.enqueue_indirect_dma source(%dma_start3A_53 : memref<100000x64xf32, #tpu.memory_space<hbm>>) target(%dma_start3A_49 : memref<72x64xf32, #tpu.memory_space<vmem>>) offsets(%dma_start3A_50 : memref<72xi32, #tpu.memory_space<vmem>>) semaphore(%arg10 : memref<!tpu.dma_semaphore, #tpu.memory_space<semaphore_mem>>)
      %mul3A_54 = arith.constant 200 : i32
      %mul3A_55 = arith.muli %mul3A_29, %mul3A_54 : i32
      %add3A_56 = arith.constant 0 : i32
      %add3A_57 = arith.addi %mul3A_55, %add3A_56 : i32
      %mul3A_58 = arith.constant 200 : i32
      %mul3A_59 = arith.muli %mul3A_29, %mul3A_58 : i32
      %add3A_60 = arith.constant 128 : i32
      %add3A_61 = arith.addi %mul3A_59, %add3A_60 : i32
      %dma_wait3A = arith.constant 0 : i32
      %dma_wait3A_62 = arith.constant 0 : i32
      %dma_wait3A_63 = tpu.memref_slice %arg6[%dma_wait3A, %dma_wait3A_62] : memref<200x64xf32, #tpu.memory_space<vmem>> -> memref<128x64xf32, #tpu.memory_space<vmem>>
      %dma_wait3A_64 = tpu.memref_slice %arg5[%add3A_57] : memref<25600xi32, #tpu.memory_space<vmem>> -> memref<128xi32, #tpu.memory_space<vmem>>
      %dma_wait3A_65 = arith.constant 0 : i32
      %dma_wait3A_66 = arith.constant 0 : i32
      %dma_wait3A_67 = tpu.memref_slice %arg3[%dma_wait3A_65, %dma_wait3A_66] : memref<100000x64xf32, #tpu.memory_space<hbm>> -> memref<100000x64xf32, #tpu.memory_space<hbm>>
      tpu.wait_indirect_dma semaphore(%arg9 : memref<!tpu.dma_semaphore, #tpu.memory_space<semaphore_mem>>) src(%dma_wait3A_67 : memref<100000x64xf32, #tpu.memory_space<hbm>>) dst(%dma_wait3A_63 : memref<128x64xf32, #tpu.memory_space<vmem>>)
      %dma_wait3A_68 = arith.constant 128 : i32
      %dma_wait3A_69 = arith.constant 0 : i32
      %dma_wait3A_70 = tpu.memref_slice %arg6[%dma_wait3A_68, %dma_wait3A_69] : memref<200x64xf32, #tpu.memory_space<vmem>> -> memref<72x64xf32, #tpu.memory_space<vmem>>
      %dma_wait3A_71 = tpu.memref_slice %arg5[%add3A_61] : memref<25600xi32, #tpu.memory_space<vmem>> -> memref<72xi32, #tpu.memory_space<vmem>>
      %dma_wait3A_72 = arith.constant 0 : i32
      %dma_wait3A_73 = arith.constant 0 : i32
      %dma_wait3A_74 = tpu.memref_slice %arg3[%dma_wait3A_72, %dma_wait3A_73] : memref<100000x64xf32, #tpu.memory_space<hbm>> -> memref<100000x64xf32, #tpu.memory_space<hbm>>
      tpu.wait_indirect_dma semaphore(%arg9 : memref<!tpu.dma_semaphore, #tpu.memory_space<semaphore_mem>>) src(%dma_wait3A_74 : memref<100000x64xf32, #tpu.memory_space<hbm>>) dst(%dma_wait3A_70 : memref<72x64xf32, #tpu.memory_space<vmem>>)
      %broadcast_in_dim3A = arith.constant 0.000000e+00 : f32
      %broadcast_in_dim3A_75 = vector.broadcast %broadcast_in_dim3A : f32 to vector<16xf32>
      %scan3A_76 = arith.constant 0 : i32
      %scan3A_77 = arith.constant 25 : i32
      %scan3A_78 = arith.addi %scan3A_76, %scan3A_77 : i32
      %scan3A_79 = arith.constant 1 : i32
      %scan3A_80:4 = scf.for %scan3A_156 = %scan3A_76 to %scan3A_78 step %scan3A_79 iter_args(%scan3A_157 = %broadcast_in_dim3A_75, %scan3A_158 = %broadcast_in_dim3A_75, %scan3A_159 = %broadcast_in_dim3A_75, %scan3A_160 = %broadcast_in_dim3A_75) -> (vector<16xf32>, vector<16xf32>, vector<16xf32>, vector<16xf32>)  : i32 {
        %mul3A_161 = arith.constant 8 : i32
        %mul3A_162 = arith.muli %mul3A_161, %scan3A_156 : i32
        %add3A_163 = arith.constant 0 : i32
        %add3A_164 = arith.addi %mul3A_162, %add3A_163 : i32
        %get3A = arith.index_cast %add3A_164 : i32 to index
        %get3A_165 = arith.constant 0 : index
        %get3A_166 = tpu.vector_load %arg6[%get3A, %get3A_165] {strides = array<i32>} : memref<200x64xf32, #tpu.memory_space<vmem>>, vector<1x16xf32>,
        %get3A_167 = vector.shape_cast %get3A_166 : vector<1x16xf32> to vector<16xf32>
        %add3A_168 = arith.addf %scan3A_157, %get3A_167 : vector<16xf32>
        %get3A_169 = arith.index_cast %add3A_164 : i32 to index
        %get3A_170 = arith.constant 16 : index
        %get3A_171 = tpu.vector_load %arg6[%get3A_169, %get3A_170] {strides = array<i32>} : memref<200x64xf32, #tpu.memory_space<vmem>>, vector<1x16xf32>,
        %get3A_172 = vector.shape_cast %get3A_171 : vector<1x16xf32> to vector<16xf32>
        %add3A_173 = arith.addf %scan3A_158, %get3A_172 : vector<16xf32>
        %get3A_174 = arith.index_cast %add3A_164 : i32 to index
        %get3A_175 = arith.constant 32 : index
        %get3A_176 = tpu.vector_load %arg6[%get3A_174, %get3A_175] {strides = array<i32>} : memref<200x64xf32, #tpu.memory_space<vmem>>, vector<1x16xf32>,
        %get3A_177 = vector.shape_cast %get3A_176 : vector<1x16xf32> to vector<16xf32>
        %add3A_178 = arith.addf %scan3A_159, %get3A_177 : vector<16xf32>
        %get3A_179 = arith.index_cast %add3A_164 : i32 to index
        %get3A_180 = arith.constant 48 : index
        %get3A_181 = tpu.vector_load %arg6[%get3A_179, %get3A_180] {strides = array<i32>} : memref<200x64xf32, #tpu.memory_space<vmem>>, vector<1x16xf32>,
        %get3A_182 = vector.shape_cast %get3A_181 : vector<1x16xf32> to vector<16xf32>
        %add3A_183 = arith.addf %scan3A_160, %get3A_182 : vector<16xf32>
        %mul3A_184 = arith.constant 8 : i32
        %mul3A_185 = arith.muli %mul3A_184, %scan3A_156 : i32
        %add3A_186 = arith.constant 1 : i32
        %add3A_187 = arith.addi %mul3A_185, %add3A_186 : i32
        %get3A_188 = arith.index_cast %add3A_187 : i32 to index
        %get3A_189 = arith.constant 0 : index
        %get3A_190 = tpu.vector_load %arg6[%get3A_188, %get3A_189] {strides = array<i32>} : memref<200x64xf32, #tpu.memory_space<vmem>>, vector<1x16xf32>,
        %get3A_191 = vector.shape_cast %get3A_190 : vector<1x16xf32> to vector<16xf32>
        %add3A_192 = arith.addf %add3A_168, %get3A_191 : vector<16xf32>
        %get3A_193 = arith.index_cast %add3A_187 : i32 to index
        %get3A_194 = arith.constant 16 : index
        %get3A_195 = tpu.vector_load %arg6[%get3A_193, %get3A_194] {strides = array<i32>} : memref<200x64xf32, #tpu.memory_space<vmem>>, vector<1x16xf32>,
        %get3A_196 = vector.shape_cast %get3A_195 : vector<1x16xf32> to vector<16xf32>
        %add3A_197 = arith.addf %add3A_173, %get3A_196 : vector<16xf32>
        %get3A_198 = arith.index_cast %add3A_187 : i32 to index
        %get3A_199 = arith.constant 32 : index
        %get3A_200 = tpu.vector_load %arg6[%get3A_198, %get3A_199] {strides = array<i32>} : memref<200x64xf32, #tpu.memory_space<vmem>>, vector<1x16xf32>,
        %get3A_201 = vector.shape_cast %get3A_200 : vector<1x16xf32> to vector<16xf32>
        %add3A_202 = arith.addf %add3A_178, %get3A_201 : vector<16xf32>
        %get3A_203 = arith.index_cast %add3A_187 : i32 to index
        %get3A_204 = arith.constant 48 : index
        %get3A_205 = tpu.vector_load %arg6[%get3A_203, %get3A_204] {strides = array<i32>} : memref<200x64xf32, #tpu.memory_space<vmem>>, vector<1x16xf32>,
        %get3A_206 = vector.shape_cast %get3A_205 : vector<1x16xf32> to vector<16xf32>
        %add3A_207 = arith.addf %add3A_183, %get3A_206 : vector<16xf32>
        %mul3A_208 = arith.constant 8 : i32
        %mul3A_209 = arith.muli %mul3A_208, %scan3A_156 : i32
        %add3A_210 = arith.constant 2 : i32
        %add3A_211 = arith.addi %mul3A_209, %add3A_210 : i32
        %get3A_212 = arith.index_cast %add3A_211 : i32 to index
        %get3A_213 = arith.constant 0 : index
        %get3A_214 = tpu.vector_load %arg6[%get3A_212, %get3A_213] {strides = array<i32>} : memref<200x64xf32, #tpu.memory_space<vmem>>, vector<1x16xf32>,
        %get3A_215 = vector.shape_cast %get3A_214 : vector<1x16xf32> to vector<16xf32>
        %add3A_216 = arith.addf %add3A_192, %get3A_215 : vector<16xf32>
        %get3A_217 = arith.index_cast %add3A_211 : i32 to index
        %get3A_218 = arith.constant 16 : index
        %get3A_219 = tpu.vector_load %arg6[%get3A_217, %get3A_218] {strides = array<i32>} : memref<200x64xf32, #tpu.memory_space<vmem>>, vector<1x16xf32>,
        %get3A_220 = vector.shape_cast %get3A_219 : vector<1x16xf32> to vector<16xf32>
        %add3A_221 = arith.addf %add3A_197, %get3A_220 : vector<16xf32>
        %get3A_222 = arith.index_cast %add3A_211 : i32 to index
        %get3A_223 = arith.constant 32 : index
        %get3A_224 = tpu.vector_load %arg6[%get3A_222, %get3A_223] {strides = array<i32>} : memref<200x64xf32, #tpu.memory_space<vmem>>, vector<1x16xf32>,
        %get3A_225 = vector.shape_cast %get3A_224 : vector<1x16xf32> to vector<16xf32>
        %add3A_226 = arith.addf %add3A_202, %get3A_225 : vector<16xf32>
        %get3A_227 = arith.index_cast %add3A_211 : i32 to index
        %get3A_228 = arith.constant 48 : index
        %get3A_229 = tpu.vector_load %arg6[%get3A_227, %get3A_228] {strides = array<i32>} : memref<200x64xf32, #tpu.memory_space<vmem>>, vector<1x16xf32>,
        %get3A_230 = vector.shape_cast %get3A_229 : vector<1x16xf32> to vector<16xf32>
        %add3A_231 = arith.addf %add3A_207, %get3A_230 : vector<16xf32>
        %mul3A_232 = arith.constant 8 : i32
        %mul3A_233 = arith.muli %mul3A_232, %scan3A_156 : i32
        %add3A_234 = arith.constant 3 : i32
        %add3A_235 = arith.addi %mul3A_233, %add3A_234 : i32
        %get3A_236 = arith.index_cast %add3A_235 : i32 to index
        %get3A_237 = arith.constant 0 : index
        %get3A_238 = tpu.vector_load %arg6[%get3A_236, %get3A_237] {strides = array<i32>} : memref<200x64xf32, #tpu.memory_space<vmem>>, vector<1x16xf32>,
        %get3A_239 = vector.shape_cast %get3A_238 : vector<1x16xf32> to vector<16xf32>
        %add3A_240 = arith.addf %add3A_216, %get3A_239 : vector<16xf32>
        %get3A_241 = arith.index_cast %add3A_235 : i32 to index
        %get3A_242 = arith.constant 16 : index
        %get3A_243 = tpu.vector_load %arg6[%get3A_241, %get3A_242] {strides = array<i32>} : memref<200x64xf32, #tpu.memory_space<vmem>>, vector<1x16xf32>,
        %get3A_244 = vector.shape_cast %get3A_243 : vector<1x16xf32> to vector<16xf32>
        %add3A_245 = arith.addf %add3A_221, %get3A_244 : vector<16xf32>
        %get3A_246 = arith.index_cast %add3A_235 : i32 to index
        %get3A_247 = arith.constant 32 : index
        %get3A_248 = tpu.vector_load %arg6[%get3A_246, %get3A_247] {strides = array<i32>} : memref<200x64xf32, #tpu.memory_space<vmem>>, vector<1x16xf32>,
        %get3A_249 = vector.shape_cast %get3A_248 : vector<1x16xf32> to vector<16xf32>
        %add3A_250 = arith.addf %add3A_226, %get3A_249 : vector<16xf32>
        %get3A_251 = arith.index_cast %add3A_235 : i32 to index
        %get3A_252 = arith.constant 48 : index
        %get3A_253 = tpu.vector_load %arg6[%get3A_251, %get3A_252] {strides = array<i32>} : memref<200x64xf32, #tpu.memory_space<vmem>>, vector<1x16xf32>,
        %get3A_254 = vector.shape_cast %get3A_253 : vector<1x16xf32> to vector<16xf32>
        %add3A_255 = arith.addf %add3A_231, %get3A_254 : vector<16xf32>
        %mul3A_256 = arith.constant 8 : i32
        %mul3A_257 = arith.muli %mul3A_256, %scan3A_156 : i32
        %add3A_258 = arith.constant 4 : i32
        %add3A_259 = arith.addi %mul3A_257, %add3A_258 : i32
        %get3A_260 = arith.index_cast %add3A_259 : i32 to index
        %get3A_261 = arith.constant 0 : index
        %get3A_262 = tpu.vector_load %arg6[%get3A_260, %get3A_261] {strides = array<i32>} : memref<200x64xf32, #tpu.memory_space<vmem>>, vector<1x16xf32>,
        %get3A_263 = vector.shape_cast %get3A_262 : vector<1x16xf32> to vector<16xf32>
        %add3A_264 = arith.addf %add3A_240, %get3A_263 : vector<16xf32>
        %get3A_265 = arith.index_cast %add3A_259 : i32 to index
        %get3A_266 = arith.constant 16 : index
        %get3A_267 = tpu.vector_load %arg6[%get3A_265, %get3A_266] {strides = array<i32>} : memref<200x64xf32, #tpu.memory_space<vmem>>, vector<1x16xf32>,
        %get3A_268 = vector.shape_cast %get3A_267 : vector<1x16xf32> to vector<16xf32>
        %add3A_269 = arith.addf %add3A_245, %get3A_268 : vector<16xf32>
        %get3A_270 = arith.index_cast %add3A_259 : i32 to index
        %get3A_271 = arith.constant 32 : index
        %get3A_272 = tpu.vector_load %arg6[%get3A_270, %get3A_271] {strides = array<i32>} : memref<200x64xf32, #tpu.memory_space<vmem>>, vector<1x16xf32>,
        %get3A_273 = vector.shape_cast %get3A_272 : vector<1x16xf32> to vector<16xf32>
        %add3A_274 = arith.addf %add3A_250, %get3A_273 : vector<16xf32>
        %get3A_275 = arith.index_cast %add3A_259 : i32 to index
        %get3A_276 = arith.constant 48 : index
        %get3A_277 = tpu.vector_load %arg6[%get3A_275, %get3A_276] {strides = array<i32>} : memref<200x64xf32, #tpu.memory_space<vmem>>, vector<1x16xf32>,
        %get3A_278 = vector.shape_cast %get3A_277 : vector<1x16xf32> to vector<16xf32>
        %add3A_279 = arith.addf %add3A_255, %get3A_278 : vector<16xf32>
        %mul3A_280 = arith.constant 8 : i32
        %mul3A_281 = arith.muli %mul3A_280, %scan3A_156 : i32
        %add3A_282 = arith.constant 5 : i32
        %add3A_283 = arith.addi %mul3A_281, %add3A_282 : i32
        %get3A_284 = arith.index_cast %add3A_283 : i32 to index
        %get3A_285 = arith.constant 0 : index
        %get3A_286 = tpu.vector_load %arg6[%get3A_284, %get3A_285] {strides = array<i32>} : memref<200x64xf32, #tpu.memory_space<vmem>>, vector<1x16xf32>,
        %get3A_287 = vector.shape_cast %get3A_286 : vector<1x16xf32> to vector<16xf32>
        %add3A_288 = arith.addf %add3A_264, %get3A_287 : vector<16xf32>
        %get3A_289 = arith.index_cast %add3A_283 : i32 to index
        %get3A_290 = arith.constant 16 : index
        %get3A_291 = tpu.vector_load %arg6[%get3A_289, %get3A_290] {strides = array<i32>} : memref<200x64xf32, #tpu.memory_space<vmem>>, vector<1x16xf32>,
        %get3A_292 = vector.shape_cast %get3A_291 : vector<1x16xf32> to vector<16xf32>
        %add3A_293 = arith.addf %add3A_269, %get3A_292 : vector<16xf32>
        %get3A_294 = arith.index_cast %add3A_283 : i32 to index
        %get3A_295 = arith.constant 32 : index
        %get3A_296 = tpu.vector_load %arg6[%get3A_294, %get3A_295] {strides = array<i32>} : memref<200x64xf32, #tpu.memory_space<vmem>>, vector<1x16xf32>,
        %get3A_297 = vector.shape_cast %get3A_296 : vector<1x16xf32> to vector<16xf32>
        %add3A_298 = arith.addf %add3A_274, %get3A_297 : vector<16xf32>
        %get3A_299 = arith.index_cast %add3A_283 : i32 to index
        %get3A_300 = arith.constant 48 : index
        %get3A_301 = tpu.vector_load %arg6[%get3A_299, %get3A_300] {strides = array<i32>} : memref<200x64xf32, #tpu.memory_space<vmem>>, vector<1x16xf32>,
        %get3A_302 = vector.shape_cast %get3A_301 : vector<1x16xf32> to vector<16xf32>
        %add3A_303 = arith.addf %add3A_279, %get3A_302 : vector<16xf32>
        %mul3A_304 = arith.constant 8 : i32
        %mul3A_305 = arith.muli %mul3A_304, %scan3A_156 : i32
        %add3A_306 = arith.constant 6 : i32
        %add3A_307 = arith.addi %mul3A_305, %add3A_306 : i32
        %get3A_308 = arith.index_cast %add3A_307 : i32 to index
        %get3A_309 = arith.constant 0 : index
        %get3A_310 = tpu.vector_load %arg6[%get3A_308, %get3A_309] {strides = array<i32>} : memref<200x64xf32, #tpu.memory_space<vmem>>, vector<1x16xf32>,
        %get3A_311 = vector.shape_cast %get3A_310 : vector<1x16xf32> to vector<16xf32>
        %add3A_312 = arith.addf %add3A_288, %get3A_311 : vector<16xf32>
        %get3A_313 = arith.index_cast %add3A_307 : i32 to index
        %get3A_314 = arith.constant 16 : index
        %get3A_315 = tpu.vector_load %arg6[%get3A_313, %get3A_314] {strides = array<i32>} : memref<200x64xf32, #tpu.memory_space<vmem>>, vector<1x16xf32>,
        %get3A_316 = vector.shape_cast %get3A_315 : vector<1x16xf32> to vector<16xf32>
        %add3A_317 = arith.addf %add3A_293, %get3A_316 : vector<16xf32>
        %get3A_318 = arith.index_cast %add3A_307 : i32 to index
        %get3A_319 = arith.constant 32 : index
        %get3A_320 = tpu.vector_load %arg6[%get3A_318, %get3A_319] {strides = array<i32>} : memref<200x64xf32, #tpu.memory_space<vmem>>, vector<1x16xf32>,
        %get3A_321 = vector.shape_cast %get3A_320 : vector<1x16xf32> to vector<16xf32>
        %add3A_322 = arith.addf %add3A_298, %get3A_321 : vector<16xf32>
        %get3A_323 = arith.index_cast %add3A_307 : i32 to index
        %get3A_324 = arith.constant 48 : index
        %get3A_325 = tpu.vector_load %arg6[%get3A_323, %get3A_324] {strides = array<i32>} : memref<200x64xf32, #tpu.memory_space<vmem>>, vector<1x16xf32>,
        %get3A_326 = vector.shape_cast %get3A_325 : vector<1x16xf32> to vector<16xf32>
        %add3A_327 = arith.addf %add3A_303, %get3A_326 : vector<16xf32>
        %mul3A_328 = arith.constant 8 : i32
        %mul3A_329 = arith.muli %mul3A_328, %scan3A_156 : i32
        %add3A_330 = arith.constant 7 : i32
        %add3A_331 = arith.addi %mul3A_329, %add3A_330 : i32
        %get3A_332 = arith.index_cast %add3A_331 : i32 to index
        %get3A_333 = arith.constant 0 : index
        %get3A_334 = tpu.vector_load %arg6[%get3A_332, %get3A_333] {strides = array<i32>} : memref<200x64xf32, #tpu.memory_space<vmem>>, vector<1x16xf32>,
        %get3A_335 = vector.shape_cast %get3A_334 : vector<1x16xf32> to vector<16xf32>
        %add3A_336 = arith.addf %add3A_312, %get3A_335 : vector<16xf32>
        %get3A_337 = arith.index_cast %add3A_331 : i32 to index
        %get3A_338 = arith.constant 16 : index
        %get3A_339 = tpu.vector_load %arg6[%get3A_337, %get3A_338] {strides = array<i32>} : memref<200x64xf32, #tpu.memory_space<vmem>>, vector<1x16xf32>,
        %get3A_340 = vector.shape_cast %get3A_339 : vector<1x16xf32> to vector<16xf32>
        %add3A_341 = arith.addf %add3A_317, %get3A_340 : vector<16xf32>
        %get3A_342 = arith.index_cast %add3A_331 : i32 to index
        %get3A_343 = arith.constant 32 : index
        %get3A_344 = tpu.vector_load %arg6[%get3A_342, %get3A_343] {strides = array<i32>} : memref<200x64xf32, #tpu.memory_space<vmem>>, vector<1x16xf32>,
        %get3A_345 = vector.shape_cast %get3A_344 : vector<1x16xf32> to vector<16xf32>
        %add3A_346 = arith.addf %add3A_322, %get3A_345 : vector<16xf32>
        %get3A_347 = arith.index_cast %add3A_331 : i32 to index
        %get3A_348 = arith.constant 48 : index
        %get3A_349 = tpu.vector_load %arg6[%get3A_347, %get3A_348] {strides = array<i32>} : memref<200x64xf32, #tpu.memory_space<vmem>>, vector<1x16xf32>,
        %get3A_350 = vector.shape_cast %get3A_349 : vector<1x16xf32> to vector<16xf32>
        %add3A_351 = arith.addf %add3A_327, %get3A_350 : vector<16xf32>
        scf.yield %add3A_336, %add3A_341, %add3A_346, %add3A_351 : vector<16xf32>, vector<16xf32>, vector<16xf32>, vector<16xf32>
      }
      %scan3A_81 = arith.constant 25 : i32
      %swap3A = arith.constant 0 : index
      %swap3A_82 = tpu.vector_load %arg8[%swap3A] {strides = array<i32>} : memref<64xf32, #tpu.memory_space<vmem>>, vector<16xf32>,
      %swap3A_83 = vector.shape_cast %swap3A_82 : vector<16xf32> to vector<16xf32>
      %swap3A_84 = vector.shape_cast %scan3A_80#0 : vector<16xf32> to vector<16xf32>
      tpu.vector_store %arg8[%swap3A], %swap3A_84 {strides = array<i32>} : memref<64xf32, #tpu.memory_space<vmem>>, vector<16xf32>,
      %swap3A_85 = arith.constant 16 : index
      %swap3A_86 = tpu.vector_load %arg8[%swap3A_85] {strides = array<i32>} : memref<64xf32, #tpu.memory_space<vmem>>, vector<16xf32>,
      %swap3A_87 = vector.shape_cast %swap3A_86 : vector<16xf32> to vector<16xf32>
      %swap3A_88 = vector.shape_cast %scan3A_80#1 : vector<16xf32> to vector<16xf32>
      tpu.vector_store %arg8[%swap3A_85], %swap3A_88 {strides = array<i32>} : memref<64xf32, #tpu.memory_space<vmem>>, vector<16xf32>,
      %swap3A_89 = arith.constant 32 : index
      %swap3A_90 = tpu.vector_load %arg8[%swap3A_89] {strides = array<i32>} : memref<64xf32, #tpu.memory_space<vmem>>, vector<16xf32>,
      %swap3A_91 = vector.shape_cast %swap3A_90 : vector<16xf32> to vector<16xf32>
      %swap3A_92 = vector.shape_cast %scan3A_80#2 : vector<16xf32> to vector<16xf32>
      tpu.vector_store %arg8[%swap3A_89], %swap3A_92 {strides = array<i32>} : memref<64xf32, #tpu.memory_space<vmem>>, vector<16xf32>,
      %swap3A_93 = arith.constant 48 : index
      %swap3A_94 = tpu.vector_load %arg8[%swap3A_93] {strides = array<i32>} : memref<64xf32, #tpu.memory_space<vmem>>, vector<16xf32>,
      %swap3A_95 = vector.shape_cast %swap3A_94 : vector<16xf32> to vector<16xf32>
      %swap3A_96 = vector.shape_cast %scan3A_80#3 : vector<16xf32> to vector<16xf32>
      tpu.vector_store %arg8[%swap3A_93], %swap3A_96 {strides = array<i32>} : memref<64xf32, #tpu.memory_space<vmem>>, vector<16xf32>,
      %add3A_97 = arith.addi %mul3A_2, %mul3A_29 : i32
      %mul3A_98 = arith.constant 64 : i32
      %mul3A_99 = arith.muli %add3A_97, %mul3A_98 : i32
      "tpu.region"() ({
        %run_scoped3A = tpu.sem_alloc : memref<!tpu.dma_semaphore, #tpu.memory_space<semaphore_mem>>
        %dma_start3A_156 = tpu.memref_slice %arg4[%mul3A_99] : memref<262144xf32, #tpu.memory_space<hbm>> -> memref<64xf32, #tpu.memory_space<hbm>>
        %dma_start3A_157 = tpu.memref_slice %arg4[%mul3A_99] : memref<262144xf32, #tpu.memory_space<hbm>> -> memref<64xf32, #tpu.memory_space<hbm>>
        tpu.enqueue_dma source(%arg8 : memref<64xf32, #tpu.memory_space<vmem>>) target(%dma_start3A_157 : memref<64xf32, #tpu.memory_space<hbm>>) target_semaphore(%run_scoped3A : memref<!tpu.dma_semaphore, #tpu.memory_space<semaphore_mem>>)
        %dma_wait3A_158 = tpu.memref_slice %arg4[%mul3A_99] : memref<262144xf32, #tpu.memory_space<hbm>> -> memref<64xf32, #tpu.memory_space<hbm>>
        %dma_wait3A_159 = tpu.memref_slice %arg4[%mul3A_99] : memref<262144xf32, #tpu.memory_space<hbm>> -> memref<64xf32, #tpu.memory_space<hbm>>
        tpu.wait_dma2 semaphore(%run_scoped3A : memref<!tpu.dma_semaphore, #tpu.memory_space<semaphore_mem>>) src(%arg8 : memref<64xf32, #tpu.memory_space<vmem>>) dst(%dma_wait3A_159 : memref<64xf32, #tpu.memory_space<hbm>>)
        tpu.yield
      }) : () -> ()
      %lt3A = arith.constant 63 : i32
      %lt3A_100 = arith.cmpi slt, %scan3A_26, %lt3A : i32
      %convert_element_type3A = arith.extui %lt3A_100 : i1 to i32
      %cond3A = arith.constant 0 : i32
      %cond3A_101 = arith.cmpi ne, %convert_element_type3A, %cond3A : i32
      scf.if %cond3A_101 {
        %add3A_156 = arith.constant 2 : i32
        %add3A_157 = arith.addi %mul3A_29, %add3A_156 : i32
        %mul3A_158 = arith.constant 200 : i32
        %mul3A_159 = arith.muli %add3A_157, %mul3A_158 : i32
        %add3A_160 = arith.constant 0 : i32
        %add3A_161 = arith.addi %mul3A_159, %add3A_160 : i32
        %mul3A_162 = arith.constant 200 : i32
        %mul3A_163 = arith.muli %add3A_157, %mul3A_162 : i32
        %add3A_164 = arith.constant 128 : i32
        %add3A_165 = arith.addi %mul3A_163, %add3A_164 : i32
        %dma_start3A_166 = arith.constant 0 : i32
        %dma_start3A_167 = arith.constant 0 : i32
        %dma_start3A_168 = tpu.memref_slice %arg6[%dma_start3A_166, %dma_start3A_167] : memref<200x64xf32, #tpu.memory_space<vmem>> -> memref<128x64xf32, #tpu.memory_space<vmem>>
        %dma_start3A_169 = tpu.memref_slice %arg5[%add3A_161] : memref<25600xi32, #tpu.memory_space<vmem>> -> memref<128xi32, #tpu.memory_space<vmem>>
        %dma_start3A_170 = arith.constant 0 : i32
        %dma_start3A_171 = arith.constant 0 : i32
        %dma_start3A_172 = tpu.memref_slice %arg3[%dma_start3A_170, %dma_start3A_171] : memref<100000x64xf32, #tpu.memory_space<hbm>> -> memref<100000x64xf32, #tpu.memory_space<hbm>>
        tpu.enqueue_indirect_dma source(%dma_start3A_172 : memref<100000x64xf32, #tpu.memory_space<hbm>>) target(%dma_start3A_168 : memref<128x64xf32, #tpu.memory_space<vmem>>) offsets(%dma_start3A_169 : memref<128xi32, #tpu.memory_space<vmem>>) semaphore(%arg9 : memref<!tpu.dma_semaphore, #tpu.memory_space<semaphore_mem>>)
        %dma_start3A_173 = arith.constant 128 : i32
        %dma_start3A_174 = arith.constant 0 : i32
        %dma_start3A_175 = tpu.memref_slice %arg6[%dma_start3A_173, %dma_start3A_174] : memref<200x64xf32, #tpu.memory_space<vmem>> -> memref<72x64xf32, #tpu.memory_space<vmem>>
        %dma_start3A_176 = tpu.memref_slice %arg5[%add3A_165] : memref<25600xi32, #tpu.memory_space<vmem>> -> memref<72xi32, #tpu.memory_space<vmem>>
        %dma_start3A_177 = arith.constant 0 : i32
        %dma_start3A_178 = arith.constant 0 : i32
        %dma_start3A_179 = tpu.memref_slice %arg3[%dma_start3A_177, %dma_start3A_178] : memref<100000x64xf32, #tpu.memory_space<hbm>> -> memref<100000x64xf32, #tpu.memory_space<hbm>>
        tpu.enqueue_indirect_dma source(%dma_start3A_179 : memref<100000x64xf32, #tpu.memory_space<hbm>>) target(%dma_start3A_175 : memref<72x64xf32, #tpu.memory_space<vmem>>) offsets(%dma_start3A_176 : memref<72xi32, #tpu.memory_space<vmem>>) semaphore(%arg9 : memref<!tpu.dma_semaphore, #tpu.memory_space<semaphore_mem>>)
      } else {
      }
      %add3A_102 = arith.constant 1 : i32
      %add3A_103 = arith.addi %mul3A_29, %add3A_102 : i32
      %mul3A_104 = arith.constant 200 : i32
      %mul3A_105 = arith.muli %add3A_103, %mul3A_104 : i32
      %add3A_106 = arith.constant 0 : i32
      %add3A_107 = arith.addi %mul3A_105, %add3A_106 : i32
      %mul3A_108 = arith.constant 200 : i32
      %mul3A_109 = arith.muli %add3A_103, %mul3A_108 : i32
      %add3A_110 = arith.constant 128 : i32
      %add3A_111 = arith.addi %mul3A_109, %add3A_110 : i32
      %dma_wait3A_112 = arith.constant 0 : i32
      %dma_wait3A_113 = arith.constant 0 : i32
      %dma_wait3A_114 = tpu.memref_slice %arg7[%dma_wait3A_112, %dma_wait3A_113] : memref<200x64xf32, #tpu.memory_space<vmem>> -> memref<128x64xf32, #tpu.memory_space<vmem>>
      %dma_wait3A_115 = tpu.memref_slice %arg5[%add3A_107] : memref<25600xi32, #tpu.memory_space<vmem>> -> memref<128xi32, #tpu.memory_space<vmem>>
      %dma_wait3A_116 = arith.constant 0 : i32
      %dma_wait3A_117 = arith.constant 0 : i32
      %dma_wait3A_118 = tpu.memref_slice %arg3[%dma_wait3A_116, %dma_wait3A_117] : memref<100000x64xf32, #tpu.memory_space<hbm>> -> memref<100000x64xf32, #tpu.memory_space<hbm>>
      tpu.wait_indirect_dma semaphore(%arg10 : memref<!tpu.dma_semaphore, #tpu.memory_space<semaphore_mem>>) src(%dma_wait3A_118 : memref<100000x64xf32, #tpu.memory_space<hbm>>) dst(%dma_wait3A_114 : memref<128x64xf32, #tpu.memory_space<vmem>>)
      %dma_wait3A_119 = arith.constant 128 : i32
      %dma_wait3A_120 = arith.constant 0 : i32
      %dma_wait3A_121 = tpu.memref_slice %arg7[%dma_wait3A_119, %dma_wait3A_120] : memref<200x64xf32, #tpu.memory_space<vmem>> -> memref<72x64xf32, #tpu.memory_space<vmem>>
      %dma_wait3A_122 = tpu.memref_slice %arg5[%add3A_111] : memref<25600xi32, #tpu.memory_space<vmem>> -> memref<72xi32, #tpu.memory_space<vmem>>
      %dma_wait3A_123 = arith.constant 0 : i32
      %dma_wait3A_124 = arith.constant 0 : i32
      %dma_wait3A_125 = tpu.memref_slice %arg3[%dma_wait3A_123, %dma_wait3A_124] : memref<100000x64xf32, #tpu.memory_space<hbm>> -> memref<100000x64xf32, #tpu.memory_space<hbm>>
      tpu.wait_indirect_dma semaphore(%arg10 : memref<!tpu.dma_semaphore, #tpu.memory_space<semaphore_mem>>) src(%dma_wait3A_125 : memref<100000x64xf32, #tpu.memory_space<hbm>>) dst(%dma_wait3A_121 : memref<72x64xf32, #tpu.memory_space<vmem>>)
      %add3A_126 = arith.constant 1 : i32
      %add3A_127 = arith.addi %mul3A_29, %add3A_126 : i32
      %broadcast_in_dim3A_128 = arith.constant 0.000000e+00 : f32
      %broadcast_in_dim3A_129 = vector.broadcast %broadcast_in_dim3A_128 : f32 to vector<16xf32>
      %scan3A_130 = arith.constant 0 : i32
      %scan3A_131 = arith.constant 25 : i32
      %scan3A_132 = arith.addi %scan3A_130, %scan3A_131 : i32
      %scan3A_133 = arith.constant 1 : i32
      %scan3A_134:4 = scf.for %scan3A_156 = %scan3A_130 to %scan3A_132 step %scan3A_133 iter_args(%scan3A_157 = %broadcast_in_dim3A_129, %scan3A_158 = %broadcast_in_dim3A_129, %scan3A_159 = %broadcast_in_dim3A_129, %scan3A_160 = %broadcast_in_dim3A_129) -> (vector<16xf32>, vector<16xf32>, vector<16xf32>, vector<16xf32>)  : i32 {
        %mul3A_161 = arith.constant 8 : i32
        %mul3A_162 = arith.muli %mul3A_161, %scan3A_156 : i32
        %add3A_163 = arith.constant 0 : i32
        %add3A_164 = arith.addi %mul3A_162, %add3A_163 : i32
        %get3A = arith.index_cast %add3A_164 : i32 to index
        %get3A_165 = arith.constant 0 : index
        %get3A_166 = tpu.vector_load %arg7[%get3A, %get3A_165] {strides = array<i32>} : memref<200x64xf32, #tpu.memory_space<vmem>>, vector<1x16xf32>,
        %get3A_167 = vector.shape_cast %get3A_166 : vector<1x16xf32> to vector<16xf32>
        %add3A_168 = arith.addf %scan3A_157, %get3A_167 : vector<16xf32>
        %get3A_169 = arith.index_cast %add3A_164 : i32 to index
        %get3A_170 = arith.constant 16 : index
        %get3A_171 = tpu.vector_load %arg7[%get3A_169, %get3A_170] {strides = array<i32>} : memref<200x64xf32, #tpu.memory_space<vmem>>, vector<1x16xf32>,
        %get3A_172 = vector.shape_cast %get3A_171 : vector<1x16xf32> to vector<16xf32>
        %add3A_173 = arith.addf %scan3A_158, %get3A_172 : vector<16xf32>
        %get3A_174 = arith.index_cast %add3A_164 : i32 to index
        %get3A_175 = arith.constant 32 : index
        %get3A_176 = tpu.vector_load %arg7[%get3A_174, %get3A_175] {strides = array<i32>} : memref<200x64xf32, #tpu.memory_space<vmem>>, vector<1x16xf32>,
        %get3A_177 = vector.shape_cast %get3A_176 : vector<1x16xf32> to vector<16xf32>
        %add3A_178 = arith.addf %scan3A_159, %get3A_177 : vector<16xf32>
        %get3A_179 = arith.index_cast %add3A_164 : i32 to index
        %get3A_180 = arith.constant 48 : index
        %get3A_181 = tpu.vector_load %arg7[%get3A_179, %get3A_180] {strides = array<i32>} : memref<200x64xf32, #tpu.memory_space<vmem>>, vector<1x16xf32>,
        %get3A_182 = vector.shape_cast %get3A_181 : vector<1x16xf32> to vector<16xf32>
        %add3A_183 = arith.addf %scan3A_160, %get3A_182 : vector<16xf32>
        %mul3A_184 = arith.constant 8 : i32
        %mul3A_185 = arith.muli %mul3A_184, %scan3A_156 : i32
        %add3A_186 = arith.constant 1 : i32
        %add3A_187 = arith.addi %mul3A_185, %add3A_186 : i32
        %get3A_188 = arith.index_cast %add3A_187 : i32 to index
        %get3A_189 = arith.constant 0 : index
        %get3A_190 = tpu.vector_load %arg7[%get3A_188, %get3A_189] {strides = array<i32>} : memref<200x64xf32, #tpu.memory_space<vmem>>, vector<1x16xf32>,
        %get3A_191 = vector.shape_cast %get3A_190 : vector<1x16xf32> to vector<16xf32>
        %add3A_192 = arith.addf %add3A_168, %get3A_191 : vector<16xf32>
        %get3A_193 = arith.index_cast %add3A_187 : i32 to index
        %get3A_194 = arith.constant 16 : index
        %get3A_195 = tpu.vector_load %arg7[%get3A_193, %get3A_194] {strides = array<i32>} : memref<200x64xf32, #tpu.memory_space<vmem>>, vector<1x16xf32>,
        %get3A_196 = vector.shape_cast %get3A_195 : vector<1x16xf32> to vector<16xf32>
        %add3A_197 = arith.addf %add3A_173, %get3A_196 : vector<16xf32>
        %get3A_198 = arith.index_cast %add3A_187 : i32 to index
        %get3A_199 = arith.constant 32 : index
        %get3A_200 = tpu.vector_load %arg7[%get3A_198, %get3A_199] {strides = array<i32>} : memref<200x64xf32, #tpu.memory_space<vmem>>, vector<1x16xf32>,
        %get3A_201 = vector.shape_cast %get3A_200 : vector<1x16xf32> to vector<16xf32>
        %add3A_202 = arith.addf %add3A_178, %get3A_201 : vector<16xf32>
        %get3A_203 = arith.index_cast %add3A_187 : i32 to index
        %get3A_204 = arith.constant 48 : index
        %get3A_205 = tpu.vector_load %arg7[%get3A_203, %get3A_204] {strides = array<i32>} : memref<200x64xf32, #tpu.memory_space<vmem>>, vector<1x16xf32>,
        %get3A_206 = vector.shape_cast %get3A_205 : vector<1x16xf32> to vector<16xf32>
        %add3A_207 = arith.addf %add3A_183, %get3A_206 : vector<16xf32>
        %mul3A_208 = arith.constant 8 : i32
        %mul3A_209 = arith.muli %mul3A_208, %scan3A_156 : i32
        %add3A_210 = arith.constant 2 : i32
        %add3A_211 = arith.addi %mul3A_209, %add3A_210 : i32
        %get3A_212 = arith.index_cast %add3A_211 : i32 to index
        %get3A_213 = arith.constant 0 : index
        %get3A_214 = tpu.vector_load %arg7[%get3A_212, %get3A_213] {strides = array<i32>} : memref<200x64xf32, #tpu.memory_space<vmem>>, vector<1x16xf32>,
        %get3A_215 = vector.shape_cast %get3A_214 : vector<1x16xf32> to vector<16xf32>
        %add3A_216 = arith.addf %add3A_192, %get3A_215 : vector<16xf32>
        %get3A_217 = arith.index_cast %add3A_211 : i32 to index
        %get3A_218 = arith.constant 16 : index
        %get3A_219 = tpu.vector_load %arg7[%get3A_217, %get3A_218] {strides = array<i32>} : memref<200x64xf32, #tpu.memory_space<vmem>>, vector<1x16xf32>,
        %get3A_220 = vector.shape_cast %get3A_219 : vector<1x16xf32> to vector<16xf32>
        %add3A_221 = arith.addf %add3A_197, %get3A_220 : vector<16xf32>
        %get3A_222 = arith.index_cast %add3A_211 : i32 to index
        %get3A_223 = arith.constant 32 : index
        %get3A_224 = tpu.vector_load %arg7[%get3A_222, %get3A_223] {strides = array<i32>} : memref<200x64xf32, #tpu.memory_space<vmem>>, vector<1x16xf32>,
        %get3A_225 = vector.shape_cast %get3A_224 : vector<1x16xf32> to vector<16xf32>
        %add3A_226 = arith.addf %add3A_202, %get3A_225 : vector<16xf32>
        %get3A_227 = arith.index_cast %add3A_211 : i32 to index
        %get3A_228 = arith.constant 48 : index
        %get3A_229 = tpu.vector_load %arg7[%get3A_227, %get3A_228] {strides = array<i32>} : memref<200x64xf32, #tpu.memory_space<vmem>>, vector<1x16xf32>,
        %get3A_230 = vector.shape_cast %get3A_229 : vector<1x16xf32> to vector<16xf32>
        %add3A_231 = arith.addf %add3A_207, %get3A_230 : vector<16xf32>
        %mul3A_232 = arith.constant 8 : i32
        %mul3A_233 = arith.muli %mul3A_232, %scan3A_156 : i32
        %add3A_234 = arith.constant 3 : i32
        %add3A_235 = arith.addi %mul3A_233, %add3A_234 : i32
        %get3A_236 = arith.index_cast %add3A_235 : i32 to index
        %get3A_237 = arith.constant 0 : index
        %get3A_238 = tpu.vector_load %arg7[%get3A_236, %get3A_237] {strides = array<i32>} : memref<200x64xf32, #tpu.memory_space<vmem>>, vector<1x16xf32>,
        %get3A_239 = vector.shape_cast %get3A_238 : vector<1x16xf32> to vector<16xf32>
        %add3A_240 = arith.addf %add3A_216, %get3A_239 : vector<16xf32>
        %get3A_241 = arith.index_cast %add3A_235 : i32 to index
        %get3A_242 = arith.constant 16 : index
        %get3A_243 = tpu.vector_load %arg7[%get3A_241, %get3A_242] {strides = array<i32>} : memref<200x64xf32, #tpu.memory_space<vmem>>, vector<1x16xf32>,
        %get3A_244 = vector.shape_cast %get3A_243 : vector<1x16xf32> to vector<16xf32>
        %add3A_245 = arith.addf %add3A_221, %get3A_244 : vector<16xf32>
        %get3A_246 = arith.index_cast %add3A_235 : i32 to index
        %get3A_247 = arith.constant 32 : index
        %get3A_248 = tpu.vector_load %arg7[%get3A_246, %get3A_247] {strides = array<i32>} : memref<200x64xf32, #tpu.memory_space<vmem>>, vector<1x16xf32>,
        %get3A_249 = vector.shape_cast %get3A_248 : vector<1x16xf32> to vector<16xf32>
        %add3A_250 = arith.addf %add3A_226, %get3A_249 : vector<16xf32>
        %get3A_251 = arith.index_cast %add3A_235 : i32 to index
        %get3A_252 = arith.constant 48 : index
        %get3A_253 = tpu.vector_load %arg7[%get3A_251, %get3A_252] {strides = array<i32>} : memref<200x64xf32, #tpu.memory_space<vmem>>, vector<1x16xf32>,
        %get3A_254 = vector.shape_cast %get3A_253 : vector<1x16xf32> to vector<16xf32>
        %add3A_255 = arith.addf %add3A_231, %get3A_254 : vector<16xf32>
        %mul3A_256 = arith.constant 8 : i32
        %mul3A_257 = arith.muli %mul3A_256, %scan3A_156 : i32
        %add3A_258 = arith.constant 4 : i32
        %add3A_259 = arith.addi %mul3A_257, %add3A_258 : i32
        %get3A_260 = arith.index_cast %add3A_259 : i32 to index
        %get3A_261 = arith.constant 0 : index
        %get3A_262 = tpu.vector_load %arg7[%get3A_260, %get3A_261] {strides = array<i32>} : memref<200x64xf32, #tpu.memory_space<vmem>>, vector<1x16xf32>,
        %get3A_263 = vector.shape_cast %get3A_262 : vector<1x16xf32> to vector<16xf32>
        %add3A_264 = arith.addf %add3A_240, %get3A_263 : vector<16xf32>
        %get3A_265 = arith.index_cast %add3A_259 : i32 to index
        %get3A_266 = arith.constant 16 : index
        %get3A_267 = tpu.vector_load %arg7[%get3A_265, %get3A_266] {strides = array<i32>} : memref<200x64xf32, #tpu.memory_space<vmem>>, vector<1x16xf32>,
        %get3A_268 = vector.shape_cast %get3A_267 : vector<1x16xf32> to vector<16xf32>
        %add3A_269 = arith.addf %add3A_245, %get3A_268 : vector<16xf32>
        %get3A_270 = arith.index_cast %add3A_259 : i32 to index
        %get3A_271 = arith.constant 32 : index
        %get3A_272 = tpu.vector_load %arg7[%get3A_270, %get3A_271] {strides = array<i32>} : memref<200x64xf32, #tpu.memory_space<vmem>>, vector<1x16xf32>,
        %get3A_273 = vector.shape_cast %get3A_272 : vector<1x16xf32> to vector<16xf32>
        %add3A_274 = arith.addf %add3A_250, %get3A_273 : vector<16xf32>
        %get3A_275 = arith.index_cast %add3A_259 : i32 to index
        %get3A_276 = arith.constant 48 : index
        %get3A_277 = tpu.vector_load %arg7[%get3A_275, %get3A_276] {strides = array<i32>} : memref<200x64xf32, #tpu.memory_space<vmem>>, vector<1x16xf32>,
        %get3A_278 = vector.shape_cast %get3A_277 : vector<1x16xf32> to vector<16xf32>
        %add3A_279 = arith.addf %add3A_255, %get3A_278 : vector<16xf32>
        %mul3A_280 = arith.constant 8 : i32
        %mul3A_281 = arith.muli %mul3A_280, %scan3A_156 : i32
        %add3A_282 = arith.constant 5 : i32
        %add3A_283 = arith.addi %mul3A_281, %add3A_282 : i32
        %get3A_284 = arith.index_cast %add3A_283 : i32 to index
        %get3A_285 = arith.constant 0 : index
        %get3A_286 = tpu.vector_load %arg7[%get3A_284, %get3A_285] {strides = array<i32>} : memref<200x64xf32, #tpu.memory_space<vmem>>, vector<1x16xf32>,
        %get3A_287 = vector.shape_cast %get3A_286 : vector<1x16xf32> to vector<16xf32>
        %add3A_288 = arith.addf %add3A_264, %get3A_287 : vector<16xf32>
        %get3A_289 = arith.index_cast %add3A_283 : i32 to index
        %get3A_290 = arith.constant 16 : index
        %get3A_291 = tpu.vector_load %arg7[%get3A_289, %get3A_290] {strides = array<i32>} : memref<200x64xf32, #tpu.memory_space<vmem>>, vector<1x16xf32>,
        %get3A_292 = vector.shape_cast %get3A_291 : vector<1x16xf32> to vector<16xf32>
        %add3A_293 = arith.addf %add3A_269, %get3A_292 : vector<16xf32>
        %get3A_294 = arith.index_cast %add3A_283 : i32 to index
        %get3A_295 = arith.constant 32 : index
        %get3A_296 = tpu.vector_load %arg7[%get3A_294, %get3A_295] {strides = array<i32>} : memref<200x64xf32, #tpu.memory_space<vmem>>, vector<1x16xf32>,
        %get3A_297 = vector.shape_cast %get3A_296 : vector<1x16xf32> to vector<16xf32>
        %add3A_298 = arith.addf %add3A_274, %get3A_297 : vector<16xf32>
        %get3A_299 = arith.index_cast %add3A_283 : i32 to index
        %get3A_300 = arith.constant 48 : index
        %get3A_301 = tpu.vector_load %arg7[%get3A_299, %get3A_300] {strides = array<i32>} : memref<200x64xf32, #tpu.memory_space<vmem>>, vector<1x16xf32>,
        %get3A_302 = vector.shape_cast %get3A_301 : vector<1x16xf32> to vector<16xf32>
        %add3A_303 = arith.addf %add3A_279, %get3A_302 : vector<16xf32>
        %mul3A_304 = arith.constant 8 : i32
        %mul3A_305 = arith.muli %mul3A_304, %scan3A_156 : i32
        %add3A_306 = arith.constant 6 : i32
        %add3A_307 = arith.addi %mul3A_305, %add3A_306 : i32
        %get3A_308 = arith.index_cast %add3A_307 : i32 to index
        %get3A_309 = arith.constant 0 : index
        %get3A_310 = tpu.vector_load %arg7[%get3A_308, %get3A_309] {strides = array<i32>} : memref<200x64xf32, #tpu.memory_space<vmem>>, vector<1x16xf32>,
        %get3A_311 = vector.shape_cast %get3A_310 : vector<1x16xf32> to vector<16xf32>
        %add3A_312 = arith.addf %add3A_288, %get3A_311 : vector<16xf32>
        %get3A_313 = arith.index_cast %add3A_307 : i32 to index
        %get3A_314 = arith.constant 16 : index
        %get3A_315 = tpu.vector_load %arg7[%get3A_313, %get3A_314] {strides = array<i32>} : memref<200x64xf32, #tpu.memory_space<vmem>>, vector<1x16xf32>,
        %get3A_316 = vector.shape_cast %get3A_315 : vector<1x16xf32> to vector<16xf32>
        %add3A_317 = arith.addf %add3A_293, %get3A_316 : vector<16xf32>
        %get3A_318 = arith.index_cast %add3A_307 : i32 to index
        %get3A_319 = arith.constant 32 : index
        %get3A_320 = tpu.vector_load %arg7[%get3A_318, %get3A_319] {strides = array<i32>} : memref<200x64xf32, #tpu.memory_space<vmem>>, vector<1x16xf32>,
        %get3A_321 = vector.shape_cast %get3A_320 : vector<1x16xf32> to vector<16xf32>
        %add3A_322 = arith.addf %add3A_298, %get3A_321 : vector<16xf32>
        %get3A_323 = arith.index_cast %add3A_307 : i32 to index
        %get3A_324 = arith.constant 48 : index
        %get3A_325 = tpu.vector_load %arg7[%get3A_323, %get3A_324] {strides = array<i32>} : memref<200x64xf32, #tpu.memory_space<vmem>>, vector<1x16xf32>,
        %get3A_326 = vector.shape_cast %get3A_325 : vector<1x16xf32> to vector<16xf32>
        %add3A_327 = arith.addf %add3A_303, %get3A_326 : vector<16xf32>
        %mul3A_328 = arith.constant 8 : i32
        %mul3A_329 = arith.muli %mul3A_328, %scan3A_156 : i32
        %add3A_330 = arith.constant 7 : i32
        %add3A_331 = arith.addi %mul3A_329, %add3A_330 : i32
        %get3A_332 = arith.index_cast %add3A_331 : i32 to index
        %get3A_333 = arith.constant 0 : index
        %get3A_334 = tpu.vector_load %arg7[%get3A_332, %get3A_333] {strides = array<i32>} : memref<200x64xf32, #tpu.memory_space<vmem>>, vector<1x16xf32>,
        %get3A_335 = vector.shape_cast %get3A_334 : vector<1x16xf32> to vector<16xf32>
        %add3A_336 = arith.addf %add3A_312, %get3A_335 : vector<16xf32>
        %get3A_337 = arith.index_cast %add3A_331 : i32 to index
        %get3A_338 = arith.constant 16 : index
        %get3A_339 = tpu.vector_load %arg7[%get3A_337, %get3A_338] {strides = array<i32>} : memref<200x64xf32, #tpu.memory_space<vmem>>, vector<1x16xf32>,
        %get3A_340 = vector.shape_cast %get3A_339 : vector<1x16xf32> to vector<16xf32>
        %add3A_341 = arith.addf %add3A_317, %get3A_340 : vector<16xf32>
        %get3A_342 = arith.index_cast %add3A_331 : i32 to index
        %get3A_343 = arith.constant 32 : index
        %get3A_344 = tpu.vector_load %arg7[%get3A_342, %get3A_343] {strides = array<i32>} : memref<200x64xf32, #tpu.memory_space<vmem>>, vector<1x16xf32>,
        %get3A_345 = vector.shape_cast %get3A_344 : vector<1x16xf32> to vector<16xf32>
        %add3A_346 = arith.addf %add3A_322, %get3A_345 : vector<16xf32>
        %get3A_347 = arith.index_cast %add3A_331 : i32 to index
        %get3A_348 = arith.constant 48 : index
        %get3A_349 = tpu.vector_load %arg7[%get3A_347, %get3A_348] {strides = array<i32>} : memref<200x64xf32, #tpu.memory_space<vmem>>, vector<1x16xf32>,
        %get3A_350 = vector.shape_cast %get3A_349 : vector<1x16xf32> to vector<16xf32>
        %add3A_351 = arith.addf %add3A_327, %get3A_350 : vector<16xf32>
        scf.yield %add3A_336, %add3A_341, %add3A_346, %add3A_351 : vector<16xf32>, vector<16xf32>, vector<16xf32>, vector<16xf32>
      }
      %scan3A_135 = arith.constant 25 : i32
      %swap3A_136 = arith.constant 0 : index
      %swap3A_137 = tpu.vector_load %arg8[%swap3A_136] {strides = array<i32>} : memref<64xf32, #tpu.memory_space<vmem>>, vector<16xf32>,
      %swap3A_138 = vector.shape_cast %swap3A_137 : vector<16xf32> to vector<16xf32>
      %swap3A_139 = vector.shape_cast %scan3A_134#0 : vector<16xf32> to vector<16xf32>
      tpu.vector_store %arg8[%swap3A_136], %swap3A_139 {strides = array<i32>} : memref<64xf32, #tpu.memory_space<vmem>>, vector<16xf32>,
      %swap3A_140 = arith.constant 16 : index
      %swap3A_141 = tpu.vector_load %arg8[%swap3A_140] {strides = array<i32>} : memref<64xf32, #tpu.memory_space<vmem>>, vector<16xf32>,
      %swap3A_142 = vector.shape_cast %swap3A_141 : vector<16xf32> to vector<16xf32>
      %swap3A_143 = vector.shape_cast %scan3A_134#1 : vector<16xf32> to vector<16xf32>
      tpu.vector_store %arg8[%swap3A_140], %swap3A_143 {strides = array<i32>} : memref<64xf32, #tpu.memory_space<vmem>>, vector<16xf32>,
      %swap3A_144 = arith.constant 32 : index
      %swap3A_145 = tpu.vector_load %arg8[%swap3A_144] {strides = array<i32>} : memref<64xf32, #tpu.memory_space<vmem>>, vector<16xf32>,
      %swap3A_146 = vector.shape_cast %swap3A_145 : vector<16xf32> to vector<16xf32>
      %swap3A_147 = vector.shape_cast %scan3A_134#2 : vector<16xf32> to vector<16xf32>
      tpu.vector_store %arg8[%swap3A_144], %swap3A_147 {strides = array<i32>} : memref<64xf32, #tpu.memory_space<vmem>>, vector<16xf32>,
      %swap3A_148 = arith.constant 48 : index
      %swap3A_149 = tpu.vector_load %arg8[%swap3A_148] {strides = array<i32>} : memref<64xf32, #tpu.memory_space<vmem>>, vector<16xf32>,
      %swap3A_150 = vector.shape_cast %swap3A_149 : vector<16xf32> to vector<16xf32>
      %swap3A_151 = vector.shape_cast %scan3A_134#3 : vector<16xf32> to vector<16xf32>
      tpu.vector_store %arg8[%swap3A_148], %swap3A_151 {strides = array<i32>} : memref<64xf32, #tpu.memory_space<vmem>>, vector<16xf32>,
      %add3A_152 = arith.addi %mul3A_2, %add3A_127 : i32
      %mul3A_153 = arith.constant 64 : i32
      %mul3A_154 = arith.muli %add3A_152, %mul3A_153 : i32
      "tpu.region"() ({
        %run_scoped3A = tpu.sem_alloc : memref<!tpu.dma_semaphore, #tpu.memory_space<semaphore_mem>>
        %dma_start3A_156 = tpu.memref_slice %arg4[%mul3A_154] : memref<262144xf32, #tpu.memory_space<hbm>> -> memref<64xf32, #tpu.memory_space<hbm>>
        %dma_start3A_157 = tpu.memref_slice %arg4[%mul3A_154] : memref<262144xf32, #tpu.memory_space<hbm>> -> memref<64xf32, #tpu.memory_space<hbm>>
        tpu.enqueue_dma source(%arg8 : memref<64xf32, #tpu.memory_space<vmem>>) target(%dma_start3A_157 : memref<64xf32, #tpu.memory_space<hbm>>) target_semaphore(%run_scoped3A : memref<!tpu.dma_semaphore, #tpu.memory_space<semaphore_mem>>)
        %dma_wait3A_158 = tpu.memref_slice %arg4[%mul3A_154] : memref<262144xf32, #tpu.memory_space<hbm>> -> memref<64xf32, #tpu.memory_space<hbm>>
        %dma_wait3A_159 = tpu.memref_slice %arg4[%mul3A_154] : memref<262144xf32, #tpu.memory_space<hbm>> -> memref<64xf32, #tpu.memory_space<hbm>>
        tpu.wait_dma2 semaphore(%run_scoped3A : memref<!tpu.dma_semaphore, #tpu.memory_space<semaphore_mem>>) src(%arg8 : memref<64xf32, #tpu.memory_space<vmem>>) dst(%dma_wait3A_159 : memref<64xf32, #tpu.memory_space<hbm>>)
        tpu.yield
      }) : () -> ()
      %scan3A_155 = arith.constant 0 : i32
      scf.yield %scan3A_155 : i32
    }
    %scan3A_25 = arith.constant 64 : i32
    return
  }
}

#map = affine_map<(d0, d1) -> (0)>
#map1 = affine_map<(d0, d1) -> (0, 0)>
module attributes {stable_mosaic.version = 14 : i64} {
  func.func @pool_kernel(%arg0: i32, %arg1: i32, %arg2: memref<819200xi32, #tpu.memory_space<hbm>>, %arg3: memref<1000000x64xf32, #tpu.memory_space<hbm>>, %arg4: memref<262144xf32, #tpu.memory_space<hbm>>, %arg5: memref<25600xi32, #tpu.memory_space<vmem>>, %arg6: memref<200x64xf32, #tpu.memory_space<vmem>>, %arg7: memref<200x64xf32, #tpu.memory_space<vmem>>, %arg8: memref<64xf32, #tpu.memory_space<vmem>>, %arg9: memref<!tpu.dma_semaphore, #tpu.memory_space<semaphore_mem>>, %arg10: memref<!tpu.dma_semaphore, #tpu.memory_space<semaphore_mem>>) attributes {dimension_semantics = [#tpu.dimension_semantics<core_parallel>, #tpu.dimension_semantics<subcore_parallel>], iteration_bounds = array<i64: 2, 16>, scalar_prefetch = 0 : i64, scratch_operands = 6 : i64, tpu.core_type = #tpu.core_type<sc_vector_subcore>, window_params = [{transform_indices = #map}, {transform_indices = #map1}, {transform_indices = #map}]} {
    %mul3A = arith.constant 2 : i32
    %mul3A_0 = arith.muli %arg1, %mul3A : i32
    %add3A = arith.addi %mul3A_0, %arg0 : i32
    %mul3A_1 = arith.constant 128 : i32
    %mul3A_2 = arith.muli %add3A, %mul3A_1 : i32
    %mul3A_3 = arith.constant 200 : i32
    %mul3A_4 = arith.muli %mul3A_2, %mul3A_3 : i32
    "tpu.region"() ({
      %run_scoped3A = tpu.sem_alloc : memref<!tpu.dma_semaphore, #tpu.memory_space<semaphore_mem>>
      %dma_start3A_26 = tpu.memref_slice %arg2[%mul3A_4] : memref<819200xi32, #tpu.memory_space<hbm>> -> memref<25600xi32, #tpu.memory_space<hbm>>
      %dma_start3A_27 = tpu.memref_slice %arg2[%mul3A_4] : memref<819200xi32, #tpu.memory_space<hbm>> -> memref<25600xi32, #tpu.memory_space<hbm>>
      tpu.enqueue_dma source(%dma_start3A_27 : memref<25600xi32, #tpu.memory_space<hbm>>) target(%arg5 : memref<25600xi32, #tpu.memory_space<vmem>>) target_semaphore(%run_scoped3A : memref<!tpu.dma_semaphore, #tpu.memory_space<semaphore_mem>>)
      %dma_wait3A = tpu.memref_slice %arg2[%mul3A_4] : memref<819200xi32, #tpu.memory_space<hbm>> -> memref<25600xi32, #tpu.memory_space<hbm>>
      %dma_wait3A_28 = tpu.memref_slice %arg2[%mul3A_4] : memref<819200xi32, #tpu.memory_space<hbm>> -> memref<25600xi32, #tpu.memory_space<hbm>>
      tpu.wait_dma2 semaphore(%run_scoped3A : memref<!tpu.dma_semaphore, #tpu.memory_space<semaphore_mem>>) src(%dma_wait3A_28 : memref<25600xi32, #tpu.memory_space<hbm>>) dst(%arg5 : memref<25600xi32, #tpu.memory_space<vmem>>)
      tpu.yield
    }) : () -> ()
    %dma_start3A = arith.constant 0 : i32
    %dma_start3A_5 = arith.constant 0 : i32
    %dma_start3A_6 = tpu.memref_slice %arg6[%dma_start3A, %dma_start3A_5] : memref<200x64xf32, #tpu.memory_space<vmem>> -> memref<128x64xf32, #tpu.memory_space<vmem>>
    %dma_start3A_7 = arith.constant 0 : i32
    %dma_start3A_8 = tpu.memref_slice %arg5[%dma_start3A_7] : memref<25600xi32, #tpu.memory_space<vmem>> -> memref<128xi32, #tpu.memory_space<vmem>>
    %dma_start3A_9 = arith.constant 0 : i32
    %dma_start3A_10 = arith.constant 0 : i32
    %dma_start3A_11 = tpu.memref_slice %arg3[%dma_start3A_9, %dma_start3A_10] : memref<1000000x64xf32, #tpu.memory_space<hbm>> -> memref<1000000x64xf32, #tpu.memory_space<hbm>>
    tpu.enqueue_indirect_dma source(%dma_start3A_11 : memref<1000000x64xf32, #tpu.memory_space<hbm>>) target(%dma_start3A_6 : memref<128x64xf32, #tpu.memory_space<vmem>>) offsets(%dma_start3A_8 : memref<128xi32, #tpu.memory_space<vmem>>) semaphore(%arg9 : memref<!tpu.dma_semaphore, #tpu.memory_space<semaphore_mem>>)
    %dma_start3A_12 = arith.constant 128 : i32
    %dma_start3A_13 = arith.constant 0 : i32
    %dma_start3A_14 = tpu.memref_slice %arg6[%dma_start3A_12, %dma_start3A_13] : memref<200x64xf32, #tpu.memory_space<vmem>> -> memref<72x64xf32, #tpu.memory_space<vmem>>
    %dma_start3A_15 = arith.constant 128 : i32
    %dma_start3A_16 = tpu.memref_slice %arg5[%dma_start3A_15] : memref<25600xi32, #tpu.memory_space<vmem>> -> memref<72xi32, #tpu.memory_space<vmem>>
    %dma_start3A_17 = arith.constant 0 : i32
    %dma_start3A_18 = arith.constant 0 : i32
    %dma_start3A_19 = tpu.memref_slice %arg3[%dma_start3A_17, %dma_start3A_18] : memref<1000000x64xf32, #tpu.memory_space<hbm>> -> memref<1000000x64xf32, #tpu.memory_space<hbm>>
    tpu.enqueue_indirect_dma source(%dma_start3A_19 : memref<1000000x64xf32, #tpu.memory_space<hbm>>) target(%dma_start3A_14 : memref<72x64xf32, #tpu.memory_space<vmem>>) offsets(%dma_start3A_16 : memref<72xi32, #tpu.memory_space<vmem>>) semaphore(%arg9 : memref<!tpu.dma_semaphore, #tpu.memory_space<semaphore_mem>>)
    %scan3A = arith.constant 0 : i32
    %scan3A_20 = arith.constant 0 : i32
    %scan3A_21 = arith.constant 64 : i32
    %scan3A_22 = arith.addi %scan3A_20, %scan3A_21 : i32
    %scan3A_23 = arith.constant 1 : i32
    %scan3A_24 = scf.for %scan3A_26 = %scan3A_20 to %scan3A_22 step %scan3A_23 iter_args(%scan3A_27 = %scan3A) -> (i32)  : i32 {
      %mul3A_28 = arith.constant 2 : i32
      %mul3A_29 = arith.muli %mul3A_28, %scan3A_26 : i32
      %add3A_30 = arith.constant 1 : i32
      %add3A_31 = arith.addi %mul3A_29, %add3A_30 : i32
      %mul3A_32 = arith.constant 200 : i32
      %mul3A_33 = arith.muli %add3A_31, %mul3A_32 : i32
      %add3A_34 = arith.constant 0 : i32
      %add3A_35 = arith.addi %mul3A_33, %add3A_34 : i32
      %mul3A_36 = arith.constant 200 : i32
      %mul3A_37 = arith.muli %add3A_31, %mul3A_36 : i32
      %add3A_38 = arith.constant 128 : i32
      %add3A_39 = arith.addi %mul3A_37, %add3A_38 : i32
      %dma_start3A_40 = arith.constant 0 : i32
      %dma_start3A_41 = arith.constant 0 : i32
      %dma_start3A_42 = tpu.memref_slice %arg7[%dma_start3A_40, %dma_start3A_41] : memref<200x64xf32, #tpu.memory_space<vmem>> -> memref<128x64xf32, #tpu.memory_space<vmem>>
      %dma_start3A_43 = tpu.memref_slice %arg5[%add3A_35] : memref<25600xi32, #tpu.memory_space<vmem>> -> memref<128xi32, #tpu.memory_space<vmem>>
      %dma_start3A_44 = arith.constant 0 : i32
      %dma_start3A_45 = arith.constant 0 : i32
      %dma_start3A_46 = tpu.memref_slice %arg3[%dma_start3A_44, %dma_start3A_45] : memref<1000000x64xf32, #tpu.memory_space<hbm>> -> memref<1000000x64xf32, #tpu.memory_space<hbm>>
      tpu.enqueue_indirect_dma source(%dma_start3A_46 : memref<1000000x64xf32, #tpu.memory_space<hbm>>) target(%dma_start3A_42 : memref<128x64xf32, #tpu.memory_space<vmem>>) offsets(%dma_start3A_43 : memref<128xi32, #tpu.memory_space<vmem>>) semaphore(%arg10 : memref<!tpu.dma_semaphore, #tpu.memory_space<semaphore_mem>>)
      %dma_start3A_47 = arith.constant 128 : i32
      %dma_start3A_48 = arith.constant 0 : i32
      %dma_start3A_49 = tpu.memref_slice %arg7[%dma_start3A_47, %dma_start3A_48] : memref<200x64xf32, #tpu.memory_space<vmem>> -> memref<72x64xf32, #tpu.memory_space<vmem>>
      %dma_start3A_50 = tpu.memref_slice %arg5[%add3A_39] : memref<25600xi32, #tpu.memory_space<vmem>> -> memref<72xi32, #tpu.memory_space<vmem>>
      %dma_start3A_51 = arith.constant 0 : i32
      %dma_start3A_52 = arith.constant 0 : i32
      %dma_start3A_53 = tpu.memref_slice %arg3[%dma_start3A_51, %dma_start3A_52] : memref<1000000x64xf32, #tpu.memory_space<hbm>> -> memref<1000000x64xf32, #tpu.memory_space<hbm>>
      tpu.enqueue_indirect_dma source(%dma_start3A_53 : memref<1000000x64xf32, #tpu.memory_space<hbm>>) target(%dma_start3A_49 : memref<72x64xf32, #tpu.memory_space<vmem>>) offsets(%dma_start3A_50 : memref<72xi32, #tpu.memory_space<vmem>>) semaphore(%arg10 : memref<!tpu.dma_semaphore, #tpu.memory_space<semaphore_mem>>)
      %mul3A_54 = arith.constant 200 : i32
      %mul3A_55 = arith.muli %mul3A_29, %mul3A_54 : i32
      %add3A_56 = arith.constant 0 : i32
      %add3A_57 = arith.addi %mul3A_55, %add3A_56 : i32
      %mul3A_58 = arith.constant 200 : i32
      %mul3A_59 = arith.muli %mul3A_29, %mul3A_58 : i32
      %add3A_60 = arith.constant 128 : i32
      %add3A_61 = arith.addi %mul3A_59, %add3A_60 : i32
      %dma_wait3A = arith.constant 0 : i32
      %dma_wait3A_62 = arith.constant 0 : i32
      %dma_wait3A_63 = tpu.memref_slice %arg6[%dma_wait3A, %dma_wait3A_62] : memref<200x64xf32, #tpu.memory_space<vmem>> -> memref<128x64xf32, #tpu.memory_space<vmem>>
      %dma_wait3A_64 = tpu.memref_slice %arg5[%add3A_57] : memref<25600xi32, #tpu.memory_space<vmem>> -> memref<128xi32, #tpu.memory_space<vmem>>
      %dma_wait3A_65 = arith.constant 0 : i32
      %dma_wait3A_66 = arith.constant 0 : i32
      %dma_wait3A_67 = tpu.memref_slice %arg3[%dma_wait3A_65, %dma_wait3A_66] : memref<1000000x64xf32, #tpu.memory_space<hbm>> -> memref<1000000x64xf32, #tpu.memory_space<hbm>>
      tpu.wait_indirect_dma semaphore(%arg9 : memref<!tpu.dma_semaphore, #tpu.memory_space<semaphore_mem>>) src(%dma_wait3A_67 : memref<1000000x64xf32, #tpu.memory_space<hbm>>) dst(%dma_wait3A_63 : memref<128x64xf32, #tpu.memory_space<vmem>>)
      %dma_wait3A_68 = arith.constant 128 : i32
      %dma_wait3A_69 = arith.constant 0 : i32
      %dma_wait3A_70 = tpu.memref_slice %arg6[%dma_wait3A_68, %dma_wait3A_69] : memref<200x64xf32, #tpu.memory_space<vmem>> -> memref<72x64xf32, #tpu.memory_space<vmem>>
      %dma_wait3A_71 = tpu.memref_slice %arg5[%add3A_61] : memref<25600xi32, #tpu.memory_space<vmem>> -> memref<72xi32, #tpu.memory_space<vmem>>
      %dma_wait3A_72 = arith.constant 0 : i32
      %dma_wait3A_73 = arith.constant 0 : i32
      %dma_wait3A_74 = tpu.memref_slice %arg3[%dma_wait3A_72, %dma_wait3A_73] : memref<1000000x64xf32, #tpu.memory_space<hbm>> -> memref<1000000x64xf32, #tpu.memory_space<hbm>>
      tpu.wait_indirect_dma semaphore(%arg9 : memref<!tpu.dma_semaphore, #tpu.memory_space<semaphore_mem>>) src(%dma_wait3A_74 : memref<1000000x64xf32, #tpu.memory_space<hbm>>) dst(%dma_wait3A_70 : memref<72x64xf32, #tpu.memory_space<vmem>>)
      %broadcast_in_dim3A = arith.constant 0.000000e+00 : f32
      %broadcast_in_dim3A_75 = vector.broadcast %broadcast_in_dim3A : f32 to vector<16xf32>
      %scan3A_76 = arith.constant 0 : i32
      %scan3A_77 = arith.constant 25 : i32
      %scan3A_78 = arith.addi %scan3A_76, %scan3A_77 : i32
      %scan3A_79 = arith.constant 1 : i32
      %scan3A_80:4 = scf.for %scan3A_156 = %scan3A_76 to %scan3A_78 step %scan3A_79 iter_args(%scan3A_157 = %broadcast_in_dim3A_75, %scan3A_158 = %broadcast_in_dim3A_75, %scan3A_159 = %broadcast_in_dim3A_75, %scan3A_160 = %broadcast_in_dim3A_75) -> (vector<16xf32>, vector<16xf32>, vector<16xf32>, vector<16xf32>)  : i32 {
        %mul3A_161 = arith.constant 8 : i32
        %mul3A_162 = arith.muli %mul3A_161, %scan3A_156 : i32
        %add3A_163 = arith.constant 0 : i32
        %add3A_164 = arith.addi %mul3A_162, %add3A_163 : i32
        %get3A = arith.index_cast %add3A_164 : i32 to index
        %get3A_165 = arith.constant 0 : index
        %get3A_166 = tpu.vector_load %arg6[%get3A, %get3A_165] {strides = array<i32>} : memref<200x64xf32, #tpu.memory_space<vmem>>, vector<1x16xf32>,
        %get3A_167 = vector.shape_cast %get3A_166 : vector<1x16xf32> to vector<16xf32>
        %add3A_168 = arith.addf %scan3A_157, %get3A_167 : vector<16xf32>
        %get3A_169 = arith.index_cast %add3A_164 : i32 to index
        %get3A_170 = arith.constant 16 : index
        %get3A_171 = tpu.vector_load %arg6[%get3A_169, %get3A_170] {strides = array<i32>} : memref<200x64xf32, #tpu.memory_space<vmem>>, vector<1x16xf32>,
        %get3A_172 = vector.shape_cast %get3A_171 : vector<1x16xf32> to vector<16xf32>
        %add3A_173 = arith.addf %scan3A_158, %get3A_172 : vector<16xf32>
        %get3A_174 = arith.index_cast %add3A_164 : i32 to index
        %get3A_175 = arith.constant 32 : index
        %get3A_176 = tpu.vector_load %arg6[%get3A_174, %get3A_175] {strides = array<i32>} : memref<200x64xf32, #tpu.memory_space<vmem>>, vector<1x16xf32>,
        %get3A_177 = vector.shape_cast %get3A_176 : vector<1x16xf32> to vector<16xf32>
        %add3A_178 = arith.addf %scan3A_159, %get3A_177 : vector<16xf32>
        %get3A_179 = arith.index_cast %add3A_164 : i32 to index
        %get3A_180 = arith.constant 48 : index
        %get3A_181 = tpu.vector_load %arg6[%get3A_179, %get3A_180] {strides = array<i32>} : memref<200x64xf32, #tpu.memory_space<vmem>>, vector<1x16xf32>,
        %get3A_182 = vector.shape_cast %get3A_181 : vector<1x16xf32> to vector<16xf32>
        %add3A_183 = arith.addf %scan3A_160, %get3A_182 : vector<16xf32>
        %mul3A_184 = arith.constant 8 : i32
        %mul3A_185 = arith.muli %mul3A_184, %scan3A_156 : i32
        %add3A_186 = arith.constant 1 : i32
        %add3A_187 = arith.addi %mul3A_185, %add3A_186 : i32
        %get3A_188 = arith.index_cast %add3A_187 : i32 to index
        %get3A_189 = arith.constant 0 : index
        %get3A_190 = tpu.vector_load %arg6[%get3A_188, %get3A_189] {strides = array<i32>} : memref<200x64xf32, #tpu.memory_space<vmem>>, vector<1x16xf32>,
        %get3A_191 = vector.shape_cast %get3A_190 : vector<1x16xf32> to vector<16xf32>
        %add3A_192 = arith.addf %add3A_168, %get3A_191 : vector<16xf32>
        %get3A_193 = arith.index_cast %add3A_187 : i32 to index
        %get3A_194 = arith.constant 16 : index
        %get3A_195 = tpu.vector_load %arg6[%get3A_193, %get3A_194] {strides = array<i32>} : memref<200x64xf32, #tpu.memory_space<vmem>>, vector<1x16xf32>,
        %get3A_196 = vector.shape_cast %get3A_195 : vector<1x16xf32> to vector<16xf32>
        %add3A_197 = arith.addf %add3A_173, %get3A_196 : vector<16xf32>
        %get3A_198 = arith.index_cast %add3A_187 : i32 to index
        %get3A_199 = arith.constant 32 : index
        %get3A_200 = tpu.vector_load %arg6[%get3A_198, %get3A_199] {strides = array<i32>} : memref<200x64xf32, #tpu.memory_space<vmem>>, vector<1x16xf32>,
        %get3A_201 = vector.shape_cast %get3A_200 : vector<1x16xf32> to vector<16xf32>
        %add3A_202 = arith.addf %add3A_178, %get3A_201 : vector<16xf32>
        %get3A_203 = arith.index_cast %add3A_187 : i32 to index
        %get3A_204 = arith.constant 48 : index
        %get3A_205 = tpu.vector_load %arg6[%get3A_203, %get3A_204] {strides = array<i32>} : memref<200x64xf32, #tpu.memory_space<vmem>>, vector<1x16xf32>,
        %get3A_206 = vector.shape_cast %get3A_205 : vector<1x16xf32> to vector<16xf32>
        %add3A_207 = arith.addf %add3A_183, %get3A_206 : vector<16xf32>
        %mul3A_208 = arith.constant 8 : i32
        %mul3A_209 = arith.muli %mul3A_208, %scan3A_156 : i32
        %add3A_210 = arith.constant 2 : i32
        %add3A_211 = arith.addi %mul3A_209, %add3A_210 : i32
        %get3A_212 = arith.index_cast %add3A_211 : i32 to index
        %get3A_213 = arith.constant 0 : index
        %get3A_214 = tpu.vector_load %arg6[%get3A_212, %get3A_213] {strides = array<i32>} : memref<200x64xf32, #tpu.memory_space<vmem>>, vector<1x16xf32>,
        %get3A_215 = vector.shape_cast %get3A_214 : vector<1x16xf32> to vector<16xf32>
        %add3A_216 = arith.addf %add3A_192, %get3A_215 : vector<16xf32>
        %get3A_217 = arith.index_cast %add3A_211 : i32 to index
        %get3A_218 = arith.constant 16 : index
        %get3A_219 = tpu.vector_load %arg6[%get3A_217, %get3A_218] {strides = array<i32>} : memref<200x64xf32, #tpu.memory_space<vmem>>, vector<1x16xf32>,
        %get3A_220 = vector.shape_cast %get3A_219 : vector<1x16xf32> to vector<16xf32>
        %add3A_221 = arith.addf %add3A_197, %get3A_220 : vector<16xf32>
        %get3A_222 = arith.index_cast %add3A_211 : i32 to index
        %get3A_223 = arith.constant 32 : index
        %get3A_224 = tpu.vector_load %arg6[%get3A_222, %get3A_223] {strides = array<i32>} : memref<200x64xf32, #tpu.memory_space<vmem>>, vector<1x16xf32>,
        %get3A_225 = vector.shape_cast %get3A_224 : vector<1x16xf32> to vector<16xf32>
        %add3A_226 = arith.addf %add3A_202, %get3A_225 : vector<16xf32>
        %get3A_227 = arith.index_cast %add3A_211 : i32 to index
        %get3A_228 = arith.constant 48 : index
        %get3A_229 = tpu.vector_load %arg6[%get3A_227, %get3A_228] {strides = array<i32>} : memref<200x64xf32, #tpu.memory_space<vmem>>, vector<1x16xf32>,
        %get3A_230 = vector.shape_cast %get3A_229 : vector<1x16xf32> to vector<16xf32>
        %add3A_231 = arith.addf %add3A_207, %get3A_230 : vector<16xf32>
        %mul3A_232 = arith.constant 8 : i32
        %mul3A_233 = arith.muli %mul3A_232, %scan3A_156 : i32
        %add3A_234 = arith.constant 3 : i32
        %add3A_235 = arith.addi %mul3A_233, %add3A_234 : i32
        %get3A_236 = arith.index_cast %add3A_235 : i32 to index
        %get3A_237 = arith.constant 0 : index
        %get3A_238 = tpu.vector_load %arg6[%get3A_236, %get3A_237] {strides = array<i32>} : memref<200x64xf32, #tpu.memory_space<vmem>>, vector<1x16xf32>,
        %get3A_239 = vector.shape_cast %get3A_238 : vector<1x16xf32> to vector<16xf32>
        %add3A_240 = arith.addf %add3A_216, %get3A_239 : vector<16xf32>
        %get3A_241 = arith.index_cast %add3A_235 : i32 to index
        %get3A_242 = arith.constant 16 : index
        %get3A_243 = tpu.vector_load %arg6[%get3A_241, %get3A_242] {strides = array<i32>} : memref<200x64xf32, #tpu.memory_space<vmem>>, vector<1x16xf32>,
        %get3A_244 = vector.shape_cast %get3A_243 : vector<1x16xf32> to vector<16xf32>
        %add3A_245 = arith.addf %add3A_221, %get3A_244 : vector<16xf32>
        %get3A_246 = arith.index_cast %add3A_235 : i32 to index
        %get3A_247 = arith.constant 32 : index
        %get3A_248 = tpu.vector_load %arg6[%get3A_246, %get3A_247] {strides = array<i32>} : memref<200x64xf32, #tpu.memory_space<vmem>>, vector<1x16xf32>,
        %get3A_249 = vector.shape_cast %get3A_248 : vector<1x16xf32> to vector<16xf32>
        %add3A_250 = arith.addf %add3A_226, %get3A_249 : vector<16xf32>
        %get3A_251 = arith.index_cast %add3A_235 : i32 to index
        %get3A_252 = arith.constant 48 : index
        %get3A_253 = tpu.vector_load %arg6[%get3A_251, %get3A_252] {strides = array<i32>} : memref<200x64xf32, #tpu.memory_space<vmem>>, vector<1x16xf32>,
        %get3A_254 = vector.shape_cast %get3A_253 : vector<1x16xf32> to vector<16xf32>
        %add3A_255 = arith.addf %add3A_231, %get3A_254 : vector<16xf32>
        %mul3A_256 = arith.constant 8 : i32
        %mul3A_257 = arith.muli %mul3A_256, %scan3A_156 : i32
        %add3A_258 = arith.constant 4 : i32
        %add3A_259 = arith.addi %mul3A_257, %add3A_258 : i32
        %get3A_260 = arith.index_cast %add3A_259 : i32 to index
        %get3A_261 = arith.constant 0 : index
        %get3A_262 = tpu.vector_load %arg6[%get3A_260, %get3A_261] {strides = array<i32>} : memref<200x64xf32, #tpu.memory_space<vmem>>, vector<1x16xf32>,
        %get3A_263 = vector.shape_cast %get3A_262 : vector<1x16xf32> to vector<16xf32>
        %add3A_264 = arith.addf %add3A_240, %get3A_263 : vector<16xf32>
        %get3A_265 = arith.index_cast %add3A_259 : i32 to index
        %get3A_266 = arith.constant 16 : index
        %get3A_267 = tpu.vector_load %arg6[%get3A_265, %get3A_266] {strides = array<i32>} : memref<200x64xf32, #tpu.memory_space<vmem>>, vector<1x16xf32>,
        %get3A_268 = vector.shape_cast %get3A_267 : vector<1x16xf32> to vector<16xf32>
        %add3A_269 = arith.addf %add3A_245, %get3A_268 : vector<16xf32>
        %get3A_270 = arith.index_cast %add3A_259 : i32 to index
        %get3A_271 = arith.constant 32 : index
        %get3A_272 = tpu.vector_load %arg6[%get3A_270, %get3A_271] {strides = array<i32>} : memref<200x64xf32, #tpu.memory_space<vmem>>, vector<1x16xf32>,
        %get3A_273 = vector.shape_cast %get3A_272 : vector<1x16xf32> to vector<16xf32>
        %add3A_274 = arith.addf %add3A_250, %get3A_273 : vector<16xf32>
        %get3A_275 = arith.index_cast %add3A_259 : i32 to index
        %get3A_276 = arith.constant 48 : index
        %get3A_277 = tpu.vector_load %arg6[%get3A_275, %get3A_276] {strides = array<i32>} : memref<200x64xf32, #tpu.memory_space<vmem>>, vector<1x16xf32>,
        %get3A_278 = vector.shape_cast %get3A_277 : vector<1x16xf32> to vector<16xf32>
        %add3A_279 = arith.addf %add3A_255, %get3A_278 : vector<16xf32>
        %mul3A_280 = arith.constant 8 : i32
        %mul3A_281 = arith.muli %mul3A_280, %scan3A_156 : i32
        %add3A_282 = arith.constant 5 : i32
        %add3A_283 = arith.addi %mul3A_281, %add3A_282 : i32
        %get3A_284 = arith.index_cast %add3A_283 : i32 to index
        %get3A_285 = arith.constant 0 : index
        %get3A_286 = tpu.vector_load %arg6[%get3A_284, %get3A_285] {strides = array<i32>} : memref<200x64xf32, #tpu.memory_space<vmem>>, vector<1x16xf32>,
        %get3A_287 = vector.shape_cast %get3A_286 : vector<1x16xf32> to vector<16xf32>
        %add3A_288 = arith.addf %add3A_264, %get3A_287 : vector<16xf32>
        %get3A_289 = arith.index_cast %add3A_283 : i32 to index
        %get3A_290 = arith.constant 16 : index
        %get3A_291 = tpu.vector_load %arg6[%get3A_289, %get3A_290] {strides = array<i32>} : memref<200x64xf32, #tpu.memory_space<vmem>>, vector<1x16xf32>,
        %get3A_292 = vector.shape_cast %get3A_291 : vector<1x16xf32> to vector<16xf32>
        %add3A_293 = arith.addf %add3A_269, %get3A_292 : vector<16xf32>
        %get3A_294 = arith.index_cast %add3A_283 : i32 to index
        %get3A_295 = arith.constant 32 : index
        %get3A_296 = tpu.vector_load %arg6[%get3A_294, %get3A_295] {strides = array<i32>} : memref<200x64xf32, #tpu.memory_space<vmem>>, vector<1x16xf32>,
        %get3A_297 = vector.shape_cast %get3A_296 : vector<1x16xf32> to vector<16xf32>
        %add3A_298 = arith.addf %add3A_274, %get3A_297 : vector<16xf32>
        %get3A_299 = arith.index_cast %add3A_283 : i32 to index
        %get3A_300 = arith.constant 48 : index
        %get3A_301 = tpu.vector_load %arg6[%get3A_299, %get3A_300] {strides = array<i32>} : memref<200x64xf32, #tpu.memory_space<vmem>>, vector<1x16xf32>,
        %get3A_302 = vector.shape_cast %get3A_301 : vector<1x16xf32> to vector<16xf32>
        %add3A_303 = arith.addf %add3A_279, %get3A_302 : vector<16xf32>
        %mul3A_304 = arith.constant 8 : i32
        %mul3A_305 = arith.muli %mul3A_304, %scan3A_156 : i32
        %add3A_306 = arith.constant 6 : i32
        %add3A_307 = arith.addi %mul3A_305, %add3A_306 : i32
        %get3A_308 = arith.index_cast %add3A_307 : i32 to index
        %get3A_309 = arith.constant 0 : index
        %get3A_310 = tpu.vector_load %arg6[%get3A_308, %get3A_309] {strides = array<i32>} : memref<200x64xf32, #tpu.memory_space<vmem>>, vector<1x16xf32>,
        %get3A_311 = vector.shape_cast %get3A_310 : vector<1x16xf32> to vector<16xf32>
        %add3A_312 = arith.addf %add3A_288, %get3A_311 : vector<16xf32>
        %get3A_313 = arith.index_cast %add3A_307 : i32 to index
        %get3A_314 = arith.constant 16 : index
        %get3A_315 = tpu.vector_load %arg6[%get3A_313, %get3A_314] {strides = array<i32>} : memref<200x64xf32, #tpu.memory_space<vmem>>, vector<1x16xf32>,
        %get3A_316 = vector.shape_cast %get3A_315 : vector<1x16xf32> to vector<16xf32>
        %add3A_317 = arith.addf %add3A_293, %get3A_316 : vector<16xf32>
        %get3A_318 = arith.index_cast %add3A_307 : i32 to index
        %get3A_319 = arith.constant 32 : index
        %get3A_320 = tpu.vector_load %arg6[%get3A_318, %get3A_319] {strides = array<i32>} : memref<200x64xf32, #tpu.memory_space<vmem>>, vector<1x16xf32>,
        %get3A_321 = vector.shape_cast %get3A_320 : vector<1x16xf32> to vector<16xf32>
        %add3A_322 = arith.addf %add3A_298, %get3A_321 : vector<16xf32>
        %get3A_323 = arith.index_cast %add3A_307 : i32 to index
        %get3A_324 = arith.constant 48 : index
        %get3A_325 = tpu.vector_load %arg6[%get3A_323, %get3A_324] {strides = array<i32>} : memref<200x64xf32, #tpu.memory_space<vmem>>, vector<1x16xf32>,
        %get3A_326 = vector.shape_cast %get3A_325 : vector<1x16xf32> to vector<16xf32>
        %add3A_327 = arith.addf %add3A_303, %get3A_326 : vector<16xf32>
        %mul3A_328 = arith.constant 8 : i32
        %mul3A_329 = arith.muli %mul3A_328, %scan3A_156 : i32
        %add3A_330 = arith.constant 7 : i32
        %add3A_331 = arith.addi %mul3A_329, %add3A_330 : i32
        %get3A_332 = arith.index_cast %add3A_331 : i32 to index
        %get3A_333 = arith.constant 0 : index
        %get3A_334 = tpu.vector_load %arg6[%get3A_332, %get3A_333] {strides = array<i32>} : memref<200x64xf32, #tpu.memory_space<vmem>>, vector<1x16xf32>,
        %get3A_335 = vector.shape_cast %get3A_334 : vector<1x16xf32> to vector<16xf32>
        %add3A_336 = arith.addf %add3A_312, %get3A_335 : vector<16xf32>
        %get3A_337 = arith.index_cast %add3A_331 : i32 to index
        %get3A_338 = arith.constant 16 : index
        %get3A_339 = tpu.vector_load %arg6[%get3A_337, %get3A_338] {strides = array<i32>} : memref<200x64xf32, #tpu.memory_space<vmem>>, vector<1x16xf32>,
        %get3A_340 = vector.shape_cast %get3A_339 : vector<1x16xf32> to vector<16xf32>
        %add3A_341 = arith.addf %add3A_317, %get3A_340 : vector<16xf32>
        %get3A_342 = arith.index_cast %add3A_331 : i32 to index
        %get3A_343 = arith.constant 32 : index
        %get3A_344 = tpu.vector_load %arg6[%get3A_342, %get3A_343] {strides = array<i32>} : memref<200x64xf32, #tpu.memory_space<vmem>>, vector<1x16xf32>,
        %get3A_345 = vector.shape_cast %get3A_344 : vector<1x16xf32> to vector<16xf32>
        %add3A_346 = arith.addf %add3A_322, %get3A_345 : vector<16xf32>
        %get3A_347 = arith.index_cast %add3A_331 : i32 to index
        %get3A_348 = arith.constant 48 : index
        %get3A_349 = tpu.vector_load %arg6[%get3A_347, %get3A_348] {strides = array<i32>} : memref<200x64xf32, #tpu.memory_space<vmem>>, vector<1x16xf32>,
        %get3A_350 = vector.shape_cast %get3A_349 : vector<1x16xf32> to vector<16xf32>
        %add3A_351 = arith.addf %add3A_327, %get3A_350 : vector<16xf32>
        scf.yield %add3A_336, %add3A_341, %add3A_346, %add3A_351 : vector<16xf32>, vector<16xf32>, vector<16xf32>, vector<16xf32>
      }
      %scan3A_81 = arith.constant 25 : i32
      %swap3A = arith.constant 0 : index
      %swap3A_82 = tpu.vector_load %arg8[%swap3A] {strides = array<i32>} : memref<64xf32, #tpu.memory_space<vmem>>, vector<16xf32>,
      %swap3A_83 = vector.shape_cast %swap3A_82 : vector<16xf32> to vector<16xf32>
      %swap3A_84 = vector.shape_cast %scan3A_80#0 : vector<16xf32> to vector<16xf32>
      tpu.vector_store %arg8[%swap3A], %swap3A_84 {strides = array<i32>} : memref<64xf32, #tpu.memory_space<vmem>>, vector<16xf32>,
      %swap3A_85 = arith.constant 16 : index
      %swap3A_86 = tpu.vector_load %arg8[%swap3A_85] {strides = array<i32>} : memref<64xf32, #tpu.memory_space<vmem>>, vector<16xf32>,
      %swap3A_87 = vector.shape_cast %swap3A_86 : vector<16xf32> to vector<16xf32>
      %swap3A_88 = vector.shape_cast %scan3A_80#1 : vector<16xf32> to vector<16xf32>
      tpu.vector_store %arg8[%swap3A_85], %swap3A_88 {strides = array<i32>} : memref<64xf32, #tpu.memory_space<vmem>>, vector<16xf32>,
      %swap3A_89 = arith.constant 32 : index
      %swap3A_90 = tpu.vector_load %arg8[%swap3A_89] {strides = array<i32>} : memref<64xf32, #tpu.memory_space<vmem>>, vector<16xf32>,
      %swap3A_91 = vector.shape_cast %swap3A_90 : vector<16xf32> to vector<16xf32>
      %swap3A_92 = vector.shape_cast %scan3A_80#2 : vector<16xf32> to vector<16xf32>
      tpu.vector_store %arg8[%swap3A_89], %swap3A_92 {strides = array<i32>} : memref<64xf32, #tpu.memory_space<vmem>>, vector<16xf32>,
      %swap3A_93 = arith.constant 48 : index
      %swap3A_94 = tpu.vector_load %arg8[%swap3A_93] {strides = array<i32>} : memref<64xf32, #tpu.memory_space<vmem>>, vector<16xf32>,
      %swap3A_95 = vector.shape_cast %swap3A_94 : vector<16xf32> to vector<16xf32>
      %swap3A_96 = vector.shape_cast %scan3A_80#3 : vector<16xf32> to vector<16xf32>
      tpu.vector_store %arg8[%swap3A_93], %swap3A_96 {strides = array<i32>} : memref<64xf32, #tpu.memory_space<vmem>>, vector<16xf32>,
      %add3A_97 = arith.addi %mul3A_2, %mul3A_29 : i32
      %mul3A_98 = arith.constant 64 : i32
      %mul3A_99 = arith.muli %add3A_97, %mul3A_98 : i32
      "tpu.region"() ({
        %run_scoped3A = tpu.sem_alloc : memref<!tpu.dma_semaphore, #tpu.memory_space<semaphore_mem>>
        %dma_start3A_156 = tpu.memref_slice %arg4[%mul3A_99] : memref<262144xf32, #tpu.memory_space<hbm>> -> memref<64xf32, #tpu.memory_space<hbm>>
        %dma_start3A_157 = tpu.memref_slice %arg4[%mul3A_99] : memref<262144xf32, #tpu.memory_space<hbm>> -> memref<64xf32, #tpu.memory_space<hbm>>
        tpu.enqueue_dma source(%arg8 : memref<64xf32, #tpu.memory_space<vmem>>) target(%dma_start3A_157 : memref<64xf32, #tpu.memory_space<hbm>>) target_semaphore(%run_scoped3A : memref<!tpu.dma_semaphore, #tpu.memory_space<semaphore_mem>>)
        %dma_wait3A_158 = tpu.memref_slice %arg4[%mul3A_99] : memref<262144xf32, #tpu.memory_space<hbm>> -> memref<64xf32, #tpu.memory_space<hbm>>
        %dma_wait3A_159 = tpu.memref_slice %arg4[%mul3A_99] : memref<262144xf32, #tpu.memory_space<hbm>> -> memref<64xf32, #tpu.memory_space<hbm>>
        tpu.wait_dma2 semaphore(%run_scoped3A : memref<!tpu.dma_semaphore, #tpu.memory_space<semaphore_mem>>) src(%arg8 : memref<64xf32, #tpu.memory_space<vmem>>) dst(%dma_wait3A_159 : memref<64xf32, #tpu.memory_space<hbm>>)
        tpu.yield
      }) : () -> ()
      %lt3A = arith.constant 63 : i32
      %lt3A_100 = arith.cmpi slt, %scan3A_26, %lt3A : i32
      %convert_element_type3A = arith.extui %lt3A_100 : i1 to i32
      %cond3A = arith.constant 0 : i32
      %cond3A_101 = arith.cmpi ne, %convert_element_type3A, %cond3A : i32
      scf.if %cond3A_101 {
        %add3A_156 = arith.constant 2 : i32
        %add3A_157 = arith.addi %mul3A_29, %add3A_156 : i32
        %mul3A_158 = arith.constant 200 : i32
        %mul3A_159 = arith.muli %add3A_157, %mul3A_158 : i32
        %add3A_160 = arith.constant 0 : i32
        %add3A_161 = arith.addi %mul3A_159, %add3A_160 : i32
        %mul3A_162 = arith.constant 200 : i32
        %mul3A_163 = arith.muli %add3A_157, %mul3A_162 : i32
        %add3A_164 = arith.constant 128 : i32
        %add3A_165 = arith.addi %mul3A_163, %add3A_164 : i32
        %dma_start3A_166 = arith.constant 0 : i32
        %dma_start3A_167 = arith.constant 0 : i32
        %dma_start3A_168 = tpu.memref_slice %arg6[%dma_start3A_166, %dma_start3A_167] : memref<200x64xf32, #tpu.memory_space<vmem>> -> memref<128x64xf32, #tpu.memory_space<vmem>>
        %dma_start3A_169 = tpu.memref_slice %arg5[%add3A_161] : memref<25600xi32, #tpu.memory_space<vmem>> -> memref<128xi32, #tpu.memory_space<vmem>>
        %dma_start3A_170 = arith.constant 0 : i32
        %dma_start3A_171 = arith.constant 0 : i32
        %dma_start3A_172 = tpu.memref_slice %arg3[%dma_start3A_170, %dma_start3A_171] : memref<1000000x64xf32, #tpu.memory_space<hbm>> -> memref<1000000x64xf32, #tpu.memory_space<hbm>>
        tpu.enqueue_indirect_dma source(%dma_start3A_172 : memref<1000000x64xf32, #tpu.memory_space<hbm>>) target(%dma_start3A_168 : memref<128x64xf32, #tpu.memory_space<vmem>>) offsets(%dma_start3A_169 : memref<128xi32, #tpu.memory_space<vmem>>) semaphore(%arg9 : memref<!tpu.dma_semaphore, #tpu.memory_space<semaphore_mem>>)
        %dma_start3A_173 = arith.constant 128 : i32
        %dma_start3A_174 = arith.constant 0 : i32
        %dma_start3A_175 = tpu.memref_slice %arg6[%dma_start3A_173, %dma_start3A_174] : memref<200x64xf32, #tpu.memory_space<vmem>> -> memref<72x64xf32, #tpu.memory_space<vmem>>
        %dma_start3A_176 = tpu.memref_slice %arg5[%add3A_165] : memref<25600xi32, #tpu.memory_space<vmem>> -> memref<72xi32, #tpu.memory_space<vmem>>
        %dma_start3A_177 = arith.constant 0 : i32
        %dma_start3A_178 = arith.constant 0 : i32
        %dma_start3A_179 = tpu.memref_slice %arg3[%dma_start3A_177, %dma_start3A_178] : memref<1000000x64xf32, #tpu.memory_space<hbm>> -> memref<1000000x64xf32, #tpu.memory_space<hbm>>
        tpu.enqueue_indirect_dma source(%dma_start3A_179 : memref<1000000x64xf32, #tpu.memory_space<hbm>>) target(%dma_start3A_175 : memref<72x64xf32, #tpu.memory_space<vmem>>) offsets(%dma_start3A_176 : memref<72xi32, #tpu.memory_space<vmem>>) semaphore(%arg9 : memref<!tpu.dma_semaphore, #tpu.memory_space<semaphore_mem>>)
      } else {
      }
      %add3A_102 = arith.constant 1 : i32
      %add3A_103 = arith.addi %mul3A_29, %add3A_102 : i32
      %mul3A_104 = arith.constant 200 : i32
      %mul3A_105 = arith.muli %add3A_103, %mul3A_104 : i32
      %add3A_106 = arith.constant 0 : i32
      %add3A_107 = arith.addi %mul3A_105, %add3A_106 : i32
      %mul3A_108 = arith.constant 200 : i32
      %mul3A_109 = arith.muli %add3A_103, %mul3A_108 : i32
      %add3A_110 = arith.constant 128 : i32
      %add3A_111 = arith.addi %mul3A_109, %add3A_110 : i32
      %dma_wait3A_112 = arith.constant 0 : i32
      %dma_wait3A_113 = arith.constant 0 : i32
      %dma_wait3A_114 = tpu.memref_slice %arg7[%dma_wait3A_112, %dma_wait3A_113] : memref<200x64xf32, #tpu.memory_space<vmem>> -> memref<128x64xf32, #tpu.memory_space<vmem>>
      %dma_wait3A_115 = tpu.memref_slice %arg5[%add3A_107] : memref<25600xi32, #tpu.memory_space<vmem>> -> memref<128xi32, #tpu.memory_space<vmem>>
      %dma_wait3A_116 = arith.constant 0 : i32
      %dma_wait3A_117 = arith.constant 0 : i32
      %dma_wait3A_118 = tpu.memref_slice %arg3[%dma_wait3A_116, %dma_wait3A_117] : memref<1000000x64xf32, #tpu.memory_space<hbm>> -> memref<1000000x64xf32, #tpu.memory_space<hbm>>
      tpu.wait_indirect_dma semaphore(%arg10 : memref<!tpu.dma_semaphore, #tpu.memory_space<semaphore_mem>>) src(%dma_wait3A_118 : memref<1000000x64xf32, #tpu.memory_space<hbm>>) dst(%dma_wait3A_114 : memref<128x64xf32, #tpu.memory_space<vmem>>)
      %dma_wait3A_119 = arith.constant 128 : i32
      %dma_wait3A_120 = arith.constant 0 : i32
      %dma_wait3A_121 = tpu.memref_slice %arg7[%dma_wait3A_119, %dma_wait3A_120] : memref<200x64xf32, #tpu.memory_space<vmem>> -> memref<72x64xf32, #tpu.memory_space<vmem>>
      %dma_wait3A_122 = tpu.memref_slice %arg5[%add3A_111] : memref<25600xi32, #tpu.memory_space<vmem>> -> memref<72xi32, #tpu.memory_space<vmem>>
      %dma_wait3A_123 = arith.constant 0 : i32
      %dma_wait3A_124 = arith.constant 0 : i32
      %dma_wait3A_125 = tpu.memref_slice %arg3[%dma_wait3A_123, %dma_wait3A_124] : memref<1000000x64xf32, #tpu.memory_space<hbm>> -> memref<1000000x64xf32, #tpu.memory_space<hbm>>
      tpu.wait_indirect_dma semaphore(%arg10 : memref<!tpu.dma_semaphore, #tpu.memory_space<semaphore_mem>>) src(%dma_wait3A_125 : memref<1000000x64xf32, #tpu.memory_space<hbm>>) dst(%dma_wait3A_121 : memref<72x64xf32, #tpu.memory_space<vmem>>)
      %add3A_126 = arith.constant 1 : i32
      %add3A_127 = arith.addi %mul3A_29, %add3A_126 : i32
      %broadcast_in_dim3A_128 = arith.constant 0.000000e+00 : f32
      %broadcast_in_dim3A_129 = vector.broadcast %broadcast_in_dim3A_128 : f32 to vector<16xf32>
      %scan3A_130 = arith.constant 0 : i32
      %scan3A_131 = arith.constant 25 : i32
      %scan3A_132 = arith.addi %scan3A_130, %scan3A_131 : i32
      %scan3A_133 = arith.constant 1 : i32
      %scan3A_134:4 = scf.for %scan3A_156 = %scan3A_130 to %scan3A_132 step %scan3A_133 iter_args(%scan3A_157 = %broadcast_in_dim3A_129, %scan3A_158 = %broadcast_in_dim3A_129, %scan3A_159 = %broadcast_in_dim3A_129, %scan3A_160 = %broadcast_in_dim3A_129) -> (vector<16xf32>, vector<16xf32>, vector<16xf32>, vector<16xf32>)  : i32 {
        %mul3A_161 = arith.constant 8 : i32
        %mul3A_162 = arith.muli %mul3A_161, %scan3A_156 : i32
        %add3A_163 = arith.constant 0 : i32
        %add3A_164 = arith.addi %mul3A_162, %add3A_163 : i32
        %get3A = arith.index_cast %add3A_164 : i32 to index
        %get3A_165 = arith.constant 0 : index
        %get3A_166 = tpu.vector_load %arg7[%get3A, %get3A_165] {strides = array<i32>} : memref<200x64xf32, #tpu.memory_space<vmem>>, vector<1x16xf32>,
        %get3A_167 = vector.shape_cast %get3A_166 : vector<1x16xf32> to vector<16xf32>
        %add3A_168 = arith.addf %scan3A_157, %get3A_167 : vector<16xf32>
        %get3A_169 = arith.index_cast %add3A_164 : i32 to index
        %get3A_170 = arith.constant 16 : index
        %get3A_171 = tpu.vector_load %arg7[%get3A_169, %get3A_170] {strides = array<i32>} : memref<200x64xf32, #tpu.memory_space<vmem>>, vector<1x16xf32>,
        %get3A_172 = vector.shape_cast %get3A_171 : vector<1x16xf32> to vector<16xf32>
        %add3A_173 = arith.addf %scan3A_158, %get3A_172 : vector<16xf32>
        %get3A_174 = arith.index_cast %add3A_164 : i32 to index
        %get3A_175 = arith.constant 32 : index
        %get3A_176 = tpu.vector_load %arg7[%get3A_174, %get3A_175] {strides = array<i32>} : memref<200x64xf32, #tpu.memory_space<vmem>>, vector<1x16xf32>,
        %get3A_177 = vector.shape_cast %get3A_176 : vector<1x16xf32> to vector<16xf32>
        %add3A_178 = arith.addf %scan3A_159, %get3A_177 : vector<16xf32>
        %get3A_179 = arith.index_cast %add3A_164 : i32 to index
        %get3A_180 = arith.constant 48 : index
        %get3A_181 = tpu.vector_load %arg7[%get3A_179, %get3A_180] {strides = array<i32>} : memref<200x64xf32, #tpu.memory_space<vmem>>, vector<1x16xf32>,
        %get3A_182 = vector.shape_cast %get3A_181 : vector<1x16xf32> to vector<16xf32>
        %add3A_183 = arith.addf %scan3A_160, %get3A_182 : vector<16xf32>
        %mul3A_184 = arith.constant 8 : i32
        %mul3A_185 = arith.muli %mul3A_184, %scan3A_156 : i32
        %add3A_186 = arith.constant 1 : i32
        %add3A_187 = arith.addi %mul3A_185, %add3A_186 : i32
        %get3A_188 = arith.index_cast %add3A_187 : i32 to index
        %get3A_189 = arith.constant 0 : index
        %get3A_190 = tpu.vector_load %arg7[%get3A_188, %get3A_189] {strides = array<i32>} : memref<200x64xf32, #tpu.memory_space<vmem>>, vector<1x16xf32>,
        %get3A_191 = vector.shape_cast %get3A_190 : vector<1x16xf32> to vector<16xf32>
        %add3A_192 = arith.addf %add3A_168, %get3A_191 : vector<16xf32>
        %get3A_193 = arith.index_cast %add3A_187 : i32 to index
        %get3A_194 = arith.constant 16 : index
        %get3A_195 = tpu.vector_load %arg7[%get3A_193, %get3A_194] {strides = array<i32>} : memref<200x64xf32, #tpu.memory_space<vmem>>, vector<1x16xf32>,
        %get3A_196 = vector.shape_cast %get3A_195 : vector<1x16xf32> to vector<16xf32>
        %add3A_197 = arith.addf %add3A_173, %get3A_196 : vector<16xf32>
        %get3A_198 = arith.index_cast %add3A_187 : i32 to index
        %get3A_199 = arith.constant 32 : index
        %get3A_200 = tpu.vector_load %arg7[%get3A_198, %get3A_199] {strides = array<i32>} : memref<200x64xf32, #tpu.memory_space<vmem>>, vector<1x16xf32>,
        %get3A_201 = vector.shape_cast %get3A_200 : vector<1x16xf32> to vector<16xf32>
        %add3A_202 = arith.addf %add3A_178, %get3A_201 : vector<16xf32>
        %get3A_203 = arith.index_cast %add3A_187 : i32 to index
        %get3A_204 = arith.constant 48 : index
        %get3A_205 = tpu.vector_load %arg7[%get3A_203, %get3A_204] {strides = array<i32>} : memref<200x64xf32, #tpu.memory_space<vmem>>, vector<1x16xf32>,
        %get3A_206 = vector.shape_cast %get3A_205 : vector<1x16xf32> to vector<16xf32>
        %add3A_207 = arith.addf %add3A_183, %get3A_206 : vector<16xf32>
        %mul3A_208 = arith.constant 8 : i32
        %mul3A_209 = arith.muli %mul3A_208, %scan3A_156 : i32
        %add3A_210 = arith.constant 2 : i32
        %add3A_211 = arith.addi %mul3A_209, %add3A_210 : i32
        %get3A_212 = arith.index_cast %add3A_211 : i32 to index
        %get3A_213 = arith.constant 0 : index
        %get3A_214 = tpu.vector_load %arg7[%get3A_212, %get3A_213] {strides = array<i32>} : memref<200x64xf32, #tpu.memory_space<vmem>>, vector<1x16xf32>,
        %get3A_215 = vector.shape_cast %get3A_214 : vector<1x16xf32> to vector<16xf32>
        %add3A_216 = arith.addf %add3A_192, %get3A_215 : vector<16xf32>
        %get3A_217 = arith.index_cast %add3A_211 : i32 to index
        %get3A_218 = arith.constant 16 : index
        %get3A_219 = tpu.vector_load %arg7[%get3A_217, %get3A_218] {strides = array<i32>} : memref<200x64xf32, #tpu.memory_space<vmem>>, vector<1x16xf32>,
        %get3A_220 = vector.shape_cast %get3A_219 : vector<1x16xf32> to vector<16xf32>
        %add3A_221 = arith.addf %add3A_197, %get3A_220 : vector<16xf32>
        %get3A_222 = arith.index_cast %add3A_211 : i32 to index
        %get3A_223 = arith.constant 32 : index
        %get3A_224 = tpu.vector_load %arg7[%get3A_222, %get3A_223] {strides = array<i32>} : memref<200x64xf32, #tpu.memory_space<vmem>>, vector<1x16xf32>,
        %get3A_225 = vector.shape_cast %get3A_224 : vector<1x16xf32> to vector<16xf32>
        %add3A_226 = arith.addf %add3A_202, %get3A_225 : vector<16xf32>
        %get3A_227 = arith.index_cast %add3A_211 : i32 to index
        %get3A_228 = arith.constant 48 : index
        %get3A_229 = tpu.vector_load %arg7[%get3A_227, %get3A_228] {strides = array<i32>} : memref<200x64xf32, #tpu.memory_space<vmem>>, vector<1x16xf32>,
        %get3A_230 = vector.shape_cast %get3A_229 : vector<1x16xf32> to vector<16xf32>
        %add3A_231 = arith.addf %add3A_207, %get3A_230 : vector<16xf32>
        %mul3A_232 = arith.constant 8 : i32
        %mul3A_233 = arith.muli %mul3A_232, %scan3A_156 : i32
        %add3A_234 = arith.constant 3 : i32
        %add3A_235 = arith.addi %mul3A_233, %add3A_234 : i32
        %get3A_236 = arith.index_cast %add3A_235 : i32 to index
        %get3A_237 = arith.constant 0 : index
        %get3A_238 = tpu.vector_load %arg7[%get3A_236, %get3A_237] {strides = array<i32>} : memref<200x64xf32, #tpu.memory_space<vmem>>, vector<1x16xf32>,
        %get3A_239 = vector.shape_cast %get3A_238 : vector<1x16xf32> to vector<16xf32>
        %add3A_240 = arith.addf %add3A_216, %get3A_239 : vector<16xf32>
        %get3A_241 = arith.index_cast %add3A_235 : i32 to index
        %get3A_242 = arith.constant 16 : index
        %get3A_243 = tpu.vector_load %arg7[%get3A_241, %get3A_242] {strides = array<i32>} : memref<200x64xf32, #tpu.memory_space<vmem>>, vector<1x16xf32>,
        %get3A_244 = vector.shape_cast %get3A_243 : vector<1x16xf32> to vector<16xf32>
        %add3A_245 = arith.addf %add3A_221, %get3A_244 : vector<16xf32>
        %get3A_246 = arith.index_cast %add3A_235 : i32 to index
        %get3A_247 = arith.constant 32 : index
        %get3A_248 = tpu.vector_load %arg7[%get3A_246, %get3A_247] {strides = array<i32>} : memref<200x64xf32, #tpu.memory_space<vmem>>, vector<1x16xf32>,
        %get3A_249 = vector.shape_cast %get3A_248 : vector<1x16xf32> to vector<16xf32>
        %add3A_250 = arith.addf %add3A_226, %get3A_249 : vector<16xf32>
        %get3A_251 = arith.index_cast %add3A_235 : i32 to index
        %get3A_252 = arith.constant 48 : index
        %get3A_253 = tpu.vector_load %arg7[%get3A_251, %get3A_252] {strides = array<i32>} : memref<200x64xf32, #tpu.memory_space<vmem>>, vector<1x16xf32>,
        %get3A_254 = vector.shape_cast %get3A_253 : vector<1x16xf32> to vector<16xf32>
        %add3A_255 = arith.addf %add3A_231, %get3A_254 : vector<16xf32>
        %mul3A_256 = arith.constant 8 : i32
        %mul3A_257 = arith.muli %mul3A_256, %scan3A_156 : i32
        %add3A_258 = arith.constant 4 : i32
        %add3A_259 = arith.addi %mul3A_257, %add3A_258 : i32
        %get3A_260 = arith.index_cast %add3A_259 : i32 to index
        %get3A_261 = arith.constant 0 : index
        %get3A_262 = tpu.vector_load %arg7[%get3A_260, %get3A_261] {strides = array<i32>} : memref<200x64xf32, #tpu.memory_space<vmem>>, vector<1x16xf32>,
        %get3A_263 = vector.shape_cast %get3A_262 : vector<1x16xf32> to vector<16xf32>
        %add3A_264 = arith.addf %add3A_240, %get3A_263 : vector<16xf32>
        %get3A_265 = arith.index_cast %add3A_259 : i32 to index
        %get3A_266 = arith.constant 16 : index
        %get3A_267 = tpu.vector_load %arg7[%get3A_265, %get3A_266] {strides = array<i32>} : memref<200x64xf32, #tpu.memory_space<vmem>>, vector<1x16xf32>,
        %get3A_268 = vector.shape_cast %get3A_267 : vector<1x16xf32> to vector<16xf32>
        %add3A_269 = arith.addf %add3A_245, %get3A_268 : vector<16xf32>
        %get3A_270 = arith.index_cast %add3A_259 : i32 to index
        %get3A_271 = arith.constant 32 : index
        %get3A_272 = tpu.vector_load %arg7[%get3A_270, %get3A_271] {strides = array<i32>} : memref<200x64xf32, #tpu.memory_space<vmem>>, vector<1x16xf32>,
        %get3A_273 = vector.shape_cast %get3A_272 : vector<1x16xf32> to vector<16xf32>
        %add3A_274 = arith.addf %add3A_250, %get3A_273 : vector<16xf32>
        %get3A_275 = arith.index_cast %add3A_259 : i32 to index
        %get3A_276 = arith.constant 48 : index
        %get3A_277 = tpu.vector_load %arg7[%get3A_275, %get3A_276] {strides = array<i32>} : memref<200x64xf32, #tpu.memory_space<vmem>>, vector<1x16xf32>,
        %get3A_278 = vector.shape_cast %get3A_277 : vector<1x16xf32> to vector<16xf32>
        %add3A_279 = arith.addf %add3A_255, %get3A_278 : vector<16xf32>
        %mul3A_280 = arith.constant 8 : i32
        %mul3A_281 = arith.muli %mul3A_280, %scan3A_156 : i32
        %add3A_282 = arith.constant 5 : i32
        %add3A_283 = arith.addi %mul3A_281, %add3A_282 : i32
        %get3A_284 = arith.index_cast %add3A_283 : i32 to index
        %get3A_285 = arith.constant 0 : index
        %get3A_286 = tpu.vector_load %arg7[%get3A_284, %get3A_285] {strides = array<i32>} : memref<200x64xf32, #tpu.memory_space<vmem>>, vector<1x16xf32>,
        %get3A_287 = vector.shape_cast %get3A_286 : vector<1x16xf32> to vector<16xf32>
        %add3A_288 = arith.addf %add3A_264, %get3A_287 : vector<16xf32>
        %get3A_289 = arith.index_cast %add3A_283 : i32 to index
        %get3A_290 = arith.constant 16 : index
        %get3A_291 = tpu.vector_load %arg7[%get3A_289, %get3A_290] {strides = array<i32>} : memref<200x64xf32, #tpu.memory_space<vmem>>, vector<1x16xf32>,
        %get3A_292 = vector.shape_cast %get3A_291 : vector<1x16xf32> to vector<16xf32>
        %add3A_293 = arith.addf %add3A_269, %get3A_292 : vector<16xf32>
        %get3A_294 = arith.index_cast %add3A_283 : i32 to index
        %get3A_295 = arith.constant 32 : index
        %get3A_296 = tpu.vector_load %arg7[%get3A_294, %get3A_295] {strides = array<i32>} : memref<200x64xf32, #tpu.memory_space<vmem>>, vector<1x16xf32>,
        %get3A_297 = vector.shape_cast %get3A_296 : vector<1x16xf32> to vector<16xf32>
        %add3A_298 = arith.addf %add3A_274, %get3A_297 : vector<16xf32>
        %get3A_299 = arith.index_cast %add3A_283 : i32 to index
        %get3A_300 = arith.constant 48 : index
        %get3A_301 = tpu.vector_load %arg7[%get3A_299, %get3A_300] {strides = array<i32>} : memref<200x64xf32, #tpu.memory_space<vmem>>, vector<1x16xf32>,
        %get3A_302 = vector.shape_cast %get3A_301 : vector<1x16xf32> to vector<16xf32>
        %add3A_303 = arith.addf %add3A_279, %get3A_302 : vector<16xf32>
        %mul3A_304 = arith.constant 8 : i32
        %mul3A_305 = arith.muli %mul3A_304, %scan3A_156 : i32
        %add3A_306 = arith.constant 6 : i32
        %add3A_307 = arith.addi %mul3A_305, %add3A_306 : i32
        %get3A_308 = arith.index_cast %add3A_307 : i32 to index
        %get3A_309 = arith.constant 0 : index
        %get3A_310 = tpu.vector_load %arg7[%get3A_308, %get3A_309] {strides = array<i32>} : memref<200x64xf32, #tpu.memory_space<vmem>>, vector<1x16xf32>,
        %get3A_311 = vector.shape_cast %get3A_310 : vector<1x16xf32> to vector<16xf32>
        %add3A_312 = arith.addf %add3A_288, %get3A_311 : vector<16xf32>
        %get3A_313 = arith.index_cast %add3A_307 : i32 to index
        %get3A_314 = arith.constant 16 : index
        %get3A_315 = tpu.vector_load %arg7[%get3A_313, %get3A_314] {strides = array<i32>} : memref<200x64xf32, #tpu.memory_space<vmem>>, vector<1x16xf32>,
        %get3A_316 = vector.shape_cast %get3A_315 : vector<1x16xf32> to vector<16xf32>
        %add3A_317 = arith.addf %add3A_293, %get3A_316 : vector<16xf32>
        %get3A_318 = arith.index_cast %add3A_307 : i32 to index
        %get3A_319 = arith.constant 32 : index
        %get3A_320 = tpu.vector_load %arg7[%get3A_318, %get3A_319] {strides = array<i32>} : memref<200x64xf32, #tpu.memory_space<vmem>>, vector<1x16xf32>,
        %get3A_321 = vector.shape_cast %get3A_320 : vector<1x16xf32> to vector<16xf32>
        %add3A_322 = arith.addf %add3A_298, %get3A_321 : vector<16xf32>
        %get3A_323 = arith.index_cast %add3A_307 : i32 to index
        %get3A_324 = arith.constant 48 : index
        %get3A_325 = tpu.vector_load %arg7[%get3A_323, %get3A_324] {strides = array<i32>} : memref<200x64xf32, #tpu.memory_space<vmem>>, vector<1x16xf32>,
        %get3A_326 = vector.shape_cast %get3A_325 : vector<1x16xf32> to vector<16xf32>
        %add3A_327 = arith.addf %add3A_303, %get3A_326 : vector<16xf32>
        %mul3A_328 = arith.constant 8 : i32
        %mul3A_329 = arith.muli %mul3A_328, %scan3A_156 : i32
        %add3A_330 = arith.constant 7 : i32
        %add3A_331 = arith.addi %mul3A_329, %add3A_330 : i32
        %get3A_332 = arith.index_cast %add3A_331 : i32 to index
        %get3A_333 = arith.constant 0 : index
        %get3A_334 = tpu.vector_load %arg7[%get3A_332, %get3A_333] {strides = array<i32>} : memref<200x64xf32, #tpu.memory_space<vmem>>, vector<1x16xf32>,
        %get3A_335 = vector.shape_cast %get3A_334 : vector<1x16xf32> to vector<16xf32>
        %add3A_336 = arith.addf %add3A_312, %get3A_335 : vector<16xf32>
        %get3A_337 = arith.index_cast %add3A_331 : i32 to index
        %get3A_338 = arith.constant 16 : index
        %get3A_339 = tpu.vector_load %arg7[%get3A_337, %get3A_338] {strides = array<i32>} : memref<200x64xf32, #tpu.memory_space<vmem>>, vector<1x16xf32>,
        %get3A_340 = vector.shape_cast %get3A_339 : vector<1x16xf32> to vector<16xf32>
        %add3A_341 = arith.addf %add3A_317, %get3A_340 : vector<16xf32>
        %get3A_342 = arith.index_cast %add3A_331 : i32 to index
        %get3A_343 = arith.constant 32 : index
        %get3A_344 = tpu.vector_load %arg7[%get3A_342, %get3A_343] {strides = array<i32>} : memref<200x64xf32, #tpu.memory_space<vmem>>, vector<1x16xf32>,
        %get3A_345 = vector.shape_cast %get3A_344 : vector<1x16xf32> to vector<16xf32>
        %add3A_346 = arith.addf %add3A_322, %get3A_345 : vector<16xf32>
        %get3A_347 = arith.index_cast %add3A_331 : i32 to index
        %get3A_348 = arith.constant 48 : index
        %get3A_349 = tpu.vector_load %arg7[%get3A_347, %get3A_348] {strides = array<i32>} : memref<200x64xf32, #tpu.memory_space<vmem>>, vector<1x16xf32>,
        %get3A_350 = vector.shape_cast %get3A_349 : vector<1x16xf32> to vector<16xf32>
        %add3A_351 = arith.addf %add3A_327, %get3A_350 : vector<16xf32>
        scf.yield %add3A_336, %add3A_341, %add3A_346, %add3A_351 : vector<16xf32>, vector<16xf32>, vector<16xf32>, vector<16xf32>
      }
      %scan3A_135 = arith.constant 25 : i32
      %swap3A_136 = arith.constant 0 : index
      %swap3A_137 = tpu.vector_load %arg8[%swap3A_136] {strides = array<i32>} : memref<64xf32, #tpu.memory_space<vmem>>, vector<16xf32>,
      %swap3A_138 = vector.shape_cast %swap3A_137 : vector<16xf32> to vector<16xf32>
      %swap3A_139 = vector.shape_cast %scan3A_134#0 : vector<16xf32> to vector<16xf32>
      tpu.vector_store %arg8[%swap3A_136], %swap3A_139 {strides = array<i32>} : memref<64xf32, #tpu.memory_space<vmem>>, vector<16xf32>,
      %swap3A_140 = arith.constant 16 : index
      %swap3A_141 = tpu.vector_load %arg8[%swap3A_140] {strides = array<i32>} : memref<64xf32, #tpu.memory_space<vmem>>, vector<16xf32>,
      %swap3A_142 = vector.shape_cast %swap3A_141 : vector<16xf32> to vector<16xf32>
      %swap3A_143 = vector.shape_cast %scan3A_134#1 : vector<16xf32> to vector<16xf32>
      tpu.vector_store %arg8[%swap3A_140], %swap3A_143 {strides = array<i32>} : memref<64xf32, #tpu.memory_space<vmem>>, vector<16xf32>,
      %swap3A_144 = arith.constant 32 : index
      %swap3A_145 = tpu.vector_load %arg8[%swap3A_144] {strides = array<i32>} : memref<64xf32, #tpu.memory_space<vmem>>, vector<16xf32>,
      %swap3A_146 = vector.shape_cast %swap3A_145 : vector<16xf32> to vector<16xf32>
      %swap3A_147 = vector.shape_cast %scan3A_134#2 : vector<16xf32> to vector<16xf32>
      tpu.vector_store %arg8[%swap3A_144], %swap3A_147 {strides = array<i32>} : memref<64xf32, #tpu.memory_space<vmem>>, vector<16xf32>,
      %swap3A_148 = arith.constant 48 : index
      %swap3A_149 = tpu.vector_load %arg8[%swap3A_148] {strides = array<i32>} : memref<64xf32, #tpu.memory_space<vmem>>, vector<16xf32>,
      %swap3A_150 = vector.shape_cast %swap3A_149 : vector<16xf32> to vector<16xf32>
      %swap3A_151 = vector.shape_cast %scan3A_134#3 : vector<16xf32> to vector<16xf32>
      tpu.vector_store %arg8[%swap3A_148], %swap3A_151 {strides = array<i32>} : memref<64xf32, #tpu.memory_space<vmem>>, vector<16xf32>,
      %add3A_152 = arith.addi %mul3A_2, %add3A_127 : i32
      %mul3A_153 = arith.constant 64 : i32
      %mul3A_154 = arith.muli %add3A_152, %mul3A_153 : i32
      "tpu.region"() ({
        %run_scoped3A = tpu.sem_alloc : memref<!tpu.dma_semaphore, #tpu.memory_space<semaphore_mem>>
        %dma_start3A_156 = tpu.memref_slice %arg4[%mul3A_154] : memref<262144xf32, #tpu.memory_space<hbm>> -> memref<64xf32, #tpu.memory_space<hbm>>
        %dma_start3A_157 = tpu.memref_slice %arg4[%mul3A_154] : memref<262144xf32, #tpu.memory_space<hbm>> -> memref<64xf32, #tpu.memory_space<hbm>>
        tpu.enqueue_dma source(%arg8 : memref<64xf32, #tpu.memory_space<vmem>>) target(%dma_start3A_157 : memref<64xf32, #tpu.memory_space<hbm>>) target_semaphore(%run_scoped3A : memref<!tpu.dma_semaphore, #tpu.memory_space<semaphore_mem>>)
        %dma_wait3A_158 = tpu.memref_slice %arg4[%mul3A_154] : memref<262144xf32, #tpu.memory_space<hbm>> -> memref<64xf32, #tpu.memory_space<hbm>>
        %dma_wait3A_159 = tpu.memref_slice %arg4[%mul3A_154] : memref<262144xf32, #tpu.memory_space<hbm>> -> memref<64xf32, #tpu.memory_space<hbm>>
        tpu.wait_dma2 semaphore(%run_scoped3A : memref<!tpu.dma_semaphore, #tpu.memory_space<semaphore_mem>>) src(%arg8 : memref<64xf32, #tpu.memory_space<vmem>>) dst(%dma_wait3A_159 : memref<64xf32, #tpu.memory_space<hbm>>)
        tpu.yield
      }) : () -> ()
      %scan3A_155 = arith.constant 0 : i32
      scf.yield %scan3A_155 : i32
    }
    %scan3A_25 = arith.constant 64 : i32
    return
  }
}

module attributes {stable_mosaic.version = 14 : i64} {
  func.func @_mlp_body(%arg0: i32, %arg1: memref<512x64xf32, #tpu.memory_space<vmem>>, %arg2: memref<512x64xf32, #tpu.memory_space<vmem>>, %arg3: memref<512x64xf32, #tpu.memory_space<vmem>>, %arg4: memref<192x256xf32, #tpu.memory_space<vmem>>, %arg5: memref<1x256xf32, #tpu.memory_space<vmem>>, %arg6: memref<256x10xf32, #tpu.memory_space<vmem>>, %arg7: memref<1x10xf32, #tpu.memory_space<vmem>>, %arg8: memref<512x10xf32, #tpu.memory_space<vmem>>) attributes {dimension_semantics = [#tpu.dimension_semantics<arbitrary>], iteration_bounds = array<i64: 8>, scalar_prefetch = 0 : i64, scratch_operands = 0 : i64, tpu.core_type = #tpu.core_type<tc>, window_params = [{transform_indices = @transform_0, window_bounds = array<i64: 512, 64>}, {transform_indices = @transform_1, window_bounds = array<i64: 512, 64>}, {transform_indices = @transform_2, window_bounds = array<i64: 512, 64>}, {pipeline_mode = #tpu.pipeline_mode<synchronous>, transform_indices = @transform_3, window_bounds = array<i64: 192, 256>}, {pipeline_mode = #tpu.pipeline_mode<synchronous>, transform_indices = @transform_4, window_bounds = array<i64: 1, 256>}, {pipeline_mode = #tpu.pipeline_mode<synchronous>, transform_indices = @transform_5, window_bounds = array<i64: 256, 10>}, {pipeline_mode = #tpu.pipeline_mode<synchronous>, transform_indices = @transform_6, window_bounds = array<i64: 1, 10>}, {transform_indices = @transform_7, window_bounds = array<i64: 512, 10>}]} {
    %get3A = arith.constant 0 : index
    %get3A_0 = arith.constant 0 : index
    %get3A_1 = vector.load %arg1[%get3A, %get3A_0] : memref<512x64xf32, #tpu.memory_space<vmem>>, vector<512x64xf32>
    %get3A_2 = arith.constant 0 : index
    %get3A_3 = arith.constant 0 : index
    %get3A_4 = vector.load %arg4[%get3A_2, %get3A_3] : memref<192x256xf32, #tpu.memory_space<vmem>>, vector<64x256xf32>
    %dot_general3A = arith.constant dense<0.000000e+00> : vector<512x256xf32>
    %dot_general3A_5 = tpu.matmul %get3A_1, %get3A_4, %dot_general3A {dimension_numbers = #tpu.dot_dimension_numbers<[1], [0], [0], [1], [0, 0, 1, 1], [], []>, transpose_lhs_hint = false} : vector<512x64xf32>, vector<64x256xf32>, vector<512x256xf32> -> vector<512x256xf32>
    %get3A_6 = arith.constant 0 : index
    %get3A_7 = arith.constant 0 : index
    %get3A_8 = vector.load %arg2[%get3A_6, %get3A_7] : memref<512x64xf32, #tpu.memory_space<vmem>>, vector<512x64xf32>
    %get3A_9 = arith.constant 64 : index
    %get3A_10 = arith.constant 0 : index
    %get3A_11 = vector.load %arg4[%get3A_9, %get3A_10] : memref<192x256xf32, #tpu.memory_space<vmem>>, vector<64x256xf32>
    %dot_general3A_12 = arith.constant dense<0.000000e+00> : vector<512x256xf32>
    %dot_general3A_13 = tpu.matmul %get3A_8, %get3A_11, %dot_general3A_12 {dimension_numbers = #tpu.dot_dimension_numbers<[1], [0], [0], [1], [0, 0, 1, 1], [], []>, transpose_lhs_hint = false} : vector<512x64xf32>, vector<64x256xf32>, vector<512x256xf32> -> vector<512x256xf32>
    %add3A = arith.addf %dot_general3A_5, %dot_general3A_13 : vector<512x256xf32>
    %get3A_14 = arith.constant 0 : index
    %get3A_15 = arith.constant 0 : index
    %get3A_16 = vector.load %arg3[%get3A_14, %get3A_15] : memref<512x64xf32, #tpu.memory_space<vmem>>, vector<512x64xf32>
    %get3A_17 = arith.constant 128 : index
    %get3A_18 = arith.constant 0 : index
    %get3A_19 = vector.load %arg4[%get3A_17, %get3A_18] : memref<192x256xf32, #tpu.memory_space<vmem>>, vector<64x256xf32>
    %dot_general3A_20 = arith.constant dense<0.000000e+00> : vector<512x256xf32>
    %dot_general3A_21 = tpu.matmul %get3A_16, %get3A_19, %dot_general3A_20 {dimension_numbers = #tpu.dot_dimension_numbers<[1], [0], [0], [1], [0, 0, 1, 1], [], []>, transpose_lhs_hint = false} : vector<512x64xf32>, vector<64x256xf32>, vector<512x256xf32> -> vector<512x256xf32>
    %add3A_22 = arith.addf %add3A, %dot_general3A_21 : vector<512x256xf32>
    %mul3A = arith.constant 5.000000e-03 : f32
    %mul3A_23 = vector.broadcast %mul3A : f32 to vector<512x256xf32>
    %mul3A_24 = arith.mulf %add3A_22, %mul3A_23 : vector<512x256xf32>
    %get3A_25 = arith.constant 0 : index
    %get3A_26 = arith.constant 0 : index
    %get3A_27 = vector.load %arg5[%get3A_25, %get3A_26] : memref<1x256xf32, #tpu.memory_space<vmem>>, vector<1x256xf32>
    %add3A_28 = vector.broadcast %get3A_27 : vector<1x256xf32> to vector<512x256xf32>
    %add3A_29 = arith.addf %mul3A_24, %add3A_28 : vector<512x256xf32>
    %max3A = arith.constant 0.000000e+00 : f32
    %max3A_30 = vector.broadcast %max3A : f32 to vector<512x256xf32>
    %max3A_31 = arith.maximumf %add3A_29, %max3A_30 : vector<512x256xf32>
    %get3A_32 = arith.constant 0 : index
    %get3A_33 = arith.constant 0 : index
    %get3A_34 = vector.load %arg6[%get3A_32, %get3A_33] : memref<256x10xf32, #tpu.memory_space<vmem>>, vector<256x10xf32>
    %dot_general3A_35 = arith.constant dense<0.000000e+00> : vector<512x10xf32>
    %dot_general3A_36 = tpu.matmul %max3A_31, %get3A_34, %dot_general3A_35 {dimension_numbers = #tpu.dot_dimension_numbers<[1], [0], [0], [1], [0, 0, 1, 1], [], []>, transpose_lhs_hint = false} : vector<512x256xf32>, vector<256x10xf32>, vector<512x10xf32> -> vector<512x10xf32>
    %get3A_37 = arith.constant 0 : index
    %get3A_38 = arith.constant 0 : index
    %get3A_39 = vector.load %arg7[%get3A_37, %get3A_38] : memref<1x10xf32, #tpu.memory_space<vmem>>, vector<1x10xf32>
    %add3A_40 = vector.broadcast %get3A_39 : vector<1x10xf32> to vector<512x10xf32>
    %add3A_41 = arith.addf %dot_general3A_36, %add3A_40 : vector<512x10xf32>
    %swap3A = arith.constant 0 : index
    %swap3A_42 = arith.constant 0 : index
    %swap3A_43 = vector.load %arg8[%swap3A, %swap3A_42] : memref<512x10xf32, #tpu.memory_space<vmem>>, vector<512x10xf32>
    tpu.vector_store %arg8[%swap3A, %swap3A_42], %add3A_41 {strides = array<i32>} : memref<512x10xf32, #tpu.memory_space<vmem>>, vector<512x10xf32>,
    return
  }
  func.func @transform_0(%arg0: i32) -> (i32, i32) {
    %c0_i32 = arith.constant 0 : i32
    %c0_i32_0 = arith.constant 0 : i32
    return %arg0, %c0_i32 : i32, i32
  }
  func.func @transform_1(%arg0: i32) -> (i32, i32) {
    %c0_i32 = arith.constant 0 : i32
    %c0_i32_0 = arith.constant 0 : i32
    return %arg0, %c0_i32 : i32, i32
  }
  func.func @transform_2(%arg0: i32) -> (i32, i32) {
    %c0_i32 = arith.constant 0 : i32
    %c0_i32_0 = arith.constant 0 : i32
    return %arg0, %c0_i32 : i32, i32
  }
  func.func @transform_3(%arg0: i32) -> (i32, i32) {
    %c0_i32 = arith.constant 0 : i32
    %c0_i32_0 = arith.constant 0 : i32
    %c0_i32_1 = arith.constant 0 : i32
    return %c0_i32, %c0_i32_0 : i32, i32
  }
  func.func @transform_4(%arg0: i32) -> (i32, i32) {
    %c0_i32 = arith.constant 0 : i32
    %c0_i32_0 = arith.constant 0 : i32
    %c0_i32_1 = arith.constant 0 : i32
    return %c0_i32, %c0_i32_0 : i32, i32
  }
  func.func @transform_5(%arg0: i32) -> (i32, i32) {
    %c0_i32 = arith.constant 0 : i32
    %c0_i32_0 = arith.constant 0 : i32
    %c0_i32_1 = arith.constant 0 : i32
    return %c0_i32, %c0_i32_0 : i32, i32
  }
  func.func @transform_6(%arg0: i32) -> (i32, i32) {
    %c0_i32 = arith.constant 0 : i32
    %c0_i32_0 = arith.constant 0 : i32
    %c0_i32_1 = arith.constant 0 : i32
    return %c0_i32, %c0_i32_0 : i32, i32
  }
  func.func @transform_7(%arg0: i32) -> (i32, i32) {
    %c0_i32 = arith.constant 0 : i32
    %c0_i32_0 = arith.constant 0 : i32
    return %arg0, %c0_i32 : i32, i32
  }
}

</mosaic_0001>

<sc_bundles>
// kernel: kernel.12.cloned.1.call-start
scs
__scs_entry_jumppad:
0x0: {  	(pc) =	sbr.rel $0x88, $3  }
0x1: {  	(tag) =	ssettag $0x0;
	lr =	simm.s32 $0x1  }
0x2: {  	[smem:$0x3F97] =	sst lr;
	_ =	strace $0xD0000000  }
0x3: {  	_ = 	snop  }
0x4: {  	_ = 	snop  }
0x5: {  	_ = 	snop  }
0x6: {  	_ = 	snop  }
0x7: {  	_ = 	snop  }
__scs_overlays_trampoline_lowered:
0x8: {  	[smem:$0x3FA6] =	sst s0  }
0x9: {  	[smem:$0x3FA7] =	sst s1  }
0xa: {  	[smem:$0x3FA8] =	sst s2  }
0xb: {  	[smem:$0x3FA9] =	sst s3  }
0xc: {  	[smem:$0x3FAA] =	sst s4  }
0xd: {  	[smem:$0x3FAB] =	sst s5  }
0xe: {  	[smem:$0x3FAC] =	sst s6  }
0xf: {  	[smem:$0x3FAD] =	sst s7  }
0x10: {  	[smem:$0x3FAE] =	sst s8  }
0x11: {  	[smem:$0x3FAF] =	sst s9;
	s0 =	simm.s32 @!p0 $0x0  }
0x12: {  	s1 =	sld [smem:$0x3F95];
	s0 =	simm.s32 @p0 $0x1  }
0x13: {  	[smem:$0x3FB0] =	sst s0;
	s0 =	simm.s32 @!p1 $0x0  }
0x14: {  	s2 =	sld [smem:$0x3F94];
	s0 =	simm.s32 @p1 $0x1  }
0x15: {  	[smem:$0x3FB1] =	sst s0;
	s0 =	simm.s32 @!p2 $0x0  }
0x16: {  	s3 =	sld [smem:$0x3FDB];
	s0 =	simm.s32 @p2 $0x1  }
0x17: {  	s4 =	simm.s32 $0x1BF5;
	[smem:$0x3FB3] =	sst s0  }
0x18: {  	s0 =	sld [smem:$0x3F96];
	_ =	swait.ge [sflag:s4], $0x0  }
0x19: {  	s7 =	sld [smem:$0x3F97]  }
0x1a: {  	s8 =	sadd.s32 $0xFFFFE003, lr  }
0x1b: {  	s9 =	sadd.s32 $0xFFFFFEF7, lr;
	s5 =	simm.s32 $0xFFFFFFFF;
	p2 =	slt.u32 s8, $0xFFFFF086  }
0x1c: {  	p1 =	slt.u32 s9, $0xF7A;
	s5 =	simm.s32 @!p2 $0x0  }
0x1d: {  	s5 =	simm.s32 @p1 $0x1;
	p0 =	seq.s32 s7, s2  }
0x1e: {  	s7 =	smul.u32 @!p0 $0xF7A, s2;
	p2 =	seq.s32 @!p0 s5, $0x0  }
0x1f: {  	s9 =	smul.u32 $0xF7A, s1;
	s8 =	simm.s32 @!p0 $0x1BF5;
	p2 =	por !p2, p0  }
0x20: {  	[sflag:s8] =	ssyncset.s32 @!p0 $0xFFFFF086;
	s6 =	sadd.s32 @!p0 s3, s7;
	s7 =	simm.s32 @!p0 $0x108  }
0x21: {  	s3 =	sadd.s32 s3, s9;
	s6 =	sadd.s32 @!p0 $0x88, s6;
	s7 =	simm.s32 @p2 $0x1082  }
0x22: {  	[simem:s7], [sflag:s8] =	dma.local @!p0 [hbm:s6], $0xF7A  }
0x23: {  	s9 =	sor.u32 $0xD0000000, s2;
	s6 =	simm.s32 $0x108;
	_ =	swait.ge @!p0 [sflag:s8], $0x0  }
0x24: {  	s3 =	sadd.s32 $0x88, s3;
	s6 =	simm.s32 @!p1 $0x1082;
	[sflag:s4] =	ssyncset.s32 $0xFFFFF086  }
0x25: {  	[simem:s6], [sflag:s4] =	dma.local [hbm:s3], $0xF7A  }
0x26: {  	[smem:$0x3F97] =	sst s1;
	(tag) =	ssettag s2;
	_ =	strace s9  }
0x27: {  	s1 =	sld [smem:$0x3FA7]  }
0x28: {  	s2 =	sld [smem:$0x3FA8]  }
0x29: {  	s4 =	sld [smem:$0x3FAA]  }
0x2a: {  	p0 =	seq.s32 s5, $0x0;
	s5 =	sld [smem:$0x3FAB]  }
0x2b: {  	s6 =	sld [smem:$0x3FAC]  }
0x2c: {  	s7 =	sld [smem:$0x3FAD]  }
0x2d: {  	s3 =	simm.s32 $0x108;
	s8 =	sld [smem:$0x3FAE]  }
0x2e: {  	s3 =	simm.s32 @!p0 $0x1082;
	s9 =	sld [smem:$0x3FAF]  }
0x2f: {  	lr =	sadd.s32 s0, s3;
	s0 =	sld [smem:$0x3FA6]  }
0x30: {  	s3 =	sld [smem:$0x3FA9]  }
0x31: {  	[smem:$0x3FB2] =	sst s10  }
0x32: {  	s10 =	sld [smem:$0x3FB0];
	_ =	sdelay $0x3  }
0x33: {  	p0 =	seq.s32 s10, $0x1;
	s10 =	sld [smem:$0x3FB2];
	_ =	sdelay $0x3  }
0x34: {  	[smem:$0x3FB2] =	sst s10  }
0x35: {  	s10 =	sld [smem:$0x3FB1];
	_ =	sdelay $0x3  }
0x36: {  	p1 =	seq.s32 s10, $0x1;
	s10 =	sld [smem:$0x3FB2];
	_ =	sdelay $0x3  }
0x37: {  	[smem:$0x3FB2] =	sst s10  }
0x38: {  	s10 =	sld [smem:$0x3FB3]  }
0x39: {  	_ = 	snop;
	(pc) =	sbr.ind lr, $3  }
0x3a: {  	_ = 	snop  }
0x3b: {  	_ = 	snop  }
0x3c: {  	p2 =	seq.s32 s10, $0x1;
	s10 =	sld [smem:$0x3FB2]  }
0x3d: {  	_ =	shalt  }
0x3e: {  	_ =	shalt  }
0x3f: {  	_ =	shalt  }
0x40: {  	_ =	shalt  }
0x41: {  	_ =	shalt  }
0x42: {  	_ =	shalt  }
0x43: {  	_ =	shalt  }
0x44: {  	_ =	shalt  }
0x45: {  	_ =	shalt  }
0x46: {  	_ =	shalt  }
0x47: {  	_ =	shalt  }
0x48: {  	_ =	shalt  }
0x49: {  	_ =	shalt  }
0x4a: {  	_ =	shalt  }
0x4b: {  	_ =	shalt  }
0x4c: {  	_ =	shalt  }
0x4d: {  	_ =	shalt  }
0x4e: {  	_ =	shalt  }
0x4f: {  	_ =	shalt  }
0x50: {  	_ =	shalt  }
0x51: {  	_ =	shalt  }
0x52: {  	_ =	shalt  }
0x53: {  	_ =	shalt  }
0x54: {  	_ =	shalt  }
0x55: {  	_ =	shalt  }
0x56: {  	_ =	shalt  }
0x57: {  	_ =	shalt  }
0x58: {  	_ =	shalt  }
0x59: {  	_ =	shalt  }
0x5a: {  	_ =	shalt  }
0x5b: {  	_ =	shalt  }
0x5c: {  	_ =	shalt  }
0x5d: {  	_ =	shalt  }
0x5e: {  	_ =	shalt  }
0x5f: {  	_ =	shalt  }
0x60: {  	_ =	shalt  }
0x61: {  	_ =	shalt  }
0x62: {  	_ =	shalt  }
0x63: {  	_ =	shalt  }
0x64: {  	_ =	shalt  }
0x65: {  	_ =	shalt  }
0x66: {  	_ =	shalt  }
0x67: {  	_ =	shalt  }
0x68: {  	_ =	shalt  }
0x69: {  	_ =	shalt  }
0x6a: {  	_ =	shalt  }
0x6b: {  	_ =	shalt  }
0x6c: {  	_ =	shalt  }
0x6d: {  	_ =	shalt  }
0x6e: {  	_ =	shalt  }
0x6f: {  	_ =	shalt  }
0x70: {  	_ =	shalt  }
0x71: {  	_ =	shalt  }
0x72: {  	_ =	shalt  }
0x73: {  	_ =	shalt  }
0x74: {  	_ =	shalt  }
0x75: {  	_ =	shalt  }
0x76: {  	_ =	shalt  }
0x77: {  	_ =	shalt  }
0x78: {  	_ =	shalt  }
0x79: {  	_ =	shalt  }
0x7a: {  	_ =	shalt  }
0x7b: {  	_ =	shalt  }
0x7c: {  	_ =	shalt  }
0x7d: {  	_ =	shalt  }
0x7e: {  	_ =	shalt  }
0x7f: {  	_ =	shalt  }
0x80: {  	_ =	shalt  }
0x81: {  	_ =	shalt  }
0x82: {  	_ =	shalt  }
0x83: {  	_ =	shalt  }
0x84: {  	_ =	shalt  }
0x85: {  	_ =	shalt  }
0x86: {  	_ =	shalt  }
0x87: {  	_ =	shalt  }
.Lfunc_end0:
.L_simem_size_0:
called_computation.2_lowered:
.L_overlay_start_0:
0x88: {  	s2 =	sld [smem:$0x3FD9]  }
0x89: {  	s3 =	sld [smem:$0x3FFE];
	_ =	sdelay $0x1  }
0x8a: {  	s1 =	srdreg.scid  }
0x8b: {  	s0 =	sand.u32 $0x1, s1  }
0x8c: {  	s17 =	sshll.u32 s0, $0xA;
	s2 =	sadd.s32 s3, s2  }
0x8d: {  	s2 =	sadd.s32 s2, s17  }
0x8e: {  	[smem:$0x3FBE] =	sst s2  }
0x8f: {  	_ = 	snop  }
0x90: {  	(tm) =	ssettm $0x1  }
0x91: {  	s18 =	sld [smem:$0x3FFB];
	_ =	sdelay $0x3  }
0x92: {  	_ =	strace s18  }
0x93: {  	s2 =	sld [smem:$0x3FFC];
	_ =	sdelay $0x3  }
0x94: {  	_ =	strace s2  }
0x95: {  	s2 =	sld [smem:$0x3FFD];
	_ =	sdelay $0x3  }
0x96: {  	_ =	strace s2  }
0x97: {  	_ =	strace $0x8FFFFFFF  }
0x98: {  	s19 =	sld [smem:$0x3FDB];
	_ =	sdelay $0x1  }
0x99: {  	s20 =	simm.s32 $_scs_section_size  }
0x9a: {  	s4 =	simm.s32 $_size__tile_overlayer_lowered;
	s5 =	simm.s32 $_tile_overlayer_lowered  }
0x9b: {  	s6 =	simm.s32 $0x1BFF;
	s21 =	sshll.u32 s5, $0x1;
	s3 =	sadd.s32 s20, s19  }
0x9c: {  	s22 =	simm.s32 $0x0;
	s4 =	sshll.u32 s4, $0x1;
	s5 =	sadd.s32 s21, s3  }
0x9d: {  	[timem:s22], [sflag:s6] =	dma.local [hbm:s5], s4  }
0x9e: {  	_ =	swait.ge [sflag:s6], s4  }
0x9f: {  	s4 =	ssub.s32 $0x0, s4;
	[sflag:s6] =	ssyncset.done $0x0  }
0xa0: {  	[sflag:s6] =	ssyncadd.s32 s4;
	_ =	sdelay $0x1  }
0xa1: {  	s23 =	simm.s32 $0x1B8B  }
0xa2: {  	_ =	swait.ge [sflag:s23], $0x1  }
0xa3: {  	[sflag:s23] =	ssyncset.done $0x0  }
0xa4: {  	[sflag:s23] =	ssyncadd.s32 $0xFFFFFFFF  }
0xa5: {  	s4 =	sld [smem:$0x0]  }
0xa6: {  	s5 =	sand.u32 $0xFFFFFFFE, s1  }
0xa7: {  	p0 =	sne.s32 s1, s5  }
0xa8: {  	s5 =	sshll.u32 @p0 s5, $0xE  }
0xa9: {  	s5 =	sadd.s32 @p0 $0x11B8D, s5;
	s6 =	sshll.u32 @p0 s4, $0x11  }
0xaa: {  	s5 =	sor.u32 @p0 s6, s5  }
0xab: {  	[sflag:s5] =	ssyncadd.remote.s32 @p0 $0x1;
	_ =	sdelay $0x1  }
0xac: {  	s5 =	simm.s32 @p0 $0x1B8D  }
0xad: {  	_ =	swait.eq @p0 [sflag:s5], $0x1  }
0xae: {  	[sflag:s5] =	ssyncadd.s32 @p0 $0xFFFFFFFF  }
0xaf: {  	s6 =	sshll.u32 @!p0 s1, $0xE  }
0xb0: {  	s6 =	sor.u32 @!p0 $0x4000, s6;
	s5 =	simm.s32 @!p0 $0x1B8D  }
0xb1: {  	s4 =	sshll.u32 @!p0 s4, $0x11;
	s6 =	sadd.s32 @!p0 $0x11B8D, s6;
	_ =	swait.eq @!p0 [sflag:s5], $0x1  }
0xb2: {  	s4 =	sor.u32 @!p0 s4, s6;
	[sflag:s5] =	ssyncadd.s32 @!p0 $0xFFFFFFFF  }
0xb3: {  	s25 =	simm.s32 $0x1B8E;
	s24 =	sld [smem:$0x3FFE];
	[sflag:s4] =	ssyncadd.remote.s32 @!p0 $0x1  }
0xb4: {  	s26 =	simm.s32 $execute0_lowered;
	[smem:$0x3FD2] =	sst s25  }
0xb5: {  	s5 =	sshll.u32 s26, $0x1;
	_ =	strace $0x8000004C;
	[dreg:$0x1] =	wrdreg $0xFFFFFFFF  }
0xb6: {  	s28 =	simm.s32 $_size_execute0_lowered;
	s3 =	sadd.s32 s3, s5;
	[dreg:$0x0] =	wrdreg $0x0  }
0xb7: {  	s5 =	sshll.u32 s28, $0x1;
	[dreg:$0x2] =	wrdreg s3  }
0xb8: {  	[dreg:$0x3] =	wrdreg s5  }
0xb9: {  	[dreg:$0x4] =	wrdreg $0xC0  }
0xba: {  	_ =	task [dreg:s22], $0x5FFFF  }
0xbb: {  	[dreg:$0x1] =	wrdreg $0xFFFFFFFF  }
0xbc: {  	[dreg:$0x0] =	wrdreg $0x60  }
0xbd: {  	[dreg:$0x2] =	wrdreg s24  }
0xbe: {  	[dreg:$0x3] =	wrdreg $0xB  }
0xbf: {  	_ =	task.clear_ibuf [dreg:s22], $0x4FFFF;
	_ =	strace $0x9000004C  }
0xc0: {  	s29 =	simm.s32 $0xB;
	_ =	strace $0x8000004E  }
0xc1: {  	_ =	swait.ge [sflag:s29], $0x1  }
0xc2: {  	[sflag:s29] =	ssyncadd.s32 $0xFFFFFFFF  }
0xc3: {  	_ =	strace $0x9000004E  }
0xc4: {  	_ =	sfence  }
0xc5: {  	s30 =	sld [smem:$0x0];
	_ =	sdelay $0x2  }
0xc6: {  	s31 =	sshll.u32 s1, $0xD;
	s1 =	sshrl.u32 s1, $0x2  }
0xc7: {  	s4 =	sand.u32 $0x4000, s31;
	s1 =	sadd.s32 s1, s30  }
0xc8: {  	s0 =	sor.u32 s4, s0;
	s1 =	sshll.u32 s1, $0x11  }
0xc9: {  	s0 =	sor.u32 s1, s0  }
0xca: {  	s0 =	sadd.s32 $0x8F2B, s0  }
0xcb: {  	[sflag:s0] =	ssyncadd.remote.s32 $0x1  }
0xcc: {  	_ =	sfence.sel $0xFFFF  }
0xcd: {  	[dreg:$0x0] =	wrdreg $0xFFFFFFFF;
	(pc) =	sbr.abs _section_cstart, $3  }
0xce: {  	[dreg:$0x1] =	wrdreg $0xFFFFFFFF  }
0xcf: {  	_ =	task.clear_ibuf [dreg:s22], $0x2FFFF;
	_ =	strace $0x9FFFFFFF  }
0xd0: {  	(tm) =	ssettm $0x7FFFFFFF  }
0xd1: {  	_ =	shalt  }
tec
execute0_lowered:
.L_overlay_start_1:
0x0: {  	(tag) =	ssettag $0x1  }
0x1: {  	s1 =	srdreg.scid  }
0x2: {  	s0 =	stileid.u32;
	s4 =	rddreg [dreg:$0x0];
	s2 =	simm.s32 $0x0  }
0x3: {  	s9 =	simm.s32 $0x80;
	s10 =	simm.s32 $0x6400;
	s11 =	simm.s32 $0x48  }
0x4: {  	s12 =	simm.s32 $0x8400;
	s13 =	simm.s32 $0x9600;
	s14 =	simm.s32 $0xB600  }
0x5: {  	s15 =	simm.s32 $0x1;
	s16 =	simm.s32 $0xC800;
	s17 =	simm.s32 $0x2  }
0x6: {  	s3 =	sand.u32 $0x1, s1;
	s31 =	sshll.u32 s0, $0x1;
	s1 =	rddreg [dreg:$0x1]  }
0x7: {  	s18 =	simm.s32 $0x0;
	[smem:$0x7FF] =	sst s2;
	s5 =	sor.u32 s3, s31  }
0x8: {  	_ =	strace $0x8000004D;
	s7 =	ssub.s32 $0x2, s3;
	s6 =	smul.u32 $0xC80, s5  }
0x9: {  	s3 =	sadd.s32 $0x96B600, s4;
	s8 =	sshrl.u32 s7, $0x1;
	s5 =	sshll.u32 s5, $0x7  }
0xa: {  	s7 =	ssub.s32 s7, s8;
	s8 =	simm.s32 $0x3;
	s6 =	sadd.s32 s6, s4  }
0xb: {  	s4 =	sadd.s32 $0x7FDC00, s4;
	s7 =	smax.u32 s7, $0x1;
	s6 =	sadd.s32 $0x7E4C00, s6  }
.LBB2_1:
0xc: {  	[tilespmem:s2], [sflag:$0x3] =	stream.linear.gather [hbm4b:s6+s2], $0x6400, $0x38;
	[tilespmem:$0xC840] =	vst v63  }
0xd: {  	_ =	swait.ge [sflag:s8], $0x6400  }
0xe: {  	[sflag:s8] =	ssyncset.done $0x0  }
0xf: {  	[sflag:s8] =	ssyncadd.s32 $0xFFFF9C00  }
0x10: {  	[tilespmem:s10], [sflag:$0x1] =	stream.indirect.gather [hbm4b:s3+s9], $0x40, s2, s9, $0xb8;
	[tilespmem:$0xC840] =	vst v63  }
0x11: {  	s19 =	simm.s32 $0x0  }
0x12: {  	[tilespmem:s12], [sflag:$0x1] =	stream.indirect.gather [hbm4b:s3+s11], $0x40, s9, s11, $0xb8;
	[tilespmem:$0xC840] =	vst v63  }
.LBB2_2:
0x13: {  	s20 =	sshllo.u32 s19, $0x1  }
0x14: {  	s21 =	smul.u32 $0x320, s20;
	_ =	sdelay $0x1  }
0x15: {  	s21 =	sshra.s32 s21, $0x2  }
0x16: {  	[tilespmem:s13], [sflag:$0x2] =	stream.indirect.gather [hbm4b:s3+s9], $0x40, s21, s9, $0xb8;
	[tilespmem:$0xC840] =	vst v63  }
0x17: {  	s21 =	sadd.s32 $0x80, s21  }
0x18: {  	[tilespmem:s14], [sflag:$0x2] =	stream.indirect.gather [hbm4b:s3+s11], $0x40, s21, s11, $0xb8;
	[tilespmem:$0xC840] =	vst v63  }
0x19: {  	_ =	swait.ge [sflag:s15], $0x2000  }
0x1a: {  	[sflag:s15] =	ssyncset.done $0x0  }
0x1b: {  	[sflag:s15] =	ssyncadd.s32 $0xFFFFE000  }
0x1c: {  	_ =	swait.ge [sflag:s15], $0x1200  }
0x1d: {  	[sflag:s15] =	ssyncset.done $0x0  }
0x1e: {  	s21 =	simm.s32 $0x0;
	[sflag:s15] =	ssyncadd.s32 $0xFFFFEE00  }
0x1f: {  	v0 =	vld [tilespmem:s21+$0x65C0]  }
0x20: {  	v1 =	vld [tilespmem:s21+$0x65D0]  }
0x21: {  	v2 =	vld [tilespmem:s21+$0x6580]  }
0x22: {  	v3 =	vld [tilespmem:s21+$0x6590]  }
0x23: {  	v4 =	vld [tilespmem:s21+$0x6540]  }
0x24: {  	v5 =	vld [tilespmem:s21+$0x6550]  }
0x25: {  	v6 =	vld [tilespmem:s21+$0x6500]  }
0x26: {  	v7 =	vld [tilespmem:s21+$0x6510]  }
0x27: {  	v9 =	vld [tilespmem:s21+$0x64C0]  }
0x28: {  	v8 =	vld [tilespmem:s21+$0x64D0]  }
0x29: {  	v11 =	vld [tilespmem:s21+$0x6480]  }
0x2a: {  	v10 =	vld [tilespmem:s21+$0x6490]  }
0x2b: {  	v17 =	vld [tilespmem:s21+$0x6440]  }
0x2c: {  	v16 =	vld [tilespmem:s21+$0x6450]  }
0x2d: {  	v18 =	vld [tilespmem:s21+$0x6400]  }
0x2e: {  	v12 =	vimm.f32 $0.0e+00;
	v20 =	vld [tilespmem:s21+$0x6410]  }
0x2f: {  	s22 =	sshll.u32 s19, $0x1;
	s23 =	simm.s32 $0x800;
	v15 =	vimm.f32 $0.0e+00;
	v14 =	vimm.f32 $0.0e+00;
	v13 =	vimm.f32 $0.0e+00;
	v19 =	vld [tilespmem:s21+$0x6420]  }
.LBB2_3:
0x30: {  	p0 =	sne.s32 s23, $0xC000;
	v21 =	vld [tilespmem:s21+$0x6430]  }
0x31: {  	v22 =	vld [tilespmem:s21+$0x6460]  }
0x32: {  	v23 =	vld [tilespmem:s21+$0x6470]  }
0x33: {  	v24 =	vld [tilespmem:s21+$0x64A0]  }
0x34: {  	v12 =	vadd.f32 v18, v12;
	v15 =	vadd.f32 v20, v15;
	v18 =	vld [tilespmem:s21+$0x64B0]  }
0x35: {  	v14 =	vadd.f32 v19, v14;
	v13 =	vadd.f32 v21, v13;
	v19 =	vld [tilespmem:s21+$0x64E0]  }
0x36: {  	v12 =	vadd.f32 v17, v12;
	v15 =	vadd.f32 v16, v15;
	v16 =	vld [tilespmem:s21+$0x64F0]  }
0x37: {  	v14 =	vadd.f32 v22, v14;
	v13 =	vadd.f32 v23, v13;
	v17 =	vld [tilespmem:s21+$0x6520]  }
0x38: {  	v11 =	vadd.f32 v11, v12;
	v10 =	vadd.f32 v10, v15;
	v12 =	vld [tilespmem:s21+$0x6530]  }
0x39: {  	v14 =	vadd.f32 v24, v14;
	v13 =	vadd.f32 v18, v13;
	v15 =	vld [tilespmem:s21+$0x6560]  }
0x3a: {  	v9 =	vadd.f32 v9, v11;
	v8 =	vadd.f32 v8, v10;
	v10 =	vld [tilespmem:s21+$0x6570]  }
0x3b: {  	v11 =	vadd.f32 v19, v14;
	v13 =	vadd.f32 v16, v13;
	v14 =	vld [tilespmem:s21+$0x65A0]  }
0x3c: {  	v6 =	vadd.f32 v6, v9;
	v7 =	vadd.f32 v7, v8;
	v8 =	vld [tilespmem:s21+$0x65B0]  }
0x3d: {  	v9 =	vadd.f32 v17, v11;
	v11 =	vadd.f32 v12, v13;
	v13 =	vld [tilespmem:s21+$0x65E0]  }
0x3e: {  	v4 =	vadd.f32 v4, v6;
	v5 =	vadd.f32 v5, v7;
	v6 =	vld [tilespmem:s21+$0x65F0];
	s21 =	sshra.s32 s23, $0x2  }
0x3f: {  	v9 =	vadd.f32 v15, v9;
	v7 =	vld [tilespmem:s21+$0x65C0];
	v10 =	vadd.f32 v10, v11  }
0x40: {  	v4 =	vadd.f32 v2, v4;
	v5 =	vadd.f32 v3, v5;
	v11 =	vld [tilespmem:s21+$0x65D0]  }
0x41: {  	v9 =	vadd.f32 v14, v9;
	v2 =	vld [tilespmem:s21+$0x6580];
	v8 =	vadd.f32 v8, v10  }
0x42: {  	v12 =	vadd.f32 v0, v4;
	v15 =	vadd.f32 v1, v5;
	v3 =	vld [tilespmem:s21+$0x6590]  }
0x43: {  	v14 =	vadd.f32 v13, v9;
	v4 =	vld [tilespmem:s21+$0x6540];
	v13 =	vadd.f32 v6, v8  }
0x44: {  	v5 =	vld [tilespmem:s21+$0x6550];
	v0 =	vmov v7  }
0x45: {  	v6 =	vld [tilespmem:s21+$0x6500];
	v1 =	vmov v11  }
0x46: {  	v7 =	vld [tilespmem:s21+$0x6510]  }
0x47: {  	v9 =	vld [tilespmem:s21+$0x64C0]  }
0x48: {  	v8 =	vld [tilespmem:s21+$0x64D0]  }
0x49: {  	v11 =	vld [tilespmem:s21+$0x6480]  }
0x4a: {  	v10 =	vld [tilespmem:s21+$0x6490]  }
.Ltmp0:
0x4b: {  	v17 =	vld [tilespmem:s21+$0x6440];
	(pc) =	sbr.rel @p0 .LBB2_3-.Ltmp0, $4  }
0x4c: {  	v16 =	vld [tilespmem:s21+$0x6450]  }
0x4d: {  	v18 =	vld [tilespmem:s21+$0x6400]  }
0x4e: {  	v20 =	vld [tilespmem:s21+$0x6410]  }
0x4f: {  	s23 =	sadd.s32 $0x800, s23;
	v19 =	vld [tilespmem:s21+$0x6420]  }
0x50: {  	v21 =	vld [tilespmem:s21+$0x6430]  }
0x51: {  	v22 =	vld [tilespmem:s21+$0x6460]  }
0x52: {  	v23 =	vld [tilespmem:s21+$0x6470];
	v12 =	vadd.f32 v18, v12  }
0x53: {  	v18 =	vld [tilespmem:s21+$0x64A0];
	v15 =	vadd.f32 v20, v15  }
0x54: {  	v20 =	vld [tilespmem:s21+$0x64B0];
	v14 =	vadd.f32 v19, v14;
	v12 =	vadd.f32 v17, v12  }
0x55: {  	v17 =	vld [tilespmem:s21+$0x64E0];
	v13 =	vadd.f32 v21, v13;
	v15 =	vadd.f32 v16, v15  }
0x56: {  	v16 =	vld [tilespmem:s21+$0x64F0];
	v14 =	vadd.f32 v22, v14;
	v11 =	vadd.f32 v11, v12  }
0x57: {  	v12 =	vadd.f32 v23, v13;
	v13 =	vld [tilespmem:s21+$0x6520];
	v10 =	vadd.f32 v10, v15  }
0x58: {  	v15 =	vld [tilespmem:s21+$0x6530];
	v14 =	vadd.f32 v18, v14;
	v9 =	vadd.f32 v9, v11  }
0x59: {  	v11 =	vadd.f32 v20, v12;
	v12 =	vld [tilespmem:s21+$0x6560];
	v8 =	vadd.f32 v8, v10  }
0x5a: {  	v10 =	vld [tilespmem:s21+$0x6570];
	v14 =	vadd.f32 v17, v14;
	v6 =	vadd.f32 v6, v9  }
0x5b: {  	v9 =	vadd.f32 v16, v11;
	v11 =	vld [tilespmem:s21+$0x65A0];
	v7 =	vadd.f32 v7, v8  }
0x5c: {  	v8 =	vld [tilespmem:s21+$0x65B0];
	v13 =	vadd.f32 v13, v14;
	v4 =	vadd.f32 v4, v6  }
0x5d: {  	v6 =	vadd.f32 v15, v9;
	v9 =	vld [tilespmem:s21+$0x65E0];
	v5 =	vadd.f32 v5, v7  }
0x5e: {  	v7 =	vld [tilespmem:s21+$0x65F0];
	v12 =	vadd.f32 v12, v13;
	v2 =	vadd.f32 v2, v4  }
0x5f: {  	v4 =	vadd.f32 v10, v6;
	v3 =	vadd.f32 v3, v5  }
0x60: {  	v5 =	vadd.f32 v11, v12;
	v0 =	vadd.f32 v0, v2  }
0x61: {  	v2 =	vadd.f32 v8, v4;
	v1 =	vadd.f32 v1, v3  }
0x62: {  	v3 =	vadd.f32 v9, v5;
	[tilespmem:$0xC800] =	vst v0  }
0x63: {  	s31 =	sadd.s32 s5, s22;
	v0 =	vadd.f32 v7, v2;
	[tilespmem:$0xC810] =	vst v1  }
0x64: {  	s21 =	sshll.u32 s31, $0x3;
	[tilespmem:$0xC820] =	vst v3  }
0x65: {  	p0 =	seq.s32 s19, $0x3F;
	s21 =	sadd.s32 s4, s21;
	[tilespmem:$0xC830] =	vst v0  }
0x66: {  	[hbm4b:s21+s2] =	stream.linear.scatter [tilespmem:s16], [sflag:$0x3], $0x40, $0x38;
	[tilespmem:$0xC840] =	vst v63  }
0x67: {  	s21 =	smul.u32 @!p0 $0x640, s19  }
0x68: {  	_ =	swait.ge [sflag:s8], $0x40  }
0x69: {  	s23 =	simm.s32 @!p0 $0x80;
	[sflag:s8] =	ssyncset.done $0x0;
	s21 =	sshra.s32 @!p0 s21, $0x2  }
0x6a: {  	s24 =	simm.s32 @!p0 $0x6400;
	[sflag:s8] =	ssyncadd.s32 $0xFFFFFFC0;
	s22 =	sadd.s32 @!p0 $0x190, s21  }
0x6b: {  	[tilespmem:s24], [sflag:$0x1] =	stream.indirect.gather @!p0 [hbm4b:s3+s23], $0x40, s22, s23, $0xb8;
	[tilespmem:$0xC840] =	vst v63  }
0x6c: {  	s21 =	sadd.s32 @!p0 $0x210, s21;
	s22 =	simm.s32 @!p0 $0x48;
	s23 =	simm.s32 @!p0 $0x8400  }
0x6d: {  	[tilespmem:s23], [sflag:$0x1] =	stream.indirect.gather @!p0 [hbm4b:s3+s22], $0x40, s21, s22, $0xb8;
	[tilespmem:$0xC840] =	vst v63  }
0x6e: {  	_ =	swait.ge [sflag:s17], $0x2000  }
0x6f: {  	[sflag:s17] =	ssyncset.done $0x0  }
0x70: {  	[sflag:s17] =	ssyncadd.s32 $0xFFFFE000  }
0x71: {  	_ =	swait.ge [sflag:s17], $0x1200  }
0x72: {  	[sflag:s17] =	ssyncset.done $0x0  }
0x73: {  	s21 =	simm.s32 $0x0;
	[sflag:s17] =	ssyncadd.s32 $0xFFFFEE00  }
0x74: {  	v0 =	vld [tilespmem:s21+$0x97C0]  }
0x75: {  	v1 =	vld [tilespmem:s21+$0x97D0]  }
0x76: {  	v2 =	vld [tilespmem:s21+$0x9780]  }
0x77: {  	v3 =	vld [tilespmem:s21+$0x9790]  }
0x78: {  	v4 =	vld [tilespmem:s21+$0x9740]  }
0x79: {  	v5 =	vld [tilespmem:s21+$0x9750]  }
0x7a: {  	v6 =	vld [tilespmem:s21+$0x9700]  }
0x7b: {  	v7 =	vld [tilespmem:s21+$0x9710]  }
0x7c: {  	v9 =	vld [tilespmem:s21+$0x96C0]  }
0x7d: {  	v8 =	vld [tilespmem:s21+$0x96D0]  }
0x7e: {  	v11 =	vld [tilespmem:s21+$0x9680]  }
0x7f: {  	v10 =	vld [tilespmem:s21+$0x9690]  }
0x80: {  	v17 =	vld [tilespmem:s21+$0x9640]  }
0x81: {  	v16 =	vld [tilespmem:s21+$0x9650]  }
0x82: {  	v19 =	vld [tilespmem:s21+$0x9600]  }
0x83: {  	v14 =	vimm.f32 $0.0e+00;
	v20 =	vld [tilespmem:s21+$0x9610]  }
0x84: {  	v15 =	vimm.f32 $0.0e+00;
	v13 =	vimm.f32 $0.0e+00;
	v12 =	vimm.f32 $0.0e+00;
	s22 =	simm.s32 $0x800;
	v18 =	vld [tilespmem:s21+$0x9620]  }
.LBB2_5:
0x85: {  	p0 =	sne.s32 s22, $0xC000;
	v21 =	vld [tilespmem:s21+$0x9630]  }
0x86: {  	v22 =	vld [tilespmem:s21+$0x9660]  }
0x87: {  	v23 =	vld [tilespmem:s21+$0x9670]  }
0x88: {  	v24 =	vld [tilespmem:s21+$0x96A0]  }
0x89: {  	v12 =	vadd.f32 v19, v12;
	v15 =	vadd.f32 v20, v15;
	v19 =	vld [tilespmem:s21+$0x96B0]  }
0x8a: {  	v14 =	vadd.f32 v18, v14;
	v13 =	vadd.f32 v21, v13;
	v18 =	vld [tilespmem:s21+$0x96E0]  }
0x8b: {  	v12 =	vadd.f32 v17, v12;
	v15 =	vadd.f32 v16, v15;
	v16 =	vld [tilespmem:s21+$0x96F0]  }
0x8c: {  	v14 =	vadd.f32 v22, v14;
	v13 =	vadd.f32 v23, v13;
	v17 =	vld [tilespmem:s21+$0x9720]  }
0x8d: {  	v11 =	vadd.f32 v11, v12;
	v10 =	vadd.f32 v10, v15;
	v12 =	vld [tilespmem:s21+$0x9730]  }
0x8e: {  	v14 =	vadd.f32 v24, v14;
	v13 =	vadd.f32 v19, v13;
	v15 =	vld [tilespmem:s21+$0x9760]  }
0x8f: {  	v9 =	vadd.f32 v9, v11;
	v8 =	vadd.f32 v8, v10;
	v10 =	vld [tilespmem:s21+$0x9770]  }
0x90: {  	v11 =	vadd.f32 v18, v14;
	v13 =	vadd.f32 v16, v13;
	v14 =	vld [tilespmem:s21+$0x97A0]  }
0x91: {  	v6 =	vadd.f32 v6, v9;
	v7 =	vadd.f32 v7, v8;
	v8 =	vld [tilespmem:s21+$0x97B0]  }
0x92: {  	v9 =	vadd.f32 v17, v11;
	v11 =	vadd.f32 v12, v13;
	v13 =	vld [tilespmem:s21+$0x97E0]  }
0x93: {  	v4 =	vadd.f32 v4, v6;
	v5 =	vadd.f32 v5, v7;
	v6 =	vld [tilespmem:s21+$0x97F0];
	s21 =	sshra.s32 s22, $0x2  }
0x94: {  	v9 =	vadd.f32 v15, v9;
	v7 =	vld [tilespmem:s21+$0x97C0];
	v10 =	vadd.f32 v10, v11  }
0x95: {  	v4 =	vadd.f32 v2, v4;
	v5 =	vadd.f32 v3, v5;
	v11 =	vld [tilespmem:s21+$0x97D0]  }
0x96: {  	v9 =	vadd.f32 v14, v9;
	v2 =	vld [tilespmem:s21+$0x9780];
	v8 =	vadd.f32 v8, v10  }
0x97: {  	v12 =	vadd.f32 v0, v4;
	v15 =	vadd.f32 v1, v5;
	v3 =	vld [tilespmem:s21+$0x9790]  }
0x98: {  	v14 =	vadd.f32 v13, v9;
	v4 =	vld [tilespmem:s21+$0x9740];
	v13 =	vadd.f32 v6, v8  }
0x99: {  	v5 =	vld [tilespmem:s21+$0x9750];
	v0 =	vmov v7  }
0x9a: {  	v6 =	vld [tilespmem:s21+$0x9700];
	v1 =	vmov v11  }
0x9b: {  	v7 =	vld [tilespmem:s21+$0x9710]  }
0x9c: {  	v9 =	vld [tilespmem:s21+$0x96C0]  }
0x9d: {  	v8 =	vld [tilespmem:s21+$0x96D0]  }
0x9e: {  	v11 =	vld [tilespmem:s21+$0x9680]  }
0x9f: {  	v10 =	vld [tilespmem:s21+$0x9690]  }
.Ltmp1:
0xa0: {  	v17 =	vld [tilespmem:s21+$0x9640];
	(pc) =	sbr.rel @p0 .LBB2_5-.Ltmp1, $4  }
0xa1: {  	v16 =	vld [tilespmem:s21+$0x9650]  }
0xa2: {  	v19 =	vld [tilespmem:s21+$0x9600]  }
0xa3: {  	v20 =	vld [tilespmem:s21+$0x9610]  }
0xa4: {  	s22 =	sadd.s32 $0x800, s22;
	v18 =	vld [tilespmem:s21+$0x9620]  }
0xa5: {  	v21 =	vld [tilespmem:s21+$0x9630]  }
0xa6: {  	v22 =	vld [tilespmem:s21+$0x9660]  }
0xa7: {  	v23 =	vld [tilespmem:s21+$0x9670];
	v12 =	vadd.f32 v19, v12  }
0xa8: {  	v43 =	vld [tilespmem:s21+$0x96A0];
	v15 =	vadd.f32 v20, v15  }
0xa9: {  	v44 =	vld [tilespmem:s21+$0x96B0];
	v14 =	vadd.f32 v18, v14;
	v12 =	vadd.f32 v17, v12  }
0xaa: {  	v45 =	vld [tilespmem:s21+$0x96E0];
	v13 =	vadd.f32 v21, v13;
	v15 =	vadd.f32 v16, v15  }
0xab: {  	v46 =	vld [tilespmem:s21+$0x96F0];
	v14 =	vadd.f32 v22, v14;
	v11 =	vadd.f32 v11, v12  }
0xac: {  	v48 =	vld [tilespmem:s21+$0x9720];
	v47 =	vadd.f32 v23, v13;
	v10 =	vadd.f32 v10, v15  }
0xad: {  	v49 =	vld [tilespmem:s21+$0x9730];
	v14 =	vadd.f32 v43, v14;
	v9 =	vadd.f32 v9, v11  }
0xae: {  	v51 =	vld [tilespmem:s21+$0x9760];
	v50 =	vadd.f32 v44, v47;
	v8 =	vadd.f32 v8, v10  }
0xaf: {  	v52 =	vld [tilespmem:s21+$0x9770];
	v14 =	vadd.f32 v45, v14;
	v6 =	vadd.f32 v6, v9  }
0xb0: {  	v54 =	vld [tilespmem:s21+$0x97A0];
	v53 =	vadd.f32 v46, v50;
	v7 =	vadd.f32 v7, v8  }
0xb1: {  	v55 =	vld [tilespmem:s21+$0x97B0];
	v13 =	vadd.f32 v48, v14;
	v4 =	vadd.f32 v4, v6  }
0xb2: {  	v57 =	vld [tilespmem:s21+$0x97E0];
	v56 =	vadd.f32 v49, v53;
	v5 =	vadd.f32 v5, v7  }
0xb3: {  	v58 =	vld [tilespmem:s21+$0x97F0];
	v12 =	vadd.f32 v51, v13;
	v2 =	vadd.f32 v2, v4  }
0xb4: {  	v59 =	vadd.f32 v52, v56;
	v3 =	vadd.f32 v3, v5  }
0xb5: {  	v60 =	vadd.f32 v54, v12;
	v0 =	vadd.f32 v0, v2  }
0xb6: {  	v61 =	vadd.f32 v55, v59;
	v1 =	vadd.f32 v1, v3  }
0xb7: {  	s20 =	sadd.s32 s5, s20;
	v62 =	vadd.f32 v57, v60;
	[tilespmem:$0xC800] =	vst v0  }
0xb8: {  	s19 =	sadd.s32 $0x1, s19;
	s20 =	sshll.u32 s20, $0x3;
	v63 =	vadd.f32 v58, v61;
	[tilespmem:$0xC810] =	vst v1  }
0xb9: {  	p0 =	sne.s32 s19, $0x40;
	s20 =	sand.u32 $0x1FFFFFF8, s20;
	[tilespmem:$0xC820] =	vst v62  }
.Ltmp2:
0xba: {  	s20 =	sadd.s32 s4, s20;
	[tilespmem:$0xC830] =	vst v63;
	(pc) =	sbr.rel @p0 .LBB2_2-.Ltmp2, $4  }
0xbb: {  	[hbm4b:s20+s2] =	stream.linear.scatter [tilespmem:s16], [sflag:$0x3], $0x40, $0x38;
	[tilespmem:$0xC840] =	vst v63  }
0xbc: {  	_ =	swait.ge [sflag:s8], $0x40  }
0xbd: {  	[sflag:s8] =	ssyncset.done $0x0  }
0xbe: {  	[sflag:s8] =	ssyncadd.s32 $0xFFFFFFC0  }
0xbf: {  	s18 =	sadd.s32 $0x1, s18  }
0xc0: {  	p0 =	sne.s32 s18, s7  }
.Ltmp3:
0xc1: {  	_ = 	snop;
	(pc) =	sbr.rel @p0 .LBB2_1-.Ltmp3, $1  }
0xc2: {  	_ =	sdelay $0x3  }
0xc3: {  	_ =	sfence.sel $0x180000  }
0xc4: {  	[bflag:$0x0] =	sbarrier.arrive $0xFFFF  }
0xc5: {  	p0 =	sne.s32 s0, $0x0;
	_ =	strace $0x9000004D  }
0xc6: {  	s0 =	sadd.s32 @!p0 $0x100000, s1;
	[bflag:$0x2] =	sbarrier.arrive $0xFFFF  }
0xc7: {  	[sflag:s0] =	ssyncadd.tile.s32 @!p0 $0x1;
	_ =	shalt  }
.Lfunc_end2:
_tile_overlayer_lowered:
.L_overlay_start_2:
0xc8: {  	(tag) =	ssettag $0x2  }
0xc9: {  	s0 =	rddreg [dreg:$0x0];
	s2 =	stileid.u32  }
0xca: {  	s1 =	rddreg [dreg:$0x1];
	p0 =	sne.s32 s2, $0x0  }
0xcb: {  	s3 =	rddreg [dreg:$0x2];
	[bflag:$0x3] =	sbarrier.arrive $0xFFFF;
	s2 =	simm.s32 @!p0 $0x1C03  }
0xcc: {  	[timem:s3], [sflag:s2] =	dma.local @!p0 [hbm:s0], s1  }
0xcd: {  	s0 =	simm.s32 @!p0 $0x3  }
0xce: {  	_ =	swait.ge @!p0 [sflag:s0], s1  }
0xcf: {  	s1 =	ssub.s32 @!p0 $0x0, s1;
	[sflag:s0] =	ssyncset.done @!p0 $0x0  }
0xd0: {  	[sflag:s0] =	ssyncadd.s32 @!p0 s1  }
0xd1: {  	[bflag:$0x3] =	sbarrier.arrive $0xFFFF  }
0xd2: {  	_ =	shalt  }

// kernel: kernel.6.cloned.1.call-start
scs
__scs_entry_jumppad:
0x0: {  	(pc) =	sbr.rel $0x88, $3  }
0x1: {  	(tag) =	ssettag $0x0;
	lr =	simm.s32 $0x1  }
0x2: {  	[smem:$0x3F97] =	sst lr;
	_ =	strace $0xD0000000  }
0x3: {  	_ = 	snop  }
0x4: {  	_ = 	snop  }
0x5: {  	_ = 	snop  }
0x6: {  	_ = 	snop  }
0x7: {  	_ = 	snop  }
__scs_overlays_trampoline_lowered:
0x8: {  	[smem:$0x3FA6] =	sst s0  }
0x9: {  	[smem:$0x3FA7] =	sst s1  }
0xa: {  	[smem:$0x3FA8] =	sst s2  }
0xb: {  	[smem:$0x3FA9] =	sst s3  }
0xc: {  	[smem:$0x3FAA] =	sst s4  }
0xd: {  	[smem:$0x3FAB] =	sst s5  }
0xe: {  	[smem:$0x3FAC] =	sst s6  }
0xf: {  	[smem:$0x3FAD] =	sst s7  }
0x10: {  	[smem:$0x3FAE] =	sst s8  }
0x11: {  	[smem:$0x3FAF] =	sst s9;
	s0 =	simm.s32 @!p0 $0x0  }
0x12: {  	s1 =	sld [smem:$0x3F95];
	s0 =	simm.s32 @p0 $0x1  }
0x13: {  	[smem:$0x3FB0] =	sst s0;
	s0 =	simm.s32 @!p1 $0x0  }
0x14: {  	s2 =	sld [smem:$0x3F94];
	s0 =	simm.s32 @p1 $0x1  }
0x15: {  	[smem:$0x3FB1] =	sst s0;
	s0 =	simm.s32 @!p2 $0x0  }
0x16: {  	s3 =	sld [smem:$0x3FDB];
	s0 =	simm.s32 @p2 $0x1  }
0x17: {  	s4 =	simm.s32 $0x1BF5;
	[smem:$0x3FB3] =	sst s0  }
0x18: {  	s0 =	sld [smem:$0x3F96];
	_ =	swait.ge [sflag:s4], $0x0  }
0x19: {  	s7 =	sld [smem:$0x3F97]  }
0x1a: {  	s8 =	sadd.s32 $0xFFFFE003, lr  }
0x1b: {  	s9 =	sadd.s32 $0xFFFFFEF7, lr;
	s5 =	simm.s32 $0xFFFFFFFF;
	p2 =	slt.u32 s8, $0xFFFFF086  }
0x1c: {  	p1 =	slt.u32 s9, $0xF7A;
	s5 =	simm.s32 @!p2 $0x0  }
0x1d: {  	s5 =	simm.s32 @p1 $0x1;
	p0 =	seq.s32 s7, s2  }
0x1e: {  	s7 =	smul.u32 @!p0 $0xF7A, s2;
	p2 =	seq.s32 @!p0 s5, $0x0  }
0x1f: {  	s9 =	smul.u32 $0xF7A, s1;
	s8 =	simm.s32 @!p0 $0x1BF5;
	p2 =	por !p2, p0  }
0x20: {  	[sflag:s8] =	ssyncset.s32 @!p0 $0xFFFFF086;
	s6 =	sadd.s32 @!p0 s3, s7;
	s7 =	simm.s32 @!p0 $0x108  }
0x21: {  	s3 =	sadd.s32 s3, s9;
	s6 =	sadd.s32 @!p0 $0x88, s6;
	s7 =	simm.s32 @p2 $0x1082  }
0x22: {  	[simem:s7], [sflag:s8] =	dma.local @!p0 [hbm:s6], $0xF7A  }
0x23: {  	s9 =	sor.u32 $0xD0000000, s2;
	s6 =	simm.s32 $0x108;
	_ =	swait.ge @!p0 [sflag:s8], $0x0  }
0x24: {  	s3 =	sadd.s32 $0x88, s3;
	s6 =	simm.s32 @!p1 $0x1082;
	[sflag:s4] =	ssyncset.s32 $0xFFFFF086  }
0x25: {  	[simem:s6], [sflag:s4] =	dma.local [hbm:s3], $0xF7A  }
0x26: {  	[smem:$0x3F97] =	sst s1;
	(tag) =	ssettag s2;
	_ =	strace s9  }
0x27: {  	s1 =	sld [smem:$0x3FA7]  }
0x28: {  	s2 =	sld [smem:$0x3FA8]  }
0x29: {  	s4 =	sld [smem:$0x3FAA]  }
0x2a: {  	p0 =	seq.s32 s5, $0x0;
	s5 =	sld [smem:$0x3FAB]  }
0x2b: {  	s6 =	sld [smem:$0x3FAC]  }
0x2c: {  	s7 =	sld [smem:$0x3FAD]  }
0x2d: {  	s3 =	simm.s32 $0x108;
	s8 =	sld [smem:$0x3FAE]  }
0x2e: {  	s3 =	simm.s32 @!p0 $0x1082;
	s9 =	sld [smem:$0x3FAF]  }
0x2f: {  	lr =	sadd.s32 s0, s3;
	s0 =	sld [smem:$0x3FA6]  }
0x30: {  	s3 =	sld [smem:$0x3FA9]  }
0x31: {  	[smem:$0x3FB2] =	sst s10  }
0x32: {  	s10 =	sld [smem:$0x3FB0];
	_ =	sdelay $0x3  }
0x33: {  	p0 =	seq.s32 s10, $0x1;
	s10 =	sld [smem:$0x3FB2];
	_ =	sdelay $0x3  }
0x34: {  	[smem:$0x3FB2] =	sst s10  }
0x35: {  	s10 =	sld [smem:$0x3FB1];
	_ =	sdelay $0x3  }
0x36: {  	p1 =	seq.s32 s10, $0x1;
	s10 =	sld [smem:$0x3FB2];
	_ =	sdelay $0x3  }
0x37: {  	[smem:$0x3FB2] =	sst s10  }
0x38: {  	s10 =	sld [smem:$0x3FB3]  }
0x39: {  	_ = 	snop;
	(pc) =	sbr.ind lr, $3  }
0x3a: {  	_ = 	snop  }
0x3b: {  	_ = 	snop  }
0x3c: {  	p2 =	seq.s32 s10, $0x1;
	s10 =	sld [smem:$0x3FB2]  }
0x3d: {  	_ =	shalt  }
0x3e: {  	_ =	shalt  }
0x3f: {  	_ =	shalt  }
0x40: {  	_ =	shalt  }
0x41: {  	_ =	shalt  }
0x42: {  	_ =	shalt  }
0x43: {  	_ =	shalt  }
0x44: {  	_ =	shalt  }
0x45: {  	_ =	shalt  }
0x46: {  	_ =	shalt  }
0x47: {  	_ =	shalt  }
0x48: {  	_ =	shalt  }
0x49: {  	_ =	shalt  }
0x4a: {  	_ =	shalt  }
0x4b: {  	_ =	shalt  }
0x4c: {  	_ =	shalt  }
0x4d: {  	_ =	shalt  }
0x4e: {  	_ =	shalt  }
0x4f: {  	_ =	shalt  }
0x50: {  	_ =	shalt  }
0x51: {  	_ =	shalt  }
0x52: {  	_ =	shalt  }
0x53: {  	_ =	shalt  }
0x54: {  	_ =	shalt  }
0x55: {  	_ =	shalt  }
0x56: {  	_ =	shalt  }
0x57: {  	_ =	shalt  }
0x58: {  	_ =	shalt  }
0x59: {  	_ =	shalt  }
0x5a: {  	_ =	shalt  }
0x5b: {  	_ =	shalt  }
0x5c: {  	_ =	shalt  }
0x5d: {  	_ =	shalt  }
0x5e: {  	_ =	shalt  }
0x5f: {  	_ =	shalt  }
0x60: {  	_ =	shalt  }
0x61: {  	_ =	shalt  }
0x62: {  	_ =	shalt  }
0x63: {  	_ =	shalt  }
0x64: {  	_ =	shalt  }
0x65: {  	_ =	shalt  }
0x66: {  	_ =	shalt  }
0x67: {  	_ =	shalt  }
0x68: {  	_ =	shalt  }
0x69: {  	_ =	shalt  }
0x6a: {  	_ =	shalt  }
0x6b: {  	_ =	shalt  }
0x6c: {  	_ =	shalt  }
0x6d: {  	_ =	shalt  }
0x6e: {  	_ =	shalt  }
0x6f: {  	_ =	shalt  }
0x70: {  	_ =	shalt  }
0x71: {  	_ =	shalt  }
0x72: {  	_ =	shalt  }
0x73: {  	_ =	shalt  }
0x74: {  	_ =	shalt  }
0x75: {  	_ =	shalt  }
0x76: {  	_ =	shalt  }
0x77: {  	_ =	shalt  }
0x78: {  	_ =	shalt  }
0x79: {  	_ =	shalt  }
0x7a: {  	_ =	shalt  }
0x7b: {  	_ =	shalt  }
0x7c: {  	_ =	shalt  }
0x7d: {  	_ =	shalt  }
0x7e: {  	_ =	shalt  }
0x7f: {  	_ =	shalt  }
0x80: {  	_ =	shalt  }
0x81: {  	_ =	shalt  }
0x82: {  	_ =	shalt  }
0x83: {  	_ =	shalt  }
0x84: {  	_ =	shalt  }
0x85: {  	_ =	shalt  }
0x86: {  	_ =	shalt  }
0x87: {  	_ =	shalt  }
.Lfunc_end0:
.L_simem_size_0:
called_computation_lowered:
.L_overlay_start_0:
0x88: {  	s2 =	sld [smem:$0x3FD9]  }
0x89: {  	s3 =	sld [smem:$0x3FFE];
	_ =	sdelay $0x1  }
0x8a: {  	s1 =	srdreg.scid  }
0x8b: {  	s0 =	sand.u32 $0x1, s1  }
0x8c: {  	s16 =	sshll.u32 s0, $0xA;
	s2 =	sadd.s32 s3, s2  }
0x8d: {  	s2 =	sadd.s32 s2, s16  }
0x8e: {  	[smem:$0x3FBE] =	sst s2  }
0x8f: {  	_ = 	snop  }
0x90: {  	(tm) =	ssettm $0x1  }
0x91: {  	s17 =	sld [smem:$0x3FFB];
	_ =	sdelay $0x3  }
0x92: {  	_ =	strace s17  }
0x93: {  	s2 =	sld [smem:$0x3FFC];
	_ =	sdelay $0x3  }
0x94: {  	_ =	strace s2  }
0x95: {  	s2 =	sld [smem:$0x3FFD];
	_ =	sdelay $0x3  }
0x96: {  	_ =	strace s2  }
0x97: {  	_ =	strace $0x8FFFFFFF  }
0x98: {  	s18 =	sld [smem:$0x3FDB];
	_ =	sdelay $0x1  }
0x99: {  	s19 =	simm.s32 $_scs_section_size  }
0x9a: {  	s4 =	simm.s32 $_size__tile_overlayer_lowered;
	s5 =	simm.s32 $_tile_overlayer_lowered  }
0x9b: {  	s22 =	simm.s32 $0x1BFF;
	s21 =	sshll.u32 s5, $0x1;
	s2 =	sadd.s32 s19, s18  }
0x9c: {  	s6 =	simm.s32 $0x0;
	s20 =	sshll.u32 s4, $0x1;
	s4 =	sadd.s32 s21, s2  }
0x9d: {  	[timem:s6], [sflag:s22] =	dma.local [hbm:s4], s20  }
0x9e: {  	_ =	swait.ge [sflag:s22], s20  }
0x9f: {  	s3 =	ssub.s32 $0x0, s20;
	[sflag:s22] =	ssyncset.done $0x0  }
0xa0: {  	[sflag:s22] =	ssyncadd.s32 s3;
	_ =	sdelay $0x1  }
0xa1: {  	s23 =	simm.s32 $0x1B8B  }
0xa2: {  	_ =	swait.ge [sflag:s23], $0x1  }
0xa3: {  	[sflag:s23] =	ssyncset.done $0x0  }
0xa4: {  	s25 =	simm.s32 $0x1B8E;
	s24 =	sld [smem:$0x3FFE];
	[sflag:s23] =	ssyncadd.s32 $0xFFFFFFFF  }
0xa5: {  	s26 =	simm.s32 $execute0_lowered;
	[smem:$0x3FD2] =	sst s25  }
0xa6: {  	s4 =	sshll.u32 s26, $0x1;
	_ =	strace $0x80000046;
	[dreg:$0x1] =	wrdreg $0xFFFFFFFF  }
0xa7: {  	s28 =	simm.s32 $_size_execute0_lowered;
	s2 =	sadd.s32 s2, s4;
	[dreg:$0x0] =	wrdreg $0x0  }
0xa8: {  	s4 =	sshll.u32 s28, $0x1;
	[dreg:$0x2] =	wrdreg s2  }
0xa9: {  	[dreg:$0x3] =	wrdreg s4  }
0xaa: {  	[dreg:$0x4] =	wrdreg $0xC0  }
0xab: {  	_ =	task [dreg:s6], $0x5FFFF  }
0xac: {  	[dreg:$0x1] =	wrdreg $0xFFFFFFFF  }
0xad: {  	[dreg:$0x0] =	wrdreg $0x60  }
0xae: {  	[dreg:$0x2] =	wrdreg s24  }
0xaf: {  	[dreg:$0x3] =	wrdreg $0x9  }
0xb0: {  	_ =	task.clear_ibuf [dreg:s6], $0x4FFFF;
	_ =	strace $0x90000046  }
0xb1: {  	s29 =	simm.s32 $0x9;
	_ =	strace $0x80000048  }
0xb2: {  	_ =	swait.ge [sflag:s29], $0x1  }
0xb3: {  	[sflag:s29] =	ssyncadd.s32 $0xFFFFFFFF  }
0xb4: {  	_ =	strace $0x90000048  }
0xb5: {  	_ =	sfence  }
0xb6: {  	s30 =	sld [smem:$0x0];
	_ =	sdelay $0x2  }
0xb7: {  	s31 =	sshll.u32 s1, $0xD;
	s1 =	sshrl.u32 s1, $0x2  }
0xb8: {  	s3 =	sand.u32 $0x4000, s31;
	s1 =	sadd.s32 s1, s30  }
0xb9: {  	s0 =	sor.u32 s3, s0;
	s1 =	sshll.u32 s1, $0x11  }
0xba: {  	s0 =	sor.u32 s1, s0  }
0xbb: {  	s0 =	sadd.s32 $0x8F2B, s0  }
0xbc: {  	[sflag:s0] =	ssyncadd.remote.s32 $0x1  }
0xbd: {  	_ =	sfence.sel $0xFFFF  }
0xbe: {  	[dreg:$0x0] =	wrdreg $0xFFFFFFFF;
	(pc) =	sbr.abs _section_cstart, $3  }
0xbf: {  	[dreg:$0x1] =	wrdreg $0xFFFFFFFF  }
0xc0: {  	_ =	task.clear_ibuf [dreg:s6], $0x2FFFF;
	_ =	strace $0x9FFFFFFF  }
0xc1: {  	(tm) =	ssettm $0x7FFFFFFF  }
tec
execute0_lowered:
.L_overlay_start_1:
0x0: {  	(tag) =	ssettag $0x1  }
0x1: {  	s1 =	srdreg.scid  }
0x2: {  	s0 =	stileid.u32;
	s4 =	rddreg [dreg:$0x0];
	s2 =	simm.s32 $0x0  }
0x3: {  	s9 =	simm.s32 $0x80;
	s10 =	simm.s32 $0x6400;
	s11 =	simm.s32 $0x48  }
0x4: {  	s12 =	simm.s32 $0x8400;
	s13 =	simm.s32 $0x9600;
	s14 =	simm.s32 $0xB600  }
0x5: {  	s15 =	simm.s32 $0x1;
	s16 =	simm.s32 $0xC800;
	s17 =	simm.s32 $0x2  }
0x6: {  	s3 =	sand.u32 $0x1, s1;
	s31 =	sshll.u32 s0, $0x1;
	s1 =	rddreg [dreg:$0x1]  }
0x7: {  	s18 =	simm.s32 $0x0;
	[smem:$0x7FF] =	sst s2;
	s5 =	sor.u32 s3, s31  }
0x8: {  	_ =	strace $0x80000047;
	s7 =	ssub.s32 $0x2, s3;
	s6 =	smul.u32 $0xC80, s5  }
0x9: {  	s3 =	sadd.s32 $0xF43E00, s4;
	s8 =	sshrl.u32 s7, $0x1;
	s5 =	sshll.u32 s5, $0x7  }
0xa: {  	s7 =	ssub.s32 s7, s8;
	s8 =	simm.s32 $0x3;
	s6 =	sadd.s32 s6, s4  }
0xb: {  	s4 =	sadd.s32 $0x1AA00, s4;
	s7 =	smax.u32 s7, $0x1;
	s6 =	sadd.s32 $0x1A00, s6  }
.LBB2_1:
0xc: {  	[tilespmem:s2], [sflag:$0x3] =	stream.linear.gather [hbm4b:s6+s2], $0x6400, $0x38;
	[tilespmem:$0xC840] =	vst v63  }
0xd: {  	_ =	swait.ge [sflag:s8], $0x6400  }
0xe: {  	[sflag:s8] =	ssyncset.done $0x0  }
0xf: {  	[sflag:s8] =	ssyncadd.s32 $0xFFFF9C00  }
0x10: {  	[tilespmem:s10], [sflag:$0x1] =	stream.indirect.gather [hbm4b:s3+s9], $0x40, s2, s9, $0xb8;
	[tilespmem:$0xC840] =	vst v63  }
0x11: {  	s19 =	simm.s32 $0x0  }
0x12: {  	[tilespmem:s12], [sflag:$0x1] =	stream.indirect.gather [hbm4b:s3+s11], $0x40, s9, s11, $0xb8;
	[tilespmem:$0xC840] =	vst v63  }
.LBB2_2:
0x13: {  	s20 =	sshllo.u32 s19, $0x1  }
0x14: {  	s21 =	smul.u32 $0x320, s20;
	_ =	sdelay $0x1  }
0x15: {  	s21 =	sshra.s32 s21, $0x2  }
0x16: {  	[tilespmem:s13], [sflag:$0x2] =	stream.indirect.gather [hbm4b:s3+s9], $0x40, s21, s9, $0xb8;
	[tilespmem:$0xC840] =	vst v63  }
0x17: {  	s21 =	sadd.s32 $0x80, s21  }
0x18: {  	[tilespmem:s14], [sflag:$0x2] =	stream.indirect.gather [hbm4b:s3+s11], $0x40, s21, s11, $0xb8;
	[tilespmem:$0xC840] =	vst v63  }
0x19: {  	_ =	swait.ge [sflag:s15], $0x2000  }
0x1a: {  	[sflag:s15] =	ssyncset.done $0x0  }
0x1b: {  	[sflag:s15] =	ssyncadd.s32 $0xFFFFE000  }
0x1c: {  	_ =	swait.ge [sflag:s15], $0x1200  }
0x1d: {  	[sflag:s15] =	ssyncset.done $0x0  }
0x1e: {  	s21 =	simm.s32 $0x0;
	[sflag:s15] =	ssyncadd.s32 $0xFFFFEE00  }
0x1f: {  	v0 =	vld [tilespmem:s21+$0x65C0]  }
0x20: {  	v1 =	vld [tilespmem:s21+$0x65D0]  }
0x21: {  	v2 =	vld [tilespmem:s21+$0x6580]  }
0x22: {  	v3 =	vld [tilespmem:s21+$0x6590]  }
0x23: {  	v4 =	vld [tilespmem:s21+$0x6540]  }
0x24: {  	v5 =	vld [tilespmem:s21+$0x6550]  }
0x25: {  	v6 =	vld [tilespmem:s21+$0x6500]  }
0x26: {  	v7 =	vld [tilespmem:s21+$0x6510]  }
0x27: {  	v9 =	vld [tilespmem:s21+$0x64C0]  }
0x28: {  	v8 =	vld [tilespmem:s21+$0x64D0]  }
0x29: {  	v11 =	vld [tilespmem:s21+$0x6480]  }
0x2a: {  	v10 =	vld [tilespmem:s21+$0x6490]  }
0x2b: {  	v17 =	vld [tilespmem:s21+$0x6440]  }
0x2c: {  	v16 =	vld [tilespmem:s21+$0x6450]  }
0x2d: {  	v18 =	vld [tilespmem:s21+$0x6400]  }
0x2e: {  	v12 =	vimm.f32 $0.0e+00;
	v20 =	vld [tilespmem:s21+$0x6410]  }
0x2f: {  	s22 =	sshll.u32 s19, $0x1;
	s23 =	simm.s32 $0x800;
	v15 =	vimm.f32 $0.0e+00;
	v14 =	vimm.f32 $0.0e+00;
	v13 =	vimm.f32 $0.0e+00;
	v19 =	vld [tilespmem:s21+$0x6420]  }
.LBB2_3:
0x30: {  	p0 =	sne.s32 s23, $0xC000;
	v21 =	vld [tilespmem:s21+$0x6430]  }
0x31: {  	v22 =	vld [tilespmem:s21+$0x6460]  }
0x32: {  	v23 =	vld [tilespmem:s21+$0x6470]  }
0x33: {  	v24 =	vld [tilespmem:s21+$0x64A0]  }
0x34: {  	v12 =	vadd.f32 v18, v12;
	v15 =	vadd.f32 v20, v15;
	v18 =	vld [tilespmem:s21+$0x64B0]  }
0x35: {  	v14 =	vadd.f32 v19, v14;
	v13 =	vadd.f32 v21, v13;
	v19 =	vld [tilespmem:s21+$0x64E0]  }
0x36: {  	v12 =	vadd.f32 v17, v12;
	v15 =	vadd.f32 v16, v15;
	v16 =	vld [tilespmem:s21+$0x64F0]  }
0x37: {  	v14 =	vadd.f32 v22, v14;
	v13 =	vadd.f32 v23, v13;
	v17 =	vld [tilespmem:s21+$0x6520]  }
0x38: {  	v11 =	vadd.f32 v11, v12;
	v10 =	vadd.f32 v10, v15;
	v12 =	vld [tilespmem:s21+$0x6530]  }
0x39: {  	v14 =	vadd.f32 v24, v14;
	v13 =	vadd.f32 v18, v13;
	v15 =	vld [tilespmem:s21+$0x6560]  }
0x3a: {  	v9 =	vadd.f32 v9, v11;
	v8 =	vadd.f32 v8, v10;
	v10 =	vld [tilespmem:s21+$0x6570]  }
0x3b: {  	v11 =	vadd.f32 v19, v14;
	v13 =	vadd.f32 v16, v13;
	v14 =	vld [tilespmem:s21+$0x65A0]  }
0x3c: {  	v6 =	vadd.f32 v6, v9;
	v7 =	vadd.f32 v7, v8;
	v8 =	vld [tilespmem:s21+$0x65B0]  }
0x3d: {  	v9 =	vadd.f32 v17, v11;
	v11 =	vadd.f32 v12, v13;
	v13 =	vld [tilespmem:s21+$0x65E0]  }
0x3e: {  	v4 =	vadd.f32 v4, v6;
	v5 =	vadd.f32 v5, v7;
	v6 =	vld [tilespmem:s21+$0x65F0];
	s21 =	sshra.s32 s23, $0x2  }
0x3f: {  	v9 =	vadd.f32 v15, v9;
	v7 =	vld [tilespmem:s21+$0x65C0];
	v10 =	vadd.f32 v10, v11  }
0x40: {  	v4 =	vadd.f32 v2, v4;
	v5 =	vadd.f32 v3, v5;
	v11 =	vld [tilespmem:s21+$0x65D0]  }
0x41: {  	v9 =	vadd.f32 v14, v9;
	v2 =	vld [tilespmem:s21+$0x6580];
	v8 =	vadd.f32 v8, v10  }
0x42: {  	v12 =	vadd.f32 v0, v4;
	v15 =	vadd.f32 v1, v5;
	v3 =	vld [tilespmem:s21+$0x6590]  }
0x43: {  	v14 =	vadd.f32 v13, v9;
	v4 =	vld [tilespmem:s21+$0x6540];
	v13 =	vadd.f32 v6, v8  }
0x44: {  	v5 =	vld [tilespmem:s21+$0x6550];
	v0 =	vmov v7  }
0x45: {  	v6 =	vld [tilespmem:s21+$0x6500];
	v1 =	vmov v11  }
0x46: {  	v7 =	vld [tilespmem:s21+$0x6510]  }
0x47: {  	v9 =	vld [tilespmem:s21+$0x64C0]  }
0x48: {  	v8 =	vld [tilespmem:s21+$0x64D0]  }
0x49: {  	v11 =	vld [tilespmem:s21+$0x6480]  }
0x4a: {  	v10 =	vld [tilespmem:s21+$0x6490]  }
.Ltmp0:
0x4b: {  	v17 =	vld [tilespmem:s21+$0x6440];
	(pc) =	sbr.rel @p0 .LBB2_3-.Ltmp0, $4  }
0x4c: {  	v16 =	vld [tilespmem:s21+$0x6450]  }
0x4d: {  	v18 =	vld [tilespmem:s21+$0x6400]  }
0x4e: {  	v20 =	vld [tilespmem:s21+$0x6410]  }
0x4f: {  	s23 =	sadd.s32 $0x800, s23;
	v19 =	vld [tilespmem:s21+$0x6420]  }
0x50: {  	v21 =	vld [tilespmem:s21+$0x6430]  }
0x51: {  	v22 =	vld [tilespmem:s21+$0x6460]  }
0x52: {  	v23 =	vld [tilespmem:s21+$0x6470];
	v12 =	vadd.f32 v18, v12  }
0x53: {  	v18 =	vld [tilespmem:s21+$0x64A0];
	v15 =	vadd.f32 v20, v15  }
0x54: {  	v20 =	vld [tilespmem:s21+$0x64B0];
	v14 =	vadd.f32 v19, v14;
	v12 =	vadd.f32 v17, v12  }
0x55: {  	v17 =	vld [tilespmem:s21+$0x64E0];
	v13 =	vadd.f32 v21, v13;
	v15 =	vadd.f32 v16, v15  }
0x56: {  	v16 =	vld [tilespmem:s21+$0x64F0];
	v14 =	vadd.f32 v22, v14;
	v11 =	vadd.f32 v11, v12  }
0x57: {  	v12 =	vadd.f32 v23, v13;
	v13 =	vld [tilespmem:s21+$0x6520];
	v10 =	vadd.f32 v10, v15  }
0x58: {  	v15 =	vld [tilespmem:s21+$0x6530];
	v14 =	vadd.f32 v18, v14;
	v9 =	vadd.f32 v9, v11  }
0x59: {  	v11 =	vadd.f32 v20, v12;
	v12 =	vld [tilespmem:s21+$0x6560];
	v8 =	vadd.f32 v8, v10  }
0x5a: {  	v10 =	vld [tilespmem:s21+$0x6570];
	v14 =	vadd.f32 v17, v14;
	v6 =	vadd.f32 v6, v9  }
0x5b: {  	v9 =	vadd.f32 v16, v11;
	v11 =	vld [tilespmem:s21+$0x65A0];
	v7 =	vadd.f32 v7, v8  }
0x5c: {  	v8 =	vld [tilespmem:s21+$0x65B0];
	v13 =	vadd.f32 v13, v14;
	v4 =	vadd.f32 v4, v6  }
0x5d: {  	v6 =	vadd.f32 v15, v9;
	v9 =	vld [tilespmem:s21+$0x65E0];
	v5 =	vadd.f32 v5, v7  }
0x5e: {  	v7 =	vld [tilespmem:s21+$0x65F0];
	v12 =	vadd.f32 v12, v13;
	v2 =	vadd.f32 v2, v4  }
0x5f: {  	v4 =	vadd.f32 v10, v6;
	v3 =	vadd.f32 v3, v5  }
0x60: {  	v5 =	vadd.f32 v11, v12;
	v0 =	vadd.f32 v0, v2  }
0x61: {  	v2 =	vadd.f32 v8, v4;
	v1 =	vadd.f32 v1, v3  }
0x62: {  	v3 =	vadd.f32 v9, v5;
	[tilespmem:$0xC800] =	vst v0  }
0x63: {  	s31 =	sadd.s32 s5, s22;
	v0 =	vadd.f32 v7, v2;
	[tilespmem:$0xC810] =	vst v1  }
0x64: {  	s21 =	sshll.u32 s31, $0x3;
	[tilespmem:$0xC820] =	vst v3  }
0x65: {  	p0 =	seq.s32 s19, $0x3F;
	s21 =	sadd.s32 s4, s21;
	[tilespmem:$0xC830] =	vst v0  }
0x66: {  	[hbm4b:s21+s2] =	stream.linear.scatter [tilespmem:s16], [sflag:$0x3], $0x40, $0x38;
	[tilespmem:$0xC840] =	vst v63  }
0x67: {  	s21 =	smul.u32 @!p0 $0x640, s19  }
0x68: {  	_ =	swait.ge [sflag:s8], $0x40  }
0x69: {  	s23 =	simm.s32 @!p0 $0x80;
	[sflag:s8] =	ssyncset.done $0x0;
	s21 =	sshra.s32 @!p0 s21, $0x2  }
0x6a: {  	s24 =	simm.s32 @!p0 $0x6400;
	[sflag:s8] =	ssyncadd.s32 $0xFFFFFFC0;
	s22 =	sadd.s32 @!p0 $0x190, s21  }
0x6b: {  	[tilespmem:s24], [sflag:$0x1] =	stream.indirect.gather @!p0 [hbm4b:s3+s23], $0x40, s22, s23, $0xb8;
	[tilespmem:$0xC840] =	vst v63  }
0x6c: {  	s21 =	sadd.s32 @!p0 $0x210, s21;
	s22 =	simm.s32 @!p0 $0x48;
	s23 =	simm.s32 @!p0 $0x8400  }
0x6d: {  	[tilespmem:s23], [sflag:$0x1] =	stream.indirect.gather @!p0 [hbm4b:s3+s22], $0x40, s21, s22, $0xb8;
	[tilespmem:$0xC840] =	vst v63  }
0x6e: {  	_ =	swait.ge [sflag:s17], $0x2000  }
0x6f: {  	[sflag:s17] =	ssyncset.done $0x0  }
0x70: {  	[sflag:s17] =	ssyncadd.s32 $0xFFFFE000  }
0x71: {  	_ =	swait.ge [sflag:s17], $0x1200  }
0x72: {  	[sflag:s17] =	ssyncset.done $0x0  }
0x73: {  	s21 =	simm.s32 $0x0;
	[sflag:s17] =	ssyncadd.s32 $0xFFFFEE00  }
0x74: {  	v0 =	vld [tilespmem:s21+$0x97C0]  }
0x75: {  	v1 =	vld [tilespmem:s21+$0x97D0]  }
0x76: {  	v2 =	vld [tilespmem:s21+$0x9780]  }
0x77: {  	v3 =	vld [tilespmem:s21+$0x9790]  }
0x78: {  	v4 =	vld [tilespmem:s21+$0x9740]  }
0x79: {  	v5 =	vld [tilespmem:s21+$0x9750]  }
0x7a: {  	v6 =	vld [tilespmem:s21+$0x9700]  }
0x7b: {  	v7 =	vld [tilespmem:s21+$0x9710]  }
0x7c: {  	v9 =	vld [tilespmem:s21+$0x96C0]  }
0x7d: {  	v8 =	vld [tilespmem:s21+$0x96D0]  }
0x7e: {  	v11 =	vld [tilespmem:s21+$0x9680]  }
0x7f: {  	v10 =	vld [tilespmem:s21+$0x9690]  }
0x80: {  	v17 =	vld [tilespmem:s21+$0x9640]  }
0x81: {  	v16 =	vld [tilespmem:s21+$0x9650]  }
0x82: {  	v19 =	vld [tilespmem:s21+$0x9600]  }
0x83: {  	v14 =	vimm.f32 $0.0e+00;
	v20 =	vld [tilespmem:s21+$0x9610]  }
0x84: {  	v15 =	vimm.f32 $0.0e+00;
	v13 =	vimm.f32 $0.0e+00;
	v12 =	vimm.f32 $0.0e+00;
	s22 =	simm.s32 $0x800;
	v18 =	vld [tilespmem:s21+$0x9620]  }
.LBB2_5:
0x85: {  	p0 =	sne.s32 s22, $0xC000;
	v21 =	vld [tilespmem:s21+$0x9630]  }
0x86: {  	v22 =	vld [tilespmem:s21+$0x9660]  }
0x87: {  	v23 =	vld [tilespmem:s21+$0x9670]  }
0x88: {  	v24 =	vld [tilespmem:s21+$0x96A0]  }
0x89: {  	v12 =	vadd.f32 v19, v12;
	v15 =	vadd.f32 v20, v15;
	v19 =	vld [tilespmem:s21+$0x96B0]  }
0x8a: {  	v14 =	vadd.f32 v18, v14;
	v13 =	vadd.f32 v21, v13;
	v18 =	vld [tilespmem:s21+$0x96E0]  }
0x8b: {  	v12 =	vadd.f32 v17, v12;
	v15 =	vadd.f32 v16, v15;
	v16 =	vld [tilespmem:s21+$0x96F0]  }
0x8c: {  	v14 =	vadd.f32 v22, v14;
	v13 =	vadd.f32 v23, v13;
	v17 =	vld [tilespmem:s21+$0x9720]  }
0x8d: {  	v11 =	vadd.f32 v11, v12;
	v10 =	vadd.f32 v10, v15;
	v12 =	vld [tilespmem:s21+$0x9730]  }
0x8e: {  	v14 =	vadd.f32 v24, v14;
	v13 =	vadd.f32 v19, v13;
	v15 =	vld [tilespmem:s21+$0x9760]  }
0x8f: {  	v9 =	vadd.f32 v9, v11;
	v8 =	vadd.f32 v8, v10;
	v10 =	vld [tilespmem:s21+$0x9770]  }
0x90: {  	v11 =	vadd.f32 v18, v14;
	v13 =	vadd.f32 v16, v13;
	v14 =	vld [tilespmem:s21+$0x97A0]  }
0x91: {  	v6 =	vadd.f32 v6, v9;
	v7 =	vadd.f32 v7, v8;
	v8 =	vld [tilespmem:s21+$0x97B0]  }
0x92: {  	v9 =	vadd.f32 v17, v11;
	v11 =	vadd.f32 v12, v13;
	v13 =	vld [tilespmem:s21+$0x97E0]  }
0x93: {  	v4 =	vadd.f32 v4, v6;
	v5 =	vadd.f32 v5, v7;
	v6 =	vld [tilespmem:s21+$0x97F0];
	s21 =	sshra.s32 s22, $0x2  }
0x94: {  	v9 =	vadd.f32 v15, v9;
	v7 =	vld [tilespmem:s21+$0x97C0];
	v10 =	vadd.f32 v10, v11  }
0x95: {  	v4 =	vadd.f32 v2, v4;
	v5 =	vadd.f32 v3, v5;
	v11 =	vld [tilespmem:s21+$0x97D0]  }
0x96: {  	v9 =	vadd.f32 v14, v9;
	v2 =	vld [tilespmem:s21+$0x9780];
	v8 =	vadd.f32 v8, v10  }
0x97: {  	v12 =	vadd.f32 v0, v4;
	v15 =	vadd.f32 v1, v5;
	v3 =	vld [tilespmem:s21+$0x9790]  }
0x98: {  	v14 =	vadd.f32 v13, v9;
	v4 =	vld [tilespmem:s21+$0x9740];
	v13 =	vadd.f32 v6, v8  }
0x99: {  	v5 =	vld [tilespmem:s21+$0x9750];
	v0 =	vmov v7  }
0x9a: {  	v6 =	vld [tilespmem:s21+$0x9700];
	v1 =	vmov v11  }
0x9b: {  	v7 =	vld [tilespmem:s21+$0x9710]  }
0x9c: {  	v9 =	vld [tilespmem:s21+$0x96C0]  }
0x9d: {  	v8 =	vld [tilespmem:s21+$0x96D0]  }
0x9e: {  	v11 =	vld [tilespmem:s21+$0x9680]  }
0x9f: {  	v10 =	vld [tilespmem:s21+$0x9690]  }
.Ltmp1:
0xa0: {  	v17 =	vld [tilespmem:s21+$0x9640];
	(pc) =	sbr.rel @p0 .LBB2_5-.Ltmp1, $4  }
0xa1: {  	v16 =	vld [tilespmem:s21+$0x9650]  }
0xa2: {  	v19 =	vld [tilespmem:s21+$0x9600]  }
0xa3: {  	v20 =	vld [tilespmem:s21+$0x9610]  }
0xa4: {  	s22 =	sadd.s32 $0x800, s22;
	v18 =	vld [tilespmem:s21+$0x9620]  }
0xa5: {  	v21 =	vld [tilespmem:s21+$0x9630]  }
0xa6: {  	v22 =	vld [tilespmem:s21+$0x9660]  }
0xa7: {  	v23 =	vld [tilespmem:s21+$0x9670];
	v12 =	vadd.f32 v19, v12  }
0xa8: {  	v43 =	vld [tilespmem:s21+$0x96A0];
	v15 =	vadd.f32 v20, v15  }
0xa9: {  	v44 =	vld [tilespmem:s21+$0x96B0];
	v14 =	vadd.f32 v18, v14;
	v12 =	vadd.f32 v17, v12  }
0xaa: {  	v45 =	vld [tilespmem:s21+$0x96E0];
	v13 =	vadd.f32 v21, v13;
	v15 =	vadd.f32 v16, v15  }
0xab: {  	v46 =	vld [tilespmem:s21+$0x96F0];
	v14 =	vadd.f32 v22, v14;
	v11 =	vadd.f32 v11, v12  }
0xac: {  	v48 =	vld [tilespmem:s21+$0x9720];
	v47 =	vadd.f32 v23, v13;
	v10 =	vadd.f32 v10, v15  }
0xad: {  	v49 =	vld [tilespmem:s21+$0x9730];
	v14 =	vadd.f32 v43, v14;
	v9 =	vadd.f32 v9, v11  }
0xae: {  	v51 =	vld [tilespmem:s21+$0x9760];
	v50 =	vadd.f32 v44, v47;
	v8 =	vadd.f32 v8, v10  }
0xaf: {  	v52 =	vld [tilespmem:s21+$0x9770];
	v14 =	vadd.f32 v45, v14;
	v6 =	vadd.f32 v6, v9  }
0xb0: {  	v54 =	vld [tilespmem:s21+$0x97A0];
	v53 =	vadd.f32 v46, v50;
	v7 =	vadd.f32 v7, v8  }
0xb1: {  	v55 =	vld [tilespmem:s21+$0x97B0];
	v13 =	vadd.f32 v48, v14;
	v4 =	vadd.f32 v4, v6  }
0xb2: {  	v57 =	vld [tilespmem:s21+$0x97E0];
	v56 =	vadd.f32 v49, v53;
	v5 =	vadd.f32 v5, v7  }
0xb3: {  	v58 =	vld [tilespmem:s21+$0x97F0];
	v12 =	vadd.f32 v51, v13;
	v2 =	vadd.f32 v2, v4  }
0xb4: {  	v59 =	vadd.f32 v52, v56;
	v3 =	vadd.f32 v3, v5  }
0xb5: {  	v60 =	vadd.f32 v54, v12;
	v0 =	vadd.f32 v0, v2  }
0xb6: {  	v61 =	vadd.f32 v55, v59;
	v1 =	vadd.f32 v1, v3  }
0xb7: {  	s20 =	sadd.s32 s5, s20;
	v62 =	vadd.f32 v57, v60;
	[tilespmem:$0xC800] =	vst v0  }
0xb8: {  	s19 =	sadd.s32 $0x1, s19;
	s20 =	sshll.u32 s20, $0x3;
	v63 =	vadd.f32 v58, v61;
	[tilespmem:$0xC810] =	vst v1  }
0xb9: {  	p0 =	sne.s32 s19, $0x40;
	s20 =	sand.u32 $0x1FFFFFF8, s20;
	[tilespmem:$0xC820] =	vst v62  }
.Ltmp2:
0xba: {  	s20 =	sadd.s32 s4, s20;
	[tilespmem:$0xC830] =	vst v63;
	(pc) =	sbr.rel @p0 .LBB2_2-.Ltmp2, $4  }
0xbb: {  	[hbm4b:s20+s2] =	stream.linear.scatter [tilespmem:s16], [sflag:$0x3], $0x40, $0x38;
	[tilespmem:$0xC840] =	vst v63  }
0xbc: {  	_ =	swait.ge [sflag:s8], $0x40  }
0xbd: {  	[sflag:s8] =	ssyncset.done $0x0  }
0xbe: {  	[sflag:s8] =	ssyncadd.s32 $0xFFFFFFC0  }
0xbf: {  	s18 =	sadd.s32 $0x1, s18  }
0xc0: {  	p0 =	sne.s32 s18, s7  }
.Ltmp3:
0xc1: {  	_ = 	snop;
	(pc) =	sbr.rel @p0 .LBB2_1-.Ltmp3, $1  }
0xc2: {  	_ =	sdelay $0x3  }
0xc3: {  	_ =	sfence.sel $0x180000  }
0xc4: {  	[bflag:$0x0] =	sbarrier.arrive $0xFFFF  }
0xc5: {  	p0 =	sne.s32 s0, $0x0;
	_ =	strace $0x90000047  }
0xc6: {  	s0 =	sadd.s32 @!p0 $0x100000, s1;
	[bflag:$0x2] =	sbarrier.arrive $0xFFFF  }
0xc7: {  	[sflag:s0] =	ssyncadd.tile.s32 @!p0 $0x1;
	_ =	shalt  }
.Lfunc_end2:
_tile_overlayer_lowered:
.L_overlay_start_2:
0xc8: {  	(tag) =	ssettag $0x2  }
0xc9: {  	s0 =	rddreg [dreg:$0x0];
	s2 =	stileid.u32  }
0xca: {  	s1 =	rddreg [dreg:$0x1];
	p0 =	sne.s32 s2, $0x0  }
0xcb: {  	s3 =	rddreg [dreg:$0x2];
	[bflag:$0x3] =	sbarrier.arrive $0xFFFF;
	s2 =	simm.s32 @!p0 $0x1C03  }
0xcc: {  	[timem:s3], [sflag:s2] =	dma.local @!p0 [hbm:s0], s1  }
0xcd: {  	s0 =	simm.s32 @!p0 $0x3  }
0xce: {  	_ =	swait.ge @!p0 [sflag:s0], s1  }
0xcf: {  	s1 =	ssub.s32 @!p0 $0x0, s1;
	[sflag:s0] =	ssyncset.done @!p0 $0x0  }
0xd0: {  	[sflag:s0] =	ssyncadd.s32 @!p0 s1  }
0xd1: {  	[bflag:$0x3] =	sbarrier.arrive $0xFFFF  }
0xd2: {  	_ =	shalt  }

// kernel: kernel.9.cloned.1.call-start
scs
__scs_entry_jumppad:
0x0: {  	(pc) =	sbr.rel $0x88, $3  }
0x1: {  	(tag) =	ssettag $0x0;
	lr =	simm.s32 $0x1  }
0x2: {  	[smem:$0x3F97] =	sst lr;
	_ =	strace $0xD0000000  }
0x3: {  	_ = 	snop  }
0x4: {  	_ = 	snop  }
0x5: {  	_ = 	snop  }
0x6: {  	_ = 	snop  }
0x7: {  	_ = 	snop  }
__scs_overlays_trampoline_lowered:
0x8: {  	[smem:$0x3FA6] =	sst s0  }
0x9: {  	[smem:$0x3FA7] =	sst s1  }
0xa: {  	[smem:$0x3FA8] =	sst s2  }
0xb: {  	[smem:$0x3FA9] =	sst s3  }
0xc: {  	[smem:$0x3FAA] =	sst s4  }
0xd: {  	[smem:$0x3FAB] =	sst s5  }
0xe: {  	[smem:$0x3FAC] =	sst s6  }
0xf: {  	[smem:$0x3FAD] =	sst s7  }
0x10: {  	[smem:$0x3FAE] =	sst s8  }
0x11: {  	[smem:$0x3FAF] =	sst s9;
	s0 =	simm.s32 @!p0 $0x0  }
0x12: {  	s1 =	sld [smem:$0x3F95];
	s0 =	simm.s32 @p0 $0x1  }
0x13: {  	[smem:$0x3FB0] =	sst s0;
	s0 =	simm.s32 @!p1 $0x0  }
0x14: {  	s2 =	sld [smem:$0x3F94];
	s0 =	simm.s32 @p1 $0x1  }
0x15: {  	[smem:$0x3FB1] =	sst s0;
	s0 =	simm.s32 @!p2 $0x0  }
0x16: {  	s3 =	sld [smem:$0x3FDB];
	s0 =	simm.s32 @p2 $0x1  }
0x17: {  	s4 =	simm.s32 $0x1BF5;
	[smem:$0x3FB3] =	sst s0  }
0x18: {  	s0 =	sld [smem:$0x3F96];
	_ =	swait.ge [sflag:s4], $0x0  }
0x19: {  	s7 =	sld [smem:$0x3F97]  }
0x1a: {  	s8 =	sadd.s32 $0xFFFFE003, lr  }
0x1b: {  	s9 =	sadd.s32 $0xFFFFFEF7, lr;
	s5 =	simm.s32 $0xFFFFFFFF;
	p2 =	slt.u32 s8, $0xFFFFF086  }
0x1c: {  	p1 =	slt.u32 s9, $0xF7A;
	s5 =	simm.s32 @!p2 $0x0  }
0x1d: {  	s5 =	simm.s32 @p1 $0x1;
	p0 =	seq.s32 s7, s2  }
0x1e: {  	s7 =	smul.u32 @!p0 $0xF7A, s2;
	p2 =	seq.s32 @!p0 s5, $0x0  }
0x1f: {  	s9 =	smul.u32 $0xF7A, s1;
	s8 =	simm.s32 @!p0 $0x1BF5;
	p2 =	por !p2, p0  }
0x20: {  	[sflag:s8] =	ssyncset.s32 @!p0 $0xFFFFF086;
	s6 =	sadd.s32 @!p0 s3, s7;
	s7 =	simm.s32 @!p0 $0x108  }
0x21: {  	s3 =	sadd.s32 s3, s9;
	s6 =	sadd.s32 @!p0 $0x88, s6;
	s7 =	simm.s32 @p2 $0x1082  }
0x22: {  	[simem:s7], [sflag:s8] =	dma.local @!p0 [hbm:s6], $0xF7A  }
0x23: {  	s9 =	sor.u32 $0xD0000000, s2;
	s6 =	simm.s32 $0x108;
	_ =	swait.ge @!p0 [sflag:s8], $0x0  }
0x24: {  	s3 =	sadd.s32 $0x88, s3;
	s6 =	simm.s32 @!p1 $0x1082;
	[sflag:s4] =	ssyncset.s32 $0xFFFFF086  }
0x25: {  	[simem:s6], [sflag:s4] =	dma.local [hbm:s3], $0xF7A  }
0x26: {  	[smem:$0x3F97] =	sst s1;
	(tag) =	ssettag s2;
	_ =	strace s9  }
0x27: {  	s1 =	sld [smem:$0x3FA7]  }
0x28: {  	s2 =	sld [smem:$0x3FA8]  }
0x29: {  	s4 =	sld [smem:$0x3FAA]  }
0x2a: {  	p0 =	seq.s32 s5, $0x0;
	s5 =	sld [smem:$0x3FAB]  }
0x2b: {  	s6 =	sld [smem:$0x3FAC]  }
0x2c: {  	s7 =	sld [smem:$0x3FAD]  }
0x2d: {  	s3 =	simm.s32 $0x108;
	s8 =	sld [smem:$0x3FAE]  }
0x2e: {  	s3 =	simm.s32 @!p0 $0x1082;
	s9 =	sld [smem:$0x3FAF]  }
0x2f: {  	lr =	sadd.s32 s0, s3;
	s0 =	sld [smem:$0x3FA6]  }
0x30: {  	s3 =	sld [smem:$0x3FA9]  }
0x31: {  	[smem:$0x3FB2] =	sst s10  }
0x32: {  	s10 =	sld [smem:$0x3FB0];
	_ =	sdelay $0x3  }
0x33: {  	p0 =	seq.s32 s10, $0x1;
	s10 =	sld [smem:$0x3FB2];
	_ =	sdelay $0x3  }
0x34: {  	[smem:$0x3FB2] =	sst s10  }
0x35: {  	s10 =	sld [smem:$0x3FB1];
	_ =	sdelay $0x3  }
0x36: {  	p1 =	seq.s32 s10, $0x1;
	s10 =	sld [smem:$0x3FB2];
	_ =	sdelay $0x3  }
0x37: {  	[smem:$0x3FB2] =	sst s10  }
0x38: {  	s10 =	sld [smem:$0x3FB3]  }
0x39: {  	_ = 	snop;
	(pc) =	sbr.ind lr, $3  }
0x3a: {  	_ = 	snop  }
0x3b: {  	_ = 	snop  }
0x3c: {  	p2 =	seq.s32 s10, $0x1;
	s10 =	sld [smem:$0x3FB2]  }
0x3d: {  	_ =	shalt  }
0x3e: {  	_ =	shalt  }
0x3f: {  	_ =	shalt  }
0x40: {  	_ =	shalt  }
0x41: {  	_ =	shalt  }
0x42: {  	_ =	shalt  }
0x43: {  	_ =	shalt  }
0x44: {  	_ =	shalt  }
0x45: {  	_ =	shalt  }
0x46: {  	_ =	shalt  }
0x47: {  	_ =	shalt  }
0x48: {  	_ =	shalt  }
0x49: {  	_ =	shalt  }
0x4a: {  	_ =	shalt  }
0x4b: {  	_ =	shalt  }
0x4c: {  	_ =	shalt  }
0x4d: {  	_ =	shalt  }
0x4e: {  	_ =	shalt  }
0x4f: {  	_ =	shalt  }
0x50: {  	_ =	shalt  }
0x51: {  	_ =	shalt  }
0x52: {  	_ =	shalt  }
0x53: {  	_ =	shalt  }
0x54: {  	_ =	shalt  }
0x55: {  	_ =	shalt  }
0x56: {  	_ =	shalt  }
0x57: {  	_ =	shalt  }
0x58: {  	_ =	shalt  }
0x59: {  	_ =	shalt  }
0x5a: {  	_ =	shalt  }
0x5b: {  	_ =	shalt  }
0x5c: {  	_ =	shalt  }
0x5d: {  	_ =	shalt  }
0x5e: {  	_ =	shalt  }
0x5f: {  	_ =	shalt  }
0x60: {  	_ =	shalt  }
0x61: {  	_ =	shalt  }
0x62: {  	_ =	shalt  }
0x63: {  	_ =	shalt  }
0x64: {  	_ =	shalt  }
0x65: {  	_ =	shalt  }
0x66: {  	_ =	shalt  }
0x67: {  	_ =	shalt  }
0x68: {  	_ =	shalt  }
0x69: {  	_ =	shalt  }
0x6a: {  	_ =	shalt  }
0x6b: {  	_ =	shalt  }
0x6c: {  	_ =	shalt  }
0x6d: {  	_ =	shalt  }
0x6e: {  	_ =	shalt  }
0x6f: {  	_ =	shalt  }
0x70: {  	_ =	shalt  }
0x71: {  	_ =	shalt  }
0x72: {  	_ =	shalt  }
0x73: {  	_ =	shalt  }
0x74: {  	_ =	shalt  }
0x75: {  	_ =	shalt  }
0x76: {  	_ =	shalt  }
0x77: {  	_ =	shalt  }
0x78: {  	_ =	shalt  }
0x79: {  	_ =	shalt  }
0x7a: {  	_ =	shalt  }
0x7b: {  	_ =	shalt  }
0x7c: {  	_ =	shalt  }
0x7d: {  	_ =	shalt  }
0x7e: {  	_ =	shalt  }
0x7f: {  	_ =	shalt  }
0x80: {  	_ =	shalt  }
0x81: {  	_ =	shalt  }
0x82: {  	_ =	shalt  }
0x83: {  	_ =	shalt  }
0x84: {  	_ =	shalt  }
0x85: {  	_ =	shalt  }
0x86: {  	_ =	shalt  }
0x87: {  	_ =	shalt  }
.Lfunc_end0:
.L_simem_size_0:
called_computation.1_lowered:
.L_overlay_start_0:
0x88: {  	s2 =	sld [smem:$0x3FD9]  }
0x89: {  	s3 =	sld [smem:$0x3FFE];
	_ =	sdelay $0x1  }
0x8a: {  	s1 =	srdreg.scid  }
0x8b: {  	s0 =	sand.u32 $0x1, s1  }
0x8c: {  	s17 =	sshll.u32 s0, $0xA;
	s2 =	sadd.s32 s3, s2  }
0x8d: {  	s2 =	sadd.s32 s2, s17  }
0x8e: {  	[smem:$0x3FBE] =	sst s2  }
0x8f: {  	_ = 	snop  }
0x90: {  	(tm) =	ssettm $0x1  }
0x91: {  	s18 =	sld [smem:$0x3FFB];
	_ =	sdelay $0x3  }
0x92: {  	_ =	strace s18  }
0x93: {  	s2 =	sld [smem:$0x3FFC];
	_ =	sdelay $0x3  }
0x94: {  	_ =	strace s2  }
0x95: {  	s2 =	sld [smem:$0x3FFD];
	_ =	sdelay $0x3  }
0x96: {  	_ =	strace s2  }
0x97: {  	_ =	strace $0x8FFFFFFF  }
0x98: {  	s19 =	sld [smem:$0x3FDB];
	_ =	sdelay $0x1  }
0x99: {  	s20 =	simm.s32 $_scs_section_size  }
0x9a: {  	s4 =	simm.s32 $_size__tile_overlayer_lowered;
	s5 =	simm.s32 $_tile_overlayer_lowered  }
0x9b: {  	s6 =	simm.s32 $0x1BFF;
	s21 =	sshll.u32 s5, $0x1;
	s3 =	sadd.s32 s20, s19  }
0x9c: {  	s22 =	simm.s32 $0x0;
	s4 =	sshll.u32 s4, $0x1;
	s5 =	sadd.s32 s21, s3  }
0x9d: {  	[timem:s22], [sflag:s6] =	dma.local [hbm:s5], s4  }
0x9e: {  	_ =	swait.ge [sflag:s6], s4  }
0x9f: {  	s4 =	ssub.s32 $0x0, s4;
	[sflag:s6] =	ssyncset.done $0x0  }
0xa0: {  	[sflag:s6] =	ssyncadd.s32 s4;
	_ =	sdelay $0x1  }
0xa1: {  	s23 =	simm.s32 $0x1B8B  }
0xa2: {  	_ =	swait.ge [sflag:s23], $0x1  }
0xa3: {  	[sflag:s23] =	ssyncset.done $0x0  }
0xa4: {  	[sflag:s23] =	ssyncadd.s32 $0xFFFFFFFF  }
0xa5: {  	s4 =	sld [smem:$0x0]  }
0xa6: {  	s5 =	sand.u32 $0xFFFFFFFE, s1  }
0xa7: {  	p0 =	sne.s32 s1, s5  }
0xa8: {  	s5 =	sshll.u32 @p0 s5, $0xE  }
0xa9: {  	s5 =	sadd.s32 @p0 $0x11B8D, s5;
	s6 =	sshll.u32 @p0 s4, $0x11  }
0xaa: {  	s5 =	sor.u32 @p0 s6, s5  }
0xab: {  	[sflag:s5] =	ssyncadd.remote.s32 @p0 $0x1;
	_ =	sdelay $0x1  }
0xac: {  	s5 =	simm.s32 @p0 $0x1B8D  }
0xad: {  	_ =	swait.eq @p0 [sflag:s5], $0x1  }
0xae: {  	[sflag:s5] =	ssyncadd.s32 @p0 $0xFFFFFFFF  }
0xaf: {  	s6 =	sshll.u32 @!p0 s1, $0xE  }
0xb0: {  	s6 =	sor.u32 @!p0 $0x4000, s6;
	s5 =	simm.s32 @!p0 $0x1B8D  }
0xb1: {  	s4 =	sshll.u32 @!p0 s4, $0x11;
	s6 =	sadd.s32 @!p0 $0x11B8D, s6;
	_ =	swait.eq @!p0 [sflag:s5], $0x1  }
0xb2: {  	s4 =	sor.u32 @!p0 s4, s6;
	[sflag:s5] =	ssyncadd.s32 @!p0 $0xFFFFFFFF  }
0xb3: {  	s25 =	simm.s32 $0x1B8E;
	s24 =	sld [smem:$0x3FFE];
	[sflag:s4] =	ssyncadd.remote.s32 @!p0 $0x1  }
0xb4: {  	s26 =	simm.s32 $execute0_lowered;
	[smem:$0x3FD2] =	sst s25  }
0xb5: {  	s5 =	sshll.u32 s26, $0x1;
	_ =	strace $0x80000049;
	[dreg:$0x1] =	wrdreg $0xFFFFFFFF  }
0xb6: {  	s28 =	simm.s32 $_size_execute0_lowered;
	s3 =	sadd.s32 s3, s5;
	[dreg:$0x0] =	wrdreg $0x0  }
0xb7: {  	s5 =	sshll.u32 s28, $0x1;
	[dreg:$0x2] =	wrdreg s3  }
0xb8: {  	[dreg:$0x3] =	wrdreg s5  }
0xb9: {  	[dreg:$0x4] =	wrdreg $0xC0  }
0xba: {  	_ =	task [dreg:s22], $0x5FFFF  }
0xbb: {  	[dreg:$0x1] =	wrdreg $0xFFFFFFFF  }
0xbc: {  	[dreg:$0x0] =	wrdreg $0x60  }
0xbd: {  	[dreg:$0x2] =	wrdreg s24  }
0xbe: {  	[dreg:$0x3] =	wrdreg $0xA  }
0xbf: {  	_ =	task.clear_ibuf [dreg:s22], $0x4FFFF;
	_ =	strace $0x90000049  }
0xc0: {  	s29 =	simm.s32 $0xA;
	_ =	strace $0x8000004B  }
0xc1: {  	_ =	swait.ge [sflag:s29], $0x1  }
0xc2: {  	[sflag:s29] =	ssyncadd.s32 $0xFFFFFFFF  }
0xc3: {  	_ =	strace $0x9000004B  }
0xc4: {  	_ =	sfence  }
0xc5: {  	s30 =	sld [smem:$0x0];
	_ =	sdelay $0x2  }
0xc6: {  	s31 =	sshll.u32 s1, $0xD;
	s1 =	sshrl.u32 s1, $0x2  }
0xc7: {  	s4 =	sand.u32 $0x4000, s31;
	s1 =	sadd.s32 s1, s30  }
0xc8: {  	s0 =	sor.u32 s4, s0;
	s1 =	sshll.u32 s1, $0x11  }
0xc9: {  	s0 =	sor.u32 s1, s0  }
0xca: {  	s0 =	sadd.s32 $0x8F2B, s0  }
0xcb: {  	[sflag:s0] =	ssyncadd.remote.s32 $0x1  }
0xcc: {  	_ =	sfence.sel $0xFFFF  }
0xcd: {  	[dreg:$0x0] =	wrdreg $0xFFFFFFFF;
	(pc) =	sbr.abs _section_cstart, $3  }
0xce: {  	[dreg:$0x1] =	wrdreg $0xFFFFFFFF  }
0xcf: {  	_ =	task.clear_ibuf [dreg:s22], $0x2FFFF;
	_ =	strace $0x9FFFFFFF  }
0xd0: {  	(tm) =	ssettm $0x7FFFFFFF  }
0xd1: {  	_ =	shalt  }
tec
execute0_lowered:
.L_overlay_start_1:
0x0: {  	(tag) =	ssettag $0x1  }
0x1: {  	s1 =	srdreg.scid  }
0x2: {  	s0 =	stileid.u32;
	s4 =	rddreg [dreg:$0x0];
	s2 =	simm.s32 $0x0  }
0x3: {  	s9 =	simm.s32 $0x80;
	s10 =	simm.s32 $0x6400;
	s11 =	simm.s32 $0x48  }
0x4: {  	s12 =	simm.s32 $0x8400;
	s13 =	simm.s32 $0x9600;
	s14 =	simm.s32 $0xB600  }
0x5: {  	s15 =	simm.s32 $0x1;
	s16 =	simm.s32 $0xC800;
	s17 =	simm.s32 $0x2  }
0x6: {  	s3 =	sand.u32 $0x1, s1;
	s31 =	sshll.u32 s0, $0x1;
	s1 =	rddreg [dreg:$0x1]  }
0x7: {  	s18 =	simm.s32 $0x0;
	[smem:$0x7FF] =	sst s2;
	s5 =	sor.u32 s3, s31  }
0x8: {  	_ =	strace $0x8000004A;
	s7 =	ssub.s32 $0x2, s3;
	s6 =	smul.u32 $0xC80, s5  }
0x9: {  	s3 =	sadd.s32 $0x22A00, s4;
	s8 =	sshrl.u32 s7, $0x1;
	s5 =	sshll.u32 s5, $0x7  }
0xa: {  	s7 =	ssub.s32 s7, s8;
	s8 =	simm.s32 $0x3;
	s6 =	sadd.s32 s6, s4  }
0xb: {  	s4 =	sadd.s32 $0x7DCC00, s4;
	s7 =	smax.u32 s7, $0x1;
	s6 =	sadd.s32 $0x7C3C00, s6  }
.LBB2_1:
0xc: {  	[tilespmem:s2], [sflag:$0x3] =	stream.linear.gather [hbm4b:s6+s2], $0x6400, $0x38;
	[tilespmem:$0xC840] =	vst v63  }
0xd: {  	_ =	swait.ge [sflag:s8], $0x6400  }
0xe: {  	[sflag:s8] =	ssyncset.done $0x0  }
0xf: {  	[sflag:s8] =	ssyncadd.s32 $0xFFFF9C00  }
0x10: {  	[tilespmem:s10], [sflag:$0x1] =	stream.indirect.gather [hbm4b:s3+s9], $0x40, s2, s9, $0xb8;
	[tilespmem:$0xC840] =	vst v63  }
0x11: {  	s19 =	simm.s32 $0x0  }
0x12: {  	[tilespmem:s12], [sflag:$0x1] =	stream.indirect.gather [hbm4b:s3+s11], $0x40, s9, s11, $0xb8;
	[tilespmem:$0xC840] =	vst v63  }
.LBB2_2:
0x13: {  	s20 =	sshllo.u32 s19, $0x1  }
0x14: {  	s21 =	smul.u32 $0x320, s20;
	_ =	sdelay $0x1  }
0x15: {  	s21 =	sshra.s32 s21, $0x2  }
0x16: {  	[tilespmem:s13], [sflag:$0x2] =	stream.indirect.gather [hbm4b:s3+s9], $0x40, s21, s9, $0xb8;
	[tilespmem:$0xC840] =	vst v63  }
0x17: {  	s21 =	sadd.s32 $0x80, s21  }
0x18: {  	[tilespmem:s14], [sflag:$0x2] =	stream.indirect.gather [hbm4b:s3+s11], $0x40, s21, s11, $0xb8;
	[tilespmem:$0xC840] =	vst v63  }
0x19: {  	_ =	swait.ge [sflag:s15], $0x2000  }
0x1a: {  	[sflag:s15] =	ssyncset.done $0x0  }
0x1b: {  	[sflag:s15] =	ssyncadd.s32 $0xFFFFE000  }
0x1c: {  	_ =	swait.ge [sflag:s15], $0x1200  }
0x1d: {  	[sflag:s15] =	ssyncset.done $0x0  }
0x1e: {  	s21 =	simm.s32 $0x0;
	[sflag:s15] =	ssyncadd.s32 $0xFFFFEE00  }
0x1f: {  	v0 =	vld [tilespmem:s21+$0x65C0]  }
0x20: {  	v1 =	vld [tilespmem:s21+$0x65D0]  }
0x21: {  	v2 =	vld [tilespmem:s21+$0x6580]  }
0x22: {  	v3 =	vld [tilespmem:s21+$0x6590]  }
0x23: {  	v4 =	vld [tilespmem:s21+$0x6540]  }
0x24: {  	v5 =	vld [tilespmem:s21+$0x6550]  }
0x25: {  	v6 =	vld [tilespmem:s21+$0x6500]  }
0x26: {  	v7 =	vld [tilespmem:s21+$0x6510]  }
0x27: {  	v9 =	vld [tilespmem:s21+$0x64C0]  }
0x28: {  	v8 =	vld [tilespmem:s21+$0x64D0]  }
0x29: {  	v11 =	vld [tilespmem:s21+$0x6480]  }
0x2a: {  	v10 =	vld [tilespmem:s21+$0x6490]  }
0x2b: {  	v17 =	vld [tilespmem:s21+$0x6440]  }
0x2c: {  	v16 =	vld [tilespmem:s21+$0x6450]  }
0x2d: {  	v18 =	vld [tilespmem:s21+$0x6400]  }
0x2e: {  	v12 =	vimm.f32 $0.0e+00;
	v20 =	vld [tilespmem:s21+$0x6410]  }
0x2f: {  	s22 =	sshll.u32 s19, $0x1;
	s23 =	simm.s32 $0x800;
	v15 =	vimm.f32 $0.0e+00;
	v14 =	vimm.f32 $0.0e+00;
	v13 =	vimm.f32 $0.0e+00;
	v19 =	vld [tilespmem:s21+$0x6420]  }
.LBB2_3:
0x30: {  	p0 =	sne.s32 s23, $0xC000;
	v21 =	vld [tilespmem:s21+$0x6430]  }
0x31: {  	v22 =	vld [tilespmem:s21+$0x6460]  }
0x32: {  	v23 =	vld [tilespmem:s21+$0x6470]  }
0x33: {  	v24 =	vld [tilespmem:s21+$0x64A0]  }
0x34: {  	v12 =	vadd.f32 v18, v12;
	v15 =	vadd.f32 v20, v15;
	v18 =	vld [tilespmem:s21+$0x64B0]  }
0x35: {  	v14 =	vadd.f32 v19, v14;
	v13 =	vadd.f32 v21, v13;
	v19 =	vld [tilespmem:s21+$0x64E0]  }
0x36: {  	v12 =	vadd.f32 v17, v12;
	v15 =	vadd.f32 v16, v15;
	v16 =	vld [tilespmem:s21+$0x64F0]  }
0x37: {  	v14 =	vadd.f32 v22, v14;
	v13 =	vadd.f32 v23, v13;
	v17 =	vld [tilespmem:s21+$0x6520]  }
0x38: {  	v11 =	vadd.f32 v11, v12;
	v10 =	vadd.f32 v10, v15;
	v12 =	vld [tilespmem:s21+$0x6530]  }
0x39: {  	v14 =	vadd.f32 v24, v14;
	v13 =	vadd.f32 v18, v13;
	v15 =	vld [tilespmem:s21+$0x6560]  }
0x3a: {  	v9 =	vadd.f32 v9, v11;
	v8 =	vadd.f32 v8, v10;
	v10 =	vld [tilespmem:s21+$0x6570]  }
0x3b: {  	v11 =	vadd.f32 v19, v14;
	v13 =	vadd.f32 v16, v13;
	v14 =	vld [tilespmem:s21+$0x65A0]  }
0x3c: {  	v6 =	vadd.f32 v6, v9;
	v7 =	vadd.f32 v7, v8;
	v8 =	vld [tilespmem:s21+$0x65B0]  }
0x3d: {  	v9 =	vadd.f32 v17, v11;
	v11 =	vadd.f32 v12, v13;
	v13 =	vld [tilespmem:s21+$0x65E0]  }
0x3e: {  	v4 =	vadd.f32 v4, v6;
	v5 =	vadd.f32 v5, v7;
	v6 =	vld [tilespmem:s21+$0x65F0];
	s21 =	sshra.s32 s23, $0x2  }
0x3f: {  	v9 =	vadd.f32 v15, v9;
	v7 =	vld [tilespmem:s21+$0x65C0];
	v10 =	vadd.f32 v10, v11  }
0x40: {  	v4 =	vadd.f32 v2, v4;
	v5 =	vadd.f32 v3, v5;
	v11 =	vld [tilespmem:s21+$0x65D0]  }
0x41: {  	v9 =	vadd.f32 v14, v9;
	v2 =	vld [tilespmem:s21+$0x6580];
	v8 =	vadd.f32 v8, v10  }
0x42: {  	v12 =	vadd.f32 v0, v4;
	v15 =	vadd.f32 v1, v5;
	v3 =	vld [tilespmem:s21+$0x6590]  }
0x43: {  	v14 =	vadd.f32 v13, v9;
	v4 =	vld [tilespmem:s21+$0x6540];
	v13 =	vadd.f32 v6, v8  }
0x44: {  	v5 =	vld [tilespmem:s21+$0x6550];
	v0 =	vmov v7  }
0x45: {  	v6 =	vld [tilespmem:s21+$0x6500];
	v1 =	vmov v11  }
0x46: {  	v7 =	vld [tilespmem:s21+$0x6510]  }
0x47: {  	v9 =	vld [tilespmem:s21+$0x64C0]  }
0x48: {  	v8 =	vld [tilespmem:s21+$0x64D0]  }
0x49: {  	v11 =	vld [tilespmem:s21+$0x6480]  }
0x4a: {  	v10 =	vld [tilespmem:s21+$0x6490]  }
.Ltmp0:
0x4b: {  	v17 =	vld [tilespmem:s21+$0x6440];
	(pc) =	sbr.rel @p0 .LBB2_3-.Ltmp0, $4  }
0x4c: {  	v16 =	vld [tilespmem:s21+$0x6450]  }
0x4d: {  	v18 =	vld [tilespmem:s21+$0x6400]  }
0x4e: {  	v20 =	vld [tilespmem:s21+$0x6410]  }
0x4f: {  	s23 =	sadd.s32 $0x800, s23;
	v19 =	vld [tilespmem:s21+$0x6420]  }
0x50: {  	v21 =	vld [tilespmem:s21+$0x6430]  }
0x51: {  	v22 =	vld [tilespmem:s21+$0x6460]  }
0x52: {  	v23 =	vld [tilespmem:s21+$0x6470];
	v12 =	vadd.f32 v18, v12  }
0x53: {  	v18 =	vld [tilespmem:s21+$0x64A0];
	v15 =	vadd.f32 v20, v15  }
0x54: {  	v20 =	vld [tilespmem:s21+$0x64B0];
	v14 =	vadd.f32 v19, v14;
	v12 =	vadd.f32 v17, v12  }
0x55: {  	v17 =	vld [tilespmem:s21+$0x64E0];
	v13 =	vadd.f32 v21, v13;
	v15 =	vadd.f32 v16, v15  }
0x56: {  	v16 =	vld [tilespmem:s21+$0x64F0];
	v14 =	vadd.f32 v22, v14;
	v11 =	vadd.f32 v11, v12  }
0x57: {  	v12 =	vadd.f32 v23, v13;
	v13 =	vld [tilespmem:s21+$0x6520];
	v10 =	vadd.f32 v10, v15  }
0x58: {  	v15 =	vld [tilespmem:s21+$0x6530];
	v14 =	vadd.f32 v18, v14;
	v9 =	vadd.f32 v9, v11  }
0x59: {  	v11 =	vadd.f32 v20, v12;
	v12 =	vld [tilespmem:s21+$0x6560];
	v8 =	vadd.f32 v8, v10  }
0x5a: {  	v10 =	vld [tilespmem:s21+$0x6570];
	v14 =	vadd.f32 v17, v14;
	v6 =	vadd.f32 v6, v9  }
0x5b: {  	v9 =	vadd.f32 v16, v11;
	v11 =	vld [tilespmem:s21+$0x65A0];
	v7 =	vadd.f32 v7, v8  }
0x5c: {  	v8 =	vld [tilespmem:s21+$0x65B0];
	v13 =	vadd.f32 v13, v14;
	v4 =	vadd.f32 v4, v6  }
0x5d: {  	v6 =	vadd.f32 v15, v9;
	v9 =	vld [tilespmem:s21+$0x65E0];
	v5 =	vadd.f32 v5, v7  }
0x5e: {  	v7 =	vld [tilespmem:s21+$0x65F0];
	v12 =	vadd.f32 v12, v13;
	v2 =	vadd.f32 v2, v4  }
0x5f: {  	v4 =	vadd.f32 v10, v6;
	v3 =	vadd.f32 v3, v5  }
0x60: {  	v5 =	vadd.f32 v11, v12;
	v0 =	vadd.f32 v0, v2  }
0x61: {  	v2 =	vadd.f32 v8, v4;
	v1 =	vadd.f32 v1, v3  }
0x62: {  	v3 =	vadd.f32 v9, v5;
	[tilespmem:$0xC800] =	vst v0  }
0x63: {  	s31 =	sadd.s32 s5, s22;
	v0 =	vadd.f32 v7, v2;
	[tilespmem:$0xC810] =	vst v1  }
0x64: {  	s21 =	sshll.u32 s31, $0x3;
	[tilespmem:$0xC820] =	vst v3  }
0x65: {  	p0 =	seq.s32 s19, $0x3F;
	s21 =	sadd.s32 s4, s21;
	[tilespmem:$0xC830] =	vst v0  }
0x66: {  	[hbm4b:s21+s2] =	stream.linear.scatter [tilespmem:s16], [sflag:$0x3], $0x40, $0x38;
	[tilespmem:$0xC840] =	vst v63  }
0x67: {  	s21 =	smul.u32 @!p0 $0x640, s19  }
0x68: {  	_ =	swait.ge [sflag:s8], $0x40  }
0x69: {  	s23 =	simm.s32 @!p0 $0x80;
	[sflag:s8] =	ssyncset.done $0x0;
	s21 =	sshra.s32 @!p0 s21, $0x2  }
0x6a: {  	s24 =	simm.s32 @!p0 $0x6400;
	[sflag:s8] =	ssyncadd.s32 $0xFFFFFFC0;
	s22 =	sadd.s32 @!p0 $0x190, s21  }
0x6b: {  	[tilespmem:s24], [sflag:$0x1] =	stream.indirect.gather @!p0 [hbm4b:s3+s23], $0x40, s22, s23, $0xb8;
	[tilespmem:$0xC840] =	vst v63  }
0x6c: {  	s21 =	sadd.s32 @!p0 $0x210, s21;
	s22 =	simm.s32 @!p0 $0x48;
	s23 =	simm.s32 @!p0 $0x8400  }
0x6d: {  	[tilespmem:s23], [sflag:$0x1] =	stream.indirect.gather @!p0 [hbm4b:s3+s22], $0x40, s21, s22, $0xb8;
	[tilespmem:$0xC840] =	vst v63  }
0x6e: {  	_ =	swait.ge [sflag:s17], $0x2000  }
0x6f: {  	[sflag:s17] =	ssyncset.done $0x0  }
0x70: {  	[sflag:s17] =	ssyncadd.s32 $0xFFFFE000  }
0x71: {  	_ =	swait.ge [sflag:s17], $0x1200  }
0x72: {  	[sflag:s17] =	ssyncset.done $0x0  }
0x73: {  	s21 =	simm.s32 $0x0;
	[sflag:s17] =	ssyncadd.s32 $0xFFFFEE00  }
0x74: {  	v0 =	vld [tilespmem:s21+$0x97C0]  }
0x75: {  	v1 =	vld [tilespmem:s21+$0x97D0]  }
0x76: {  	v2 =	vld [tilespmem:s21+$0x9780]  }
0x77: {  	v3 =	vld [tilespmem:s21+$0x9790]  }
0x78: {  	v4 =	vld [tilespmem:s21+$0x9740]  }
0x79: {  	v5 =	vld [tilespmem:s21+$0x9750]  }
0x7a: {  	v6 =	vld [tilespmem:s21+$0x9700]  }
0x7b: {  	v7 =	vld [tilespmem:s21+$0x9710]  }
0x7c: {  	v9 =	vld [tilespmem:s21+$0x96C0]  }
0x7d: {  	v8 =	vld [tilespmem:s21+$0x96D0]  }
0x7e: {  	v11 =	vld [tilespmem:s21+$0x9680]  }
0x7f: {  	v10 =	vld [tilespmem:s21+$0x9690]  }
0x80: {  	v17 =	vld [tilespmem:s21+$0x9640]  }
0x81: {  	v16 =	vld [tilespmem:s21+$0x9650]  }
0x82: {  	v19 =	vld [tilespmem:s21+$0x9600]  }
0x83: {  	v14 =	vimm.f32 $0.0e+00;
	v20 =	vld [tilespmem:s21+$0x9610]  }
0x84: {  	v15 =	vimm.f32 $0.0e+00;
	v13 =	vimm.f32 $0.0e+00;
	v12 =	vimm.f32 $0.0e+00;
	s22 =	simm.s32 $0x800;
	v18 =	vld [tilespmem:s21+$0x9620]  }
.LBB2_5:
0x85: {  	p0 =	sne.s32 s22, $0xC000;
	v21 =	vld [tilespmem:s21+$0x9630]  }
0x86: {  	v22 =	vld [tilespmem:s21+$0x9660]  }
0x87: {  	v23 =	vld [tilespmem:s21+$0x9670]  }
0x88: {  	v24 =	vld [tilespmem:s21+$0x96A0]  }
0x89: {  	v12 =	vadd.f32 v19, v12;
	v15 =	vadd.f32 v20, v15;
	v19 =	vld [tilespmem:s21+$0x96B0]  }
0x8a: {  	v14 =	vadd.f32 v18, v14;
	v13 =	vadd.f32 v21, v13;
	v18 =	vld [tilespmem:s21+$0x96E0]  }
0x8b: {  	v12 =	vadd.f32 v17, v12;
	v15 =	vadd.f32 v16, v15;
	v16 =	vld [tilespmem:s21+$0x96F0]  }
0x8c: {  	v14 =	vadd.f32 v22, v14;
	v13 =	vadd.f32 v23, v13;
	v17 =	vld [tilespmem:s21+$0x9720]  }
0x8d: {  	v11 =	vadd.f32 v11, v12;
	v10 =	vadd.f32 v10, v15;
	v12 =	vld [tilespmem:s21+$0x9730]  }
0x8e: {  	v14 =	vadd.f32 v24, v14;
	v13 =	vadd.f32 v19, v13;
	v15 =	vld [tilespmem:s21+$0x9760]  }
0x8f: {  	v9 =	vadd.f32 v9, v11;
	v8 =	vadd.f32 v8, v10;
	v10 =	vld [tilespmem:s21+$0x9770]  }
0x90: {  	v11 =	vadd.f32 v18, v14;
	v13 =	vadd.f32 v16, v13;
	v14 =	vld [tilespmem:s21+$0x97A0]  }
0x91: {  	v6 =	vadd.f32 v6, v9;
	v7 =	vadd.f32 v7, v8;
	v8 =	vld [tilespmem:s21+$0x97B0]  }
0x92: {  	v9 =	vadd.f32 v17, v11;
	v11 =	vadd.f32 v12, v13;
	v13 =	vld [tilespmem:s21+$0x97E0]  }
0x93: {  	v4 =	vadd.f32 v4, v6;
	v5 =	vadd.f32 v5, v7;
	v6 =	vld [tilespmem:s21+$0x97F0];
	s21 =	sshra.s32 s22, $0x2  }
0x94: {  	v9 =	vadd.f32 v15, v9;
	v7 =	vld [tilespmem:s21+$0x97C0];
	v10 =	vadd.f32 v10, v11  }
0x95: {  	v4 =	vadd.f32 v2, v4;
	v5 =	vadd.f32 v3, v5;
	v11 =	vld [tilespmem:s21+$0x97D0]  }
0x96: {  	v9 =	vadd.f32 v14, v9;
	v2 =	vld [tilespmem:s21+$0x9780];
	v8 =	vadd.f32 v8, v10  }
0x97: {  	v12 =	vadd.f32 v0, v4;
	v15 =	vadd.f32 v1, v5;
	v3 =	vld [tilespmem:s21+$0x9790]  }
0x98: {  	v14 =	vadd.f32 v13, v9;
	v4 =	vld [tilespmem:s21+$0x9740];
	v13 =	vadd.f32 v6, v8  }
0x99: {  	v5 =	vld [tilespmem:s21+$0x9750];
	v0 =	vmov v7  }
0x9a: {  	v6 =	vld [tilespmem:s21+$0x9700];
	v1 =	vmov v11  }
0x9b: {  	v7 =	vld [tilespmem:s21+$0x9710]  }
0x9c: {  	v9 =	vld [tilespmem:s21+$0x96C0]  }
0x9d: {  	v8 =	vld [tilespmem:s21+$0x96D0]  }
0x9e: {  	v11 =	vld [tilespmem:s21+$0x9680]  }
0x9f: {  	v10 =	vld [tilespmem:s21+$0x9690]  }
.Ltmp1:
0xa0: {  	v17 =	vld [tilespmem:s21+$0x9640];
	(pc) =	sbr.rel @p0 .LBB2_5-.Ltmp1, $4  }
0xa1: {  	v16 =	vld [tilespmem:s21+$0x9650]  }
0xa2: {  	v19 =	vld [tilespmem:s21+$0x9600]  }
0xa3: {  	v20 =	vld [tilespmem:s21+$0x9610]  }
0xa4: {  	s22 =	sadd.s32 $0x800, s22;
	v18 =	vld [tilespmem:s21+$0x9620]  }
0xa5: {  	v21 =	vld [tilespmem:s21+$0x9630]  }
0xa6: {  	v22 =	vld [tilespmem:s21+$0x9660]  }
0xa7: {  	v23 =	vld [tilespmem:s21+$0x9670];
	v12 =	vadd.f32 v19, v12  }
0xa8: {  	v43 =	vld [tilespmem:s21+$0x96A0];
	v15 =	vadd.f32 v20, v15  }
0xa9: {  	v44 =	vld [tilespmem:s21+$0x96B0];
	v14 =	vadd.f32 v18, v14;
	v12 =	vadd.f32 v17, v12  }
0xaa: {  	v45 =	vld [tilespmem:s21+$0x96E0];
	v13 =	vadd.f32 v21, v13;
	v15 =	vadd.f32 v16, v15  }
0xab: {  	v46 =	vld [tilespmem:s21+$0x96F0];
	v14 =	vadd.f32 v22, v14;
	v11 =	vadd.f32 v11, v12  }
0xac: {  	v48 =	vld [tilespmem:s21+$0x9720];
	v47 =	vadd.f32 v23, v13;
	v10 =	vadd.f32 v10, v15  }
0xad: {  	v49 =	vld [tilespmem:s21+$0x9730];
	v14 =	vadd.f32 v43, v14;
	v9 =	vadd.f32 v9, v11  }
0xae: {  	v51 =	vld [tilespmem:s21+$0x9760];
	v50 =	vadd.f32 v44, v47;
	v8 =	vadd.f32 v8, v10  }
0xaf: {  	v52 =	vld [tilespmem:s21+$0x9770];
	v14 =	vadd.f32 v45, v14;
	v6 =	vadd.f32 v6, v9  }
0xb0: {  	v54 =	vld [tilespmem:s21+$0x97A0];
	v53 =	vadd.f32 v46, v50;
	v7 =	vadd.f32 v7, v8  }
0xb1: {  	v55 =	vld [tilespmem:s21+$0x97B0];
	v13 =	vadd.f32 v48, v14;
	v4 =	vadd.f32 v4, v6  }
0xb2: {  	v57 =	vld [tilespmem:s21+$0x97E0];
	v56 =	vadd.f32 v49, v53;
	v5 =	vadd.f32 v5, v7  }
0xb3: {  	v58 =	vld [tilespmem:s21+$0x97F0];
	v12 =	vadd.f32 v51, v13;
	v2 =	vadd.f32 v2, v4  }
0xb4: {  	v59 =	vadd.f32 v52, v56;
	v3 =	vadd.f32 v3, v5  }
0xb5: {  	v60 =	vadd.f32 v54, v12;
	v0 =	vadd.f32 v0, v2  }
0xb6: {  	v61 =	vadd.f32 v55, v59;
	v1 =	vadd.f32 v1, v3  }
0xb7: {  	s20 =	sadd.s32 s5, s20;
	v62 =	vadd.f32 v57, v60;
	[tilespmem:$0xC800] =	vst v0  }
0xb8: {  	s19 =	sadd.s32 $0x1, s19;
	s20 =	sshll.u32 s20, $0x3;
	v63 =	vadd.f32 v58, v61;
	[tilespmem:$0xC810] =	vst v1  }
0xb9: {  	p0 =	sne.s32 s19, $0x40;
	s20 =	sand.u32 $0x1FFFFFF8, s20;
	[tilespmem:$0xC820] =	vst v62  }
.Ltmp2:
0xba: {  	s20 =	sadd.s32 s4, s20;
	[tilespmem:$0xC830] =	vst v63;
	(pc) =	sbr.rel @p0 .LBB2_2-.Ltmp2, $4  }
0xbb: {  	[hbm4b:s20+s2] =	stream.linear.scatter [tilespmem:s16], [sflag:$0x3], $0x40, $0x38;
	[tilespmem:$0xC840] =	vst v63  }
0xbc: {  	_ =	swait.ge [sflag:s8], $0x40  }
0xbd: {  	[sflag:s8] =	ssyncset.done $0x0  }
0xbe: {  	[sflag:s8] =	ssyncadd.s32 $0xFFFFFFC0  }
0xbf: {  	s18 =	sadd.s32 $0x1, s18  }
0xc0: {  	p0 =	sne.s32 s18, s7  }
.Ltmp3:
0xc1: {  	_ = 	snop;
	(pc) =	sbr.rel @p0 .LBB2_1-.Ltmp3, $1  }
0xc2: {  	_ =	sdelay $0x3  }
0xc3: {  	_ =	sfence.sel $0x180000  }
0xc4: {  	[bflag:$0x0] =	sbarrier.arrive $0xFFFF  }
0xc5: {  	p0 =	sne.s32 s0, $0x0;
	_ =	strace $0x9000004A  }
0xc6: {  	s0 =	sadd.s32 @!p0 $0x100000, s1;
	[bflag:$0x2] =	sbarrier.arrive $0xFFFF  }
0xc7: {  	[sflag:s0] =	ssyncadd.tile.s32 @!p0 $0x1;
	_ =	shalt  }
.Lfunc_end2:
_tile_overlayer_lowered:
.L_overlay_start_2:
0xc8: {  	(tag) =	ssettag $0x2  }
0xc9: {  	s0 =	rddreg [dreg:$0x0];
	s2 =	stileid.u32  }
0xca: {  	s1 =	rddreg [dreg:$0x1];
	p0 =	sne.s32 s2, $0x0  }
0xcb: {  	s3 =	rddreg [dreg:$0x2];
	[bflag:$0x3] =	sbarrier.arrive $0xFFFF;
	s2 =	simm.s32 @!p0 $0x1C03  }
0xcc: {  	[timem:s3], [sflag:s2] =	dma.local @!p0 [hbm:s0], s1  }
0xcd: {  	s0 =	simm.s32 @!p0 $0x3  }
0xce: {  	_ =	swait.ge @!p0 [sflag:s0], s1  }
0xcf: {  	s1 =	ssub.s32 @!p0 $0x0, s1;
	[sflag:s0] =	ssyncset.done @!p0 $0x0  }
0xd0: {  	[sflag:s0] =	ssyncadd.s32 @!p0 s1  }
0xd1: {  	[bflag:$0x3] =	sbarrier.arrive $0xFFFF  }
0xd2: {  	_ =	shalt  }

</sc_bundles>
